<compile_context>
chip_gen: v7x
topology: tpu7x:2x2x1
jax: 0.10.2.dev20260603
libtpu: 0.0.44.dev20260713+nightly
codegen_flags: <defaults>
</compile_context>

<pallas_src>
import functools

import jax
import jax.numpy as jnp
from jax import lax
from jax.experimental import pallas as pl
from jax.experimental.pallas import tpu as pltpu
from jax.experimental.pallas import tpu_sc as plsc

N = 10000
E = 320000
D = 128
K = 50
ALPHA = 0.1

NC = 2
NS = 16
NW = NC * NS
NP = 10240
RPT = NP // NS
CH = 64
EPT = 10240
NCHUNK = EPT // CH
EPAD = EPT * NW
RING = 5

_mesh = plsc.VectorSubcoreMesh(core_axis_name="c", subcore_axis_name="s")



@functools.partial(
    pl.kernel,
    out_type=jax.ShapeDtypeStruct((NC, NP, D), jnp.float32),
    mesh=_mesh,
    scratch_types=[
        pltpu.VMEM((RING, 2, CH), jnp.int32),
        [pltpu.VMEM((CH, D), jnp.float32) for _ in range(RING)],
        pltpu.VMEM_SHARED((NP, D), jnp.float32),
        [pltpu.SemaphoreType.DMA for _ in range(RING)],
        [pltpu.SemaphoreType.DMA for _ in range(RING)],
    ],
)
def _sc_round(g_hbm, idx_hbm, zero_hbm, out_hbm, idx_v, bufs, agg, sems, isems):
    c = lax.axis_index("c")
    s = lax.axis_index("s")
    wid = c * NS + s
    pltpu.sync_copy(zero_hbm.at[pl.ds(s * RPT, RPT)], agg.at[pl.ds(s * RPT, RPT)])
    plsc.subcore_barrier()

    for j in range(RING - 1):
        pltpu.sync_copy(idx_hbm.at[wid, j], idx_v.at[j])
        pltpu.async_copy(g_hbm.at[idx_v.at[j, 0]], bufs[j], sems[j])
    pltpu.async_copy(idx_hbm.at[wid, RING - 1], idx_v.at[RING - 1], isems[RING - 1])

    def step(i2, carry):
        for b in range(RING):
            i = i2 * RING + b
            j = i + RING - 1
            jb = (b + RING - 1) % RING

            @pl.when(j < NCHUNK)
            def _():
                pltpu.make_async_copy(
                    idx_hbm.at[wid, j], idx_v.at[jb], isems[jb]).wait()
                pltpu.async_copy(g_hbm.at[idx_v.at[jb, 0]], bufs[jb], sems[jb])

            pltpu.make_async_copy(g_hbm.at[idx_v.at[b, 0]], bufs[b], sems[b]).wait()
            pltpu.sync_copy(bufs[b], agg.at[idx_v.at[b, 1]], add=True)

            @pl.when(i + RING < NCHUNK)
            def _():
                pltpu.async_copy(idx_hbm.at[wid, i + RING], idx_v.at[b], isems[b])
        return carry

    lax.fori_loop(0, NCHUNK // RING, step, 0)
    plsc.subcore_barrier()
    pltpu.sync_copy(agg.at[pl.ds(s * RPT, RPT)], out_hbm.at[c, pl.ds(s * RPT, RPT)])


@functools.partial(
    pl.kernel,
    out_type=jax.ShapeDtypeStruct((NC, NP, D), jnp.float32),
    mesh=_mesh,
    scratch_types=[
        pltpu.VMEM((NCHUNK, CH), jnp.int32),
        pltpu.VMEM((CH, D), jnp.float32),
        pltpu.VMEM_SHARED((NP, D), jnp.float32),
    ],
)
def _sc_degree(ones_hbm, col_hbm, zero_hbm, out_hbm, col_v, buf, agg):
    c = lax.axis_index("c")
    s = lax.axis_index("s")
    wid = c * NS + s
    pltpu.sync_copy(zero_hbm.at[pl.ds(s * RPT, RPT)], agg.at[pl.ds(s * RPT, RPT)])
    pltpu.sync_copy(col_hbm.at[wid], col_v)
    pltpu.sync_copy(ones_hbm, buf)
    plsc.subcore_barrier()

    def step(i, carry):
        pltpu.sync_copy(buf, agg.at[col_v.at[i]], add=True)
        return carry

    lax.fori_loop(0, NCHUNK, step, 0)
    plsc.subcore_barrier()
    pltpu.sync_copy(agg.at[pl.ds(s * RPT, RPT)], out_hbm.at[c, pl.ds(s * RPT, RPT)])



BR = 400


def _linear_body(x_ref, w_ref, b_ref, o_ref):
    acc = jnp.dot(x_ref[...], w_ref[...], preferred_element_type=jnp.float32)
    o_ref[...] = jnp.maximum(acc + b_ref[...], 0.0)


_linear = pl.pallas_call(
    _linear_body,
    grid=(N // BR,),
    in_specs=[
        pl.BlockSpec((BR, D), lambda i: (i, 0)),
        pl.BlockSpec((D, D), lambda i: (0, 0)),
        pl.BlockSpec((1, D), lambda i: (0, 0)),
    ],
    out_specs=pl.BlockSpec((BR, D), lambda i: (i, 0)),
    out_shape=jax.ShapeDtypeStruct((N, D), jnp.float32),
)


def _prep_body(pdeg_ref, h0_ref, g0_ref, c2_ref):
    deg = pdeg_ref[0] + pdeg_ref[1] + 1.0
    c2 = 1.0 / deg
    c2_ref[...] = c2
    g0_ref[...] = h0_ref[...] * lax.rsqrt(deg)


_prep = pl.pallas_call(
    _prep_body,
    grid=(N // BR,),
    in_specs=[
        pl.BlockSpec((NC, BR, D), lambda i: (0, i, 0)),
        pl.BlockSpec((BR, D), lambda i: (i, 0)),
    ],
    out_specs=(
        pl.BlockSpec((BR, D), lambda i: (i, 0)),
        pl.BlockSpec((BR, D), lambda i: (i, 0)),
    ),
    out_shape=(
        jax.ShapeDtypeStruct((N, D), jnp.float32),
        jax.ShapeDtypeStruct((N, D), jnp.float32),
    ),
)


def _make_combine(final):
    def body(p_ref, g_ref, g0_ref, c2_ref, o_ref):
        c2 = c2_ref[...]
        s = p_ref[0] + p_ref[1] + g_ref[...]
        gn = (1.0 - ALPHA) * c2 * s + ALPHA * g0_ref[...]
        if final:
            gn = gn * lax.rsqrt(c2)
        o_ref[...] = gn

    return pl.pallas_call(
        body,
        grid=(N // BR,),
        in_specs=[
            pl.BlockSpec((NC, BR, D), lambda i: (0, i, 0)),
            pl.BlockSpec((BR, D), lambda i: (i, 0)),
            pl.BlockSpec((BR, D), lambda i: (i, 0)),
            pl.BlockSpec((BR, D), lambda i: (i, 0)),
        ],
        out_specs=pl.BlockSpec((BR, D), lambda i: (i, 0)),
        out_shape=jax.ShapeDtypeStruct((N, D), jnp.float32),
    )


_combine = _make_combine(False)
_combine_final = _make_combine(True)



def kernel(x, edge_index, W, b):
    row = edge_index[0]
    col = edge_index[1]
    pad = EPAD - E
    rowp = jnp.concatenate([row, jnp.zeros((pad,), jnp.int32)]).reshape(NW, NCHUNK, 1, CH)
    colp = jnp.concatenate([col, jnp.full((pad,), N, jnp.int32)]).reshape(NW, NCHUNK, 1, CH)
    idxp = jnp.concatenate([rowp, colp], axis=2)
    zeros_np = jnp.zeros((NP, D), jnp.float32)
    ones_ch = jnp.ones((CH, D), jnp.float32)

    h0 = _linear(x, W, b.reshape(1, D))
    pdeg = _sc_degree(ones_ch, colp.reshape(NW, NCHUNK, CH), zeros_np)
    g0, c2 = _prep(pdeg, h0)

    def body(_, g):
        p = _sc_round(g, idxp, zeros_np)
        return _combine(p, g, g0, c2)

    g = lax.fori_loop(0, K - 1, body, g0)
    p = _sc_round(g, idxp, zeros_np)
    return _combine_final(p, g, g0, c2)

# --- scband reference (transcript-rebuilt; emitter-appended) ---
"""Pipeline reference for scband-appnpmodel-8169027797596 (READ-ONLY COPY).

The authoritative reference and input builder live on the scoring server;
editing this copy changes nothing except your own understanding.
"""

import jax, jax.numpy as jnp
import numpy as np

N = 10000
E = 320000
D_IN = 128
D_OUT = 128
K = 50
ALPHA = 0.1


def setup_inputs(seed: int = 0) -> dict:
    key = jax.random.key(seed)
    k1, k2, k3, k4 = jax.random.split(key, 4)
    x = jax.random.normal(k1, (N, D_IN), dtype=jnp.float32)
    edge_index = jax.random.randint(k2, (2, E), 0, N, dtype=jnp.int32)
    # Linear layer parameters (PyG Linear: weight [out, in], bias [out]) -> store transposed for matmul
    W = jax.random.normal(k3, (D_IN, D_OUT), dtype=jnp.float32) * (1.0 / np.sqrt(D_IN))
    b = jax.random.normal(k4, (D_OUT,), dtype=jnp.float32) * 0.01
    return {"x": x, "edge_index": edge_index, "W": W, "b": b}


def reference(x, edge_index, W, b):
    # lin + relu (dropout is identity in eval mode)
    h0 = jnp.maximum(x @ W + b, 0.0)

    # GCN normalization with self loops (APPNP defaults: add_self_loops=True, normalize=True)
    row = edge_index[0]
    col = edge_index[1]
    loop = jnp.arange(N, dtype=edge_index.dtype)
    row = jnp.concatenate([row, loop])
    col = jnp.concatenate([col, loop])
    deg = jnp.zeros((N,), dtype=jnp.float32).at[col].add(1.0)
    dinv = jnp.where(deg > 0, 1.0 / jnp.sqrt(deg), 0.0)
    norm = dinv[row] * dinv[col]

    # K rounds of personalized PageRank propagation
    h = h0
    for _ in range(K):
        msg = h[row] * norm[:, None]
        agg = jnp.zeros_like(h).at[col].add(msg)
        h = (1.0 - ALPHA) * agg + ALPHA * h0
    return h

if __name__ == "__main__":
    import jax
    _d = setup_inputs()
    print(jax.jit(kernel)(*tuple(_d.values())))

</pallas_src>

<mosaic_0001>
#map = affine_map<(d0, d1) -> (0, 0)>
#map1 = affine_map<(d0, d1) -> (0, 0, 0)>
module attributes {stable_mosaic.version = 14 : i64} {
  func.func @_sc_degree(%arg0: i32, %arg1: i32, %arg2: memref<64x128xf32, #tpu.memory_space<hbm>>, %arg3: memref<32x160x64xi32, #tpu.memory_space<hbm>>, %arg4: memref<10240x128xf32, #tpu.memory_space<hbm>>, %arg5: memref<2x10240x128xf32, #tpu.memory_space<hbm>>, %arg6: memref<160x64xi32, #tpu.memory_space<vmem>>, %arg7: memref<64x128xf32, #tpu.memory_space<vmem>>, %arg8: memref<10240x128xf32, #tpu.memory_space<vmem_shared>>) attributes {dimension_semantics = [#tpu.dimension_semantics<core_parallel>, #tpu.dimension_semantics<subcore_parallel>], iteration_bounds = array<i64: 2, 16>, scalar_prefetch = 0 : i64, scratch_operands = 3 : i64, tpu.core_type = #tpu.core_type<sc_vector_subcore>, window_params = [{transform_indices = #map}, {transform_indices = #map1}, {transform_indices = #map}, {transform_indices = #map1}]} {
    %mul3A = arith.constant 16 : i32
    %mul3A_0 = arith.muli %arg0, %mul3A : i32
    %add3A = arith.addi %mul3A_0, %arg1 : i32
    %mul3A_1 = arith.constant 640 : i32
    %mul3A_2 = arith.muli %arg1, %mul3A_1 : i32
    %mul3A_3 = arith.constant 640 : i32
    %mul3A_4 = arith.muli %arg1, %mul3A_3 : i32
    "tpu.region"() ({
      %run_scoped3A = tpu.sem_alloc : memref<!tpu.dma_semaphore, #tpu.memory_space<semaphore_mem>>
      %dma_start3A = arith.constant 0 : i32
      %dma_start3A_15 = tpu.memref_slice %arg8[%mul3A_4, %dma_start3A] : memref<10240x128xf32, #tpu.memory_space<vmem_shared>> -> memref<640x128xf32, #tpu.memory_space<vmem_shared>>
      %dma_start3A_16 = arith.constant 0 : i32
      %dma_start3A_17 = tpu.memref_slice %arg4[%mul3A_2, %dma_start3A_16] : memref<10240x128xf32, #tpu.memory_space<hbm>> -> memref<640x128xf32, #tpu.memory_space<hbm>>
      tpu.enqueue_dma source(%dma_start3A_17 : memref<640x128xf32, #tpu.memory_space<hbm>>) target(%dma_start3A_15 : memref<640x128xf32, #tpu.memory_space<vmem_shared>>) target_semaphore(%run_scoped3A : memref<!tpu.dma_semaphore, #tpu.memory_space<semaphore_mem>>)
      %dma_wait3A = arith.constant 0 : i32
      %dma_wait3A_18 = tpu.memref_slice %arg8[%mul3A_4, %dma_wait3A] : memref<10240x128xf32, #tpu.memory_space<vmem_shared>> -> memref<640x128xf32, #tpu.memory_space<vmem_shared>>
      %dma_wait3A_19 = arith.constant 0 : i32
      %dma_wait3A_20 = tpu.memref_slice %arg4[%mul3A_2, %dma_wait3A_19] : memref<10240x128xf32, #tpu.memory_space<hbm>> -> memref<640x128xf32, #tpu.memory_space<hbm>>
      tpu.wait_dma2 semaphore(%run_scoped3A : memref<!tpu.dma_semaphore, #tpu.memory_space<semaphore_mem>>) src(%dma_wait3A_20 : memref<640x128xf32, #tpu.memory_space<hbm>>) dst(%dma_wait3A_18 : memref<640x128xf32, #tpu.memory_space<vmem_shared>>)
      tpu.yield
    }) : () -> ()
    "tpu.region"() ({
      %run_scoped3A = tpu.sem_alloc : memref<!tpu.dma_semaphore, #tpu.memory_space<semaphore_mem>>
      %dma_start3A = arith.constant 0 : i32
      %dma_start3A_15 = arith.constant 0 : i32
      %dma_start3A_16 = tpu.memref_slice %arg3[%add3A, %dma_start3A, %dma_start3A_15] : memref<32x160x64xi32, #tpu.memory_space<hbm>> -> memref<1x160x64xi32, #tpu.memory_space<hbm>>
      %dma_start3A_17 = tpu.memref_squeeze %dma_start3A_16 : memref<1x160x64xi32, #tpu.memory_space<hbm>> -> memref<160x64xi32, #tpu.memory_space<hbm>>
      %dma_start3A_18 = arith.constant 0 : i32
      %dma_start3A_19 = arith.constant 0 : i32
      %dma_start3A_20 = tpu.memref_slice %arg3[%add3A, %dma_start3A_18, %dma_start3A_19] : memref<32x160x64xi32, #tpu.memory_space<hbm>> -> memref<1x160x64xi32, #tpu.memory_space<hbm>>
      %dma_start3A_21 = tpu.memref_squeeze %dma_start3A_20 : memref<1x160x64xi32, #tpu.memory_space<hbm>> -> memref<160x64xi32, #tpu.memory_space<hbm>>
      tpu.enqueue_dma source(%dma_start3A_21 : memref<160x64xi32, #tpu.memory_space<hbm>>) target(%arg6 : memref<160x64xi32, #tpu.memory_space<vmem>>) target_semaphore(%run_scoped3A : memref<!tpu.dma_semaphore, #tpu.memory_space<semaphore_mem>>)
      %dma_wait3A = arith.constant 0 : i32
      %dma_wait3A_22 = arith.constant 0 : i32
      %dma_wait3A_23 = tpu.memref_slice %arg3[%add3A, %dma_wait3A, %dma_wait3A_22] : memref<32x160x64xi32, #tpu.memory_space<hbm>> -> memref<1x160x64xi32, #tpu.memory_space<hbm>>
      %dma_wait3A_24 = tpu.memref_squeeze %dma_wait3A_23 : memref<1x160x64xi32, #tpu.memory_space<hbm>> -> memref<160x64xi32, #tpu.memory_space<hbm>>
      %dma_wait3A_25 = arith.constant 0 : i32
      %dma_wait3A_26 = arith.constant 0 : i32
      %dma_wait3A_27 = tpu.memref_slice %arg3[%add3A, %dma_wait3A_25, %dma_wait3A_26] : memref<32x160x64xi32, #tpu.memory_space<hbm>> -> memref<1x160x64xi32, #tpu.memory_space<hbm>>
      %dma_wait3A_28 = tpu.memref_squeeze %dma_wait3A_27 : memref<1x160x64xi32, #tpu.memory_space<hbm>> -> memref<160x64xi32, #tpu.memory_space<hbm>>
      tpu.wait_dma2 semaphore(%run_scoped3A : memref<!tpu.dma_semaphore, #tpu.memory_space<semaphore_mem>>) src(%dma_wait3A_28 : memref<160x64xi32, #tpu.memory_space<hbm>>) dst(%arg6 : memref<160x64xi32, #tpu.memory_space<vmem>>)
      tpu.yield
    }) : () -> ()
    "tpu.region"() ({
      %run_scoped3A = tpu.sem_alloc : memref<!tpu.dma_semaphore, #tpu.memory_space<semaphore_mem>>
      tpu.enqueue_dma source(%arg2 : memref<64x128xf32, #tpu.memory_space<hbm>>) target(%arg7 : memref<64x128xf32, #tpu.memory_space<vmem>>) target_semaphore(%run_scoped3A : memref<!tpu.dma_semaphore, #tpu.memory_space<semaphore_mem>>)
      tpu.wait_dma2 semaphore(%run_scoped3A : memref<!tpu.dma_semaphore, #tpu.memory_space<semaphore_mem>>) src(%arg2 : memref<64x128xf32, #tpu.memory_space<hbm>>) dst(%arg7 : memref<64x128xf32, #tpu.memory_space<vmem>>)
      tpu.yield
    }) : () -> ()
    %barrier3A = arith.constant 0 : index
    tpu.barrier barrier_id(%barrier3A)
    %scan3A = arith.constant 0 : i32
    %scan3A_5 = arith.constant 0 : i32
    %scan3A_6 = arith.constant 160 : i32
    %scan3A_7 = arith.addi %scan3A_5, %scan3A_6 : i32
    %scan3A_8 = arith.constant 1 : i32
    scf.for %scan3A_15 = %scan3A_5 to %scan3A_7 step %scan3A_8  : i32 {
      "tpu.region"() ({
        %run_scoped3A = tpu.sem_alloc : memref<!tpu.dma_semaphore, #tpu.memory_space<semaphore_mem>>
        %dma_start3A = arith.constant 0 : i32
        %dma_start3A_16 = tpu.memref_slice %arg6[%scan3A_15, %dma_start3A] : memref<160x64xi32, #tpu.memory_space<vmem>> -> memref<1x64xi32, #tpu.memory_space<vmem>>
        %dma_start3A_17 = tpu.memref_squeeze %dma_start3A_16 : memref<1x64xi32, #tpu.memory_space<vmem>> -> memref<64xi32, #tpu.memory_space<vmem>>
        %dma_start3A_18 = arith.constant 0 : i32
        %dma_start3A_19 = arith.constant 0 : i32
        %dma_start3A_20 = tpu.memref_slice %arg8[%dma_start3A_18, %dma_start3A_19] : memref<10240x128xf32, #tpu.memory_space<vmem_shared>> -> memref<10240x128xf32, #tpu.memory_space<vmem_shared>>
        tpu.enqueue_indirect_dma source(%arg7 : memref<64x128xf32, #tpu.memory_space<vmem>>) target(%dma_start3A_20 : memref<10240x128xf32, #tpu.memory_space<vmem_shared>>) offsets(%dma_start3A_17 : memref<64xi32, #tpu.memory_space<vmem>>) semaphore(%run_scoped3A : memref<!tpu.dma_semaphore, #tpu.memory_space<semaphore_mem>>) {add = true}
        %dma_wait3A = arith.constant 0 : i32
        %dma_wait3A_21 = tpu.memref_slice %arg6[%scan3A_15, %dma_wait3A] : memref<160x64xi32, #tpu.memory_space<vmem>> -> memref<1x64xi32, #tpu.memory_space<vmem>>
        %dma_wait3A_22 = tpu.memref_squeeze %dma_wait3A_21 : memref<1x64xi32, #tpu.memory_space<vmem>> -> memref<64xi32, #tpu.memory_space<vmem>>
        %dma_wait3A_23 = arith.constant 0 : i32
        %dma_wait3A_24 = arith.constant 0 : i32
        %dma_wait3A_25 = tpu.memref_slice %arg8[%dma_wait3A_23, %dma_wait3A_24] : memref<10240x128xf32, #tpu.memory_space<vmem_shared>> -> memref<10240x128xf32, #tpu.memory_space<vmem_shared>>
        tpu.wait_indirect_dma semaphore(%run_scoped3A : memref<!tpu.dma_semaphore, #tpu.memory_space<semaphore_mem>>) src(%arg7 : memref<64x128xf32, #tpu.memory_space<vmem>>) dst(%dma_wait3A_25 : memref<10240x128xf32, #tpu.memory_space<vmem_shared>>)
        tpu.yield
      }) : () -> ()
    }
    %scan3A_9 = arith.constant 160 : i32
    %barrier3A_10 = arith.constant 0 : index
    tpu.barrier barrier_id(%barrier3A_10)
    %mul3A_11 = arith.constant 640 : i32
    %mul3A_12 = arith.muli %arg1, %mul3A_11 : i32
    %mul3A_13 = arith.constant 640 : i32
    %mul3A_14 = arith.muli %arg1, %mul3A_13 : i32
    "tpu.region"() ({
      %run_scoped3A = tpu.sem_alloc : memref<!tpu.dma_semaphore, #tpu.memory_space<semaphore_mem>>
      %dma_start3A = arith.constant 0 : i32
      %dma_start3A_15 = tpu.memref_slice %arg5[%arg0, %mul3A_14, %dma_start3A] : memref<2x10240x128xf32, #tpu.memory_space<hbm>> -> memref<1x640x128xf32, #tpu.memory_space<hbm>>
      %dma_start3A_16 = tpu.memref_squeeze %dma_start3A_15 : memref<1x640x128xf32, #tpu.memory_space<hbm>> -> memref<640x128xf32, #tpu.memory_space<hbm>>
      %dma_start3A_17 = arith.constant 0 : i32
      %dma_start3A_18 = tpu.memref_slice %arg8[%mul3A_12, %dma_start3A_17] : memref<10240x128xf32, #tpu.memory_space<vmem_shared>> -> memref<640x128xf32, #tpu.memory_space<vmem_shared>>
      tpu.enqueue_dma source(%dma_start3A_18 : memref<640x128xf32, #tpu.memory_space<vmem_shared>>) target(%dma_start3A_16 : memref<640x128xf32, #tpu.memory_space<hbm>>) target_semaphore(%run_scoped3A : memref<!tpu.dma_semaphore, #tpu.memory_space<semaphore_mem>>)
      %dma_wait3A = arith.constant 0 : i32
      %dma_wait3A_19 = tpu.memref_slice %arg5[%arg0, %mul3A_14, %dma_wait3A] : memref<2x10240x128xf32, #tpu.memory_space<hbm>> -> memref<1x640x128xf32, #tpu.memory_space<hbm>>
      %dma_wait3A_20 = tpu.memref_squeeze %dma_wait3A_19 : memref<1x640x128xf32, #tpu.memory_space<hbm>> -> memref<640x128xf32, #tpu.memory_space<hbm>>
      %dma_wait3A_21 = arith.constant 0 : i32
      %dma_wait3A_22 = tpu.memref_slice %arg8[%mul3A_12, %dma_wait3A_21] : memref<10240x128xf32, #tpu.memory_space<vmem_shared>> -> memref<640x128xf32, #tpu.memory_space<vmem_shared>>
      tpu.wait_dma2 semaphore(%run_scoped3A : memref<!tpu.dma_semaphore, #tpu.memory_space<semaphore_mem>>) src(%dma_wait3A_22 : memref<640x128xf32, #tpu.memory_space<vmem_shared>>) dst(%dma_wait3A_20 : memref<640x128xf32, #tpu.memory_space<hbm>>)
      tpu.yield
    }) : () -> ()
    return
  }
}

#map = affine_map<(d0, d1) -> (0, 0)>
#map1 = affine_map<(d0, d1) -> (0, 0, 0, 0)>
#map2 = affine_map<(d0, d1) -> (0, 0, 0)>
module attributes {stable_mosaic.version = 14 : i64} {
  func.func @_sc_round(%arg0: i32, %arg1: i32, %arg2: memref<10000x128xf32, #tpu.memory_space<hbm>>, %arg3: memref<32x160x2x64xi32, #tpu.memory_space<hbm>>, %arg4: memref<10240x128xf32, #tpu.memory_space<hbm>>, %arg5: memref<2x10240x128xf32, #tpu.memory_space<hbm>>, %arg6: memref<5x2x64xi32, #tpu.memory_space<vmem>>, %arg7: memref<64x128xf32, #tpu.memory_space<vmem>>, %arg8: memref<64x128xf32, #tpu.memory_space<vmem>>, %arg9: memref<64x128xf32, #tpu.memory_space<vmem>>, %arg10: memref<64x128xf32, #tpu.memory_space<vmem>>, %arg11: memref<64x128xf32, #tpu.memory_space<vmem>>, %arg12: memref<10240x128xf32, #tpu.memory_space<vmem_shared>>, %arg13: memref<!tpu.dma_semaphore, #tpu.memory_space<semaphore_mem>>, %arg14: memref<!tpu.dma_semaphore, #tpu.memory_space<semaphore_mem>>, %arg15: memref<!tpu.dma_semaphore, #tpu.memory_space<semaphore_mem>>, %arg16: memref<!tpu.dma_semaphore, #tpu.memory_space<semaphore_mem>>, %arg17: memref<!tpu.dma_semaphore, #tpu.memory_space<semaphore_mem>>, %arg18: memref<!tpu.dma_semaphore, #tpu.memory_space<semaphore_mem>>, %arg19: memref<!tpu.dma_semaphore, #tpu.memory_space<semaphore_mem>>, %arg20: memref<!tpu.dma_semaphore, #tpu.memory_space<semaphore_mem>>, %arg21: memref<!tpu.dma_semaphore, #tpu.memory_space<semaphore_mem>>, %arg22: memref<!tpu.dma_semaphore, #tpu.memory_space<semaphore_mem>>) attributes {dimension_semantics = [#tpu.dimension_semantics<core_parallel>, #tpu.dimension_semantics<subcore_parallel>], iteration_bounds = array<i64: 2, 16>, scalar_prefetch = 0 : i64, scratch_operands = 17 : i64, tpu.core_type = #tpu.core_type<sc_vector_subcore>, window_params = [{transform_indices = #map}, {transform_indices = #map1}, {transform_indices = #map}, {transform_indices = #map2}]} {
    %mul3A = arith.constant 16 : i32
    %mul3A_0 = arith.muli %arg0, %mul3A : i32
    %add3A = arith.addi %mul3A_0, %arg1 : i32
    %mul3A_1 = arith.constant 640 : i32
    %mul3A_2 = arith.muli %arg1, %mul3A_1 : i32
    %mul3A_3 = arith.constant 640 : i32
    %mul3A_4 = arith.muli %arg1, %mul3A_3 : i32
    "tpu.region"() ({
      %run_scoped3A_71 = tpu.sem_alloc : memref<!tpu.dma_semaphore, #tpu.memory_space<semaphore_mem>>
      %dma_start3A_72 = arith.constant 0 : i32
      %dma_start3A_73 = tpu.memref_slice %arg12[%mul3A_4, %dma_start3A_72] : memref<10240x128xf32, #tpu.memory_space<vmem_shared>> -> memref<640x128xf32, #tpu.memory_space<vmem_shared>>
      %dma_start3A_74 = arith.constant 0 : i32
      %dma_start3A_75 = tpu.memref_slice %arg4[%mul3A_2, %dma_start3A_74] : memref<10240x128xf32, #tpu.memory_space<hbm>> -> memref<640x128xf32, #tpu.memory_space<hbm>>
      tpu.enqueue_dma source(%dma_start3A_75 : memref<640x128xf32, #tpu.memory_space<hbm>>) target(%dma_start3A_73 : memref<640x128xf32, #tpu.memory_space<vmem_shared>>) target_semaphore(%run_scoped3A_71 : memref<!tpu.dma_semaphore, #tpu.memory_space<semaphore_mem>>)
      %dma_wait3A = arith.constant 0 : i32
      %dma_wait3A_76 = tpu.memref_slice %arg12[%mul3A_4, %dma_wait3A] : memref<10240x128xf32, #tpu.memory_space<vmem_shared>> -> memref<640x128xf32, #tpu.memory_space<vmem_shared>>
      %dma_wait3A_77 = arith.constant 0 : i32
      %dma_wait3A_78 = tpu.memref_slice %arg4[%mul3A_2, %dma_wait3A_77] : memref<10240x128xf32, #tpu.memory_space<hbm>> -> memref<640x128xf32, #tpu.memory_space<hbm>>
      tpu.wait_dma2 semaphore(%run_scoped3A_71 : memref<!tpu.dma_semaphore, #tpu.memory_space<semaphore_mem>>) src(%dma_wait3A_78 : memref<640x128xf32, #tpu.memory_space<hbm>>) dst(%dma_wait3A_76 : memref<640x128xf32, #tpu.memory_space<vmem_shared>>)
      tpu.yield
    }) : () -> ()
    %barrier3A = arith.constant 0 : index
    tpu.barrier barrier_id(%barrier3A)
    %run_scoped3A = arith.constant 0 : i32
    %run_scoped3A_5 = arith.constant 0 : i32
    "tpu.region"() ({
      %run_scoped3A_71 = tpu.sem_alloc : memref<!tpu.dma_semaphore, #tpu.memory_space<semaphore_mem>>
      %dma_start3A_72 = arith.constant 0 : i32
      %dma_start3A_73 = arith.constant 0 : i32
      %dma_start3A_74 = tpu.memref_slice %arg6[%run_scoped3A_5, %dma_start3A_72, %dma_start3A_73] : memref<5x2x64xi32, #tpu.memory_space<vmem>> -> memref<1x2x64xi32, #tpu.memory_space<vmem>>
      %dma_start3A_75 = tpu.memref_squeeze %dma_start3A_74 : memref<1x2x64xi32, #tpu.memory_space<vmem>> -> memref<2x64xi32, #tpu.memory_space<vmem>>
      %dma_start3A_76 = arith.constant 0 : i32
      %dma_start3A_77 = arith.constant 0 : i32
      %dma_start3A_78 = tpu.memref_slice %arg3[%add3A, %run_scoped3A, %dma_start3A_76, %dma_start3A_77] : memref<32x160x2x64xi32, #tpu.memory_space<hbm>> -> memref<1x1x2x64xi32, #tpu.memory_space<hbm>>
      %dma_start3A_79 = tpu.memref_squeeze %dma_start3A_78 : memref<1x1x2x64xi32, #tpu.memory_space<hbm>> -> memref<2x64xi32, #tpu.memory_space<hbm>>
      %dma_start3A_80 = arith.constant 0 : i32
      %dma_start3A_81 = arith.constant 0 : i32
      %dma_start3A_82 = tpu.memref_slice %arg6[%run_scoped3A_5, %dma_start3A_80, %dma_start3A_81] : memref<5x2x64xi32, #tpu.memory_space<vmem>> -> memref<1x2x64xi32, #tpu.memory_space<vmem>>
      %dma_start3A_83 = tpu.memref_squeeze %dma_start3A_82 : memref<1x2x64xi32, #tpu.memory_space<vmem>> -> memref<2x64xi32, #tpu.memory_space<vmem>>
      %dma_start3A_84 = arith.constant 0 : i32
      %dma_start3A_85 = arith.constant 0 : i32
      %dma_start3A_86 = tpu.memref_slice %arg3[%add3A, %run_scoped3A, %dma_start3A_84, %dma_start3A_85] : memref<32x160x2x64xi32, #tpu.memory_space<hbm>> -> memref<1x1x2x64xi32, #tpu.memory_space<hbm>>
      %dma_start3A_87 = tpu.memref_squeeze %dma_start3A_86 : memref<1x1x2x64xi32, #tpu.memory_space<hbm>> -> memref<2x64xi32, #tpu.memory_space<hbm>>
      tpu.enqueue_dma source(%dma_start3A_87 : memref<2x64xi32, #tpu.memory_space<hbm>>) target(%dma_start3A_83 : memref<2x64xi32, #tpu.memory_space<vmem>>) target_semaphore(%run_scoped3A_71 : memref<!tpu.dma_semaphore, #tpu.memory_space<semaphore_mem>>)
      %dma_wait3A = arith.constant 0 : i32
      %dma_wait3A_88 = arith.constant 0 : i32
      %dma_wait3A_89 = tpu.memref_slice %arg6[%run_scoped3A_5, %dma_wait3A, %dma_wait3A_88] : memref<5x2x64xi32, #tpu.memory_space<vmem>> -> memref<1x2x64xi32, #tpu.memory_space<vmem>>
      %dma_wait3A_90 = tpu.memref_squeeze %dma_wait3A_89 : memref<1x2x64xi32, #tpu.memory_space<vmem>> -> memref<2x64xi32, #tpu.memory_space<vmem>>
      %dma_wait3A_91 = arith.constant 0 : i32
      %dma_wait3A_92 = arith.constant 0 : i32
      %dma_wait3A_93 = tpu.memref_slice %arg3[%add3A, %run_scoped3A, %dma_wait3A_91, %dma_wait3A_92] : memref<32x160x2x64xi32, #tpu.memory_space<hbm>> -> memref<1x1x2x64xi32, #tpu.memory_space<hbm>>
      %dma_wait3A_94 = tpu.memref_squeeze %dma_wait3A_93 : memref<1x1x2x64xi32, #tpu.memory_space<hbm>> -> memref<2x64xi32, #tpu.memory_space<hbm>>
      %dma_wait3A_95 = arith.constant 0 : i32
      %dma_wait3A_96 = arith.constant 0 : i32
      %dma_wait3A_97 = tpu.memref_slice %arg6[%run_scoped3A_5, %dma_wait3A_95, %dma_wait3A_96] : memref<5x2x64xi32, #tpu.memory_space<vmem>> -> memref<1x2x64xi32, #tpu.memory_space<vmem>>
      %dma_wait3A_98 = tpu.memref_squeeze %dma_wait3A_97 : memref<1x2x64xi32, #tpu.memory_space<vmem>> -> memref<2x64xi32, #tpu.memory_space<vmem>>
      %dma_wait3A_99 = arith.constant 0 : i32
      %dma_wait3A_100 = arith.constant 0 : i32
      %dma_wait3A_101 = tpu.memref_slice %arg3[%add3A, %run_scoped3A, %dma_wait3A_99, %dma_wait3A_100] : memref<32x160x2x64xi32, #tpu.memory_space<hbm>> -> memref<1x1x2x64xi32, #tpu.memory_space<hbm>>
      %dma_wait3A_102 = tpu.memref_squeeze %dma_wait3A_101 : memref<1x1x2x64xi32, #tpu.memory_space<hbm>> -> memref<2x64xi32, #tpu.memory_space<hbm>>
      tpu.wait_dma2 semaphore(%run_scoped3A_71 : memref<!tpu.dma_semaphore, #tpu.memory_space<semaphore_mem>>) src(%dma_wait3A_102 : memref<2x64xi32, #tpu.memory_space<hbm>>) dst(%dma_wait3A_98 : memref<2x64xi32, #tpu.memory_space<vmem>>)
      tpu.yield
    }) : () -> ()
    %dma_start3A = arith.constant 0 : i32
    %dma_start3A_6 = arith.constant 0 : i32
    %dma_start3A_7 = arith.constant 0 : i32
    %dma_start3A_8 = tpu.memref_slice %arg6[%dma_start3A, %dma_start3A_6, %dma_start3A_7] : memref<5x2x64xi32, #tpu.memory_space<vmem>> -> memref<1x1x64xi32, #tpu.memory_space<vmem>>
    %dma_start3A_9 = tpu.memref_squeeze %dma_start3A_8 : memref<1x1x64xi32, #tpu.memory_space<vmem>> -> memref<64xi32, #tpu.memory_space<vmem>>
    %dma_start3A_10 = arith.constant 0 : i32
    %dma_start3A_11 = arith.constant 0 : i32
    %dma_start3A_12 = tpu.memref_slice %arg2[%dma_start3A_10, %dma_start3A_11] : memref<10000x128xf32, #tpu.memory_space<hbm>> -> memref<10000x128xf32, #tpu.memory_space<hbm>>
    tpu.enqueue_indirect_dma source(%dma_start3A_12 : memref<10000x128xf32, #tpu.memory_space<hbm>>) target(%arg7 : memref<64x128xf32, #tpu.memory_space<vmem>>) offsets(%dma_start3A_9 : memref<64xi32, #tpu.memory_space<vmem>>) semaphore(%arg13 : memref<!tpu.dma_semaphore, #tpu.memory_space<semaphore_mem>>)
    %run_scoped3A_13 = arith.constant 1 : i32
    %run_scoped3A_14 = arith.constant 1 : i32
    "tpu.region"() ({
      %run_scoped3A_71 = tpu.sem_alloc : memref<!tpu.dma_semaphore, #tpu.memory_space<semaphore_mem>>
      %dma_start3A_72 = arith.constant 0 : i32
      %dma_start3A_73 = arith.constant 0 : i32
      %dma_start3A_74 = tpu.memref_slice %arg6[%run_scoped3A_14, %dma_start3A_72, %dma_start3A_73] : memref<5x2x64xi32, #tpu.memory_space<vmem>> -> memref<1x2x64xi32, #tpu.memory_space<vmem>>
      %dma_start3A_75 = tpu.memref_squeeze %dma_start3A_74 : memref<1x2x64xi32, #tpu.memory_space<vmem>> -> memref<2x64xi32, #tpu.memory_space<vmem>>
      %dma_start3A_76 = arith.constant 0 : i32
      %dma_start3A_77 = arith.constant 0 : i32
      %dma_start3A_78 = tpu.memref_slice %arg3[%add3A, %run_scoped3A_13, %dma_start3A_76, %dma_start3A_77] : memref<32x160x2x64xi32, #tpu.memory_space<hbm>> -> memref<1x1x2x64xi32, #tpu.memory_space<hbm>>
      %dma_start3A_79 = tpu.memref_squeeze %dma_start3A_78 : memref<1x1x2x64xi32, #tpu.memory_space<hbm>> -> memref<2x64xi32, #tpu.memory_space<hbm>>
      %dma_start3A_80 = arith.constant 0 : i32
      %dma_start3A_81 = arith.constant 0 : i32
      %dma_start3A_82 = tpu.memref_slice %arg6[%run_scoped3A_14, %dma_start3A_80, %dma_start3A_81] : memref<5x2x64xi32, #tpu.memory_space<vmem>> -> memref<1x2x64xi32, #tpu.memory_space<vmem>>
      %dma_start3A_83 = tpu.memref_squeeze %dma_start3A_82 : memref<1x2x64xi32, #tpu.memory_space<vmem>> -> memref<2x64xi32, #tpu.memory_space<vmem>>
      %dma_start3A_84 = arith.constant 0 : i32
      %dma_start3A_85 = arith.constant 0 : i32
      %dma_start3A_86 = tpu.memref_slice %arg3[%add3A, %run_scoped3A_13, %dma_start3A_84, %dma_start3A_85] : memref<32x160x2x64xi32, #tpu.memory_space<hbm>> -> memref<1x1x2x64xi32, #tpu.memory_space<hbm>>
      %dma_start3A_87 = tpu.memref_squeeze %dma_start3A_86 : memref<1x1x2x64xi32, #tpu.memory_space<hbm>> -> memref<2x64xi32, #tpu.memory_space<hbm>>
      tpu.enqueue_dma source(%dma_start3A_87 : memref<2x64xi32, #tpu.memory_space<hbm>>) target(%dma_start3A_83 : memref<2x64xi32, #tpu.memory_space<vmem>>) target_semaphore(%run_scoped3A_71 : memref<!tpu.dma_semaphore, #tpu.memory_space<semaphore_mem>>)
      %dma_wait3A = arith.constant 0 : i32
      %dma_wait3A_88 = arith.constant 0 : i32
      %dma_wait3A_89 = tpu.memref_slice %arg6[%run_scoped3A_14, %dma_wait3A, %dma_wait3A_88] : memref<5x2x64xi32, #tpu.memory_space<vmem>> -> memref<1x2x64xi32, #tpu.memory_space<vmem>>
      %dma_wait3A_90 = tpu.memref_squeeze %dma_wait3A_89 : memref<1x2x64xi32, #tpu.memory_space<vmem>> -> memref<2x64xi32, #tpu.memory_space<vmem>>
      %dma_wait3A_91 = arith.constant 0 : i32
      %dma_wait3A_92 = arith.constant 0 : i32
      %dma_wait3A_93 = tpu.memref_slice %arg3[%add3A, %run_scoped3A_13, %dma_wait3A_91, %dma_wait3A_92] : memref<32x160x2x64xi32, #tpu.memory_space<hbm>> -> memref<1x1x2x64xi32, #tpu.memory_space<hbm>>
      %dma_wait3A_94 = tpu.memref_squeeze %dma_wait3A_93 : memref<1x1x2x64xi32, #tpu.memory_space<hbm>> -> memref<2x64xi32, #tpu.memory_space<hbm>>
      %dma_wait3A_95 = arith.constant 0 : i32
      %dma_wait3A_96 = arith.constant 0 : i32
      %dma_wait3A_97 = tpu.memref_slice %arg6[%run_scoped3A_14, %dma_wait3A_95, %dma_wait3A_96] : memref<5x2x64xi32, #tpu.memory_space<vmem>> -> memref<1x2x64xi32, #tpu.memory_space<vmem>>
      %dma_wait3A_98 = tpu.memref_squeeze %dma_wait3A_97 : memref<1x2x64xi32, #tpu.memory_space<vmem>> -> memref<2x64xi32, #tpu.memory_space<vmem>>
      %dma_wait3A_99 = arith.constant 0 : i32
      %dma_wait3A_100 = arith.constant 0 : i32
      %dma_wait3A_101 = tpu.memref_slice %arg3[%add3A, %run_scoped3A_13, %dma_wait3A_99, %dma_wait3A_100] : memref<32x160x2x64xi32, #tpu.memory_space<hbm>> -> memref<1x1x2x64xi32, #tpu.memory_space<hbm>>
      %dma_wait3A_102 = tpu.memref_squeeze %dma_wait3A_101 : memref<1x1x2x64xi32, #tpu.memory_space<hbm>> -> memref<2x64xi32, #tpu.memory_space<hbm>>
      tpu.wait_dma2 semaphore(%run_scoped3A_71 : memref<!tpu.dma_semaphore, #tpu.memory_space<semaphore_mem>>) src(%dma_wait3A_102 : memref<2x64xi32, #tpu.memory_space<hbm>>) dst(%dma_wait3A_98 : memref<2x64xi32, #tpu.memory_space<vmem>>)
      tpu.yield
    }) : () -> ()
    %dma_start3A_15 = arith.constant 1 : i32
    %dma_start3A_16 = arith.constant 0 : i32
    %dma_start3A_17 = arith.constant 0 : i32
    %dma_start3A_18 = tpu.memref_slice %arg6[%dma_start3A_15, %dma_start3A_16, %dma_start3A_17] : memref<5x2x64xi32, #tpu.memory_space<vmem>> -> memref<1x1x64xi32, #tpu.memory_space<vmem>>
    %dma_start3A_19 = tpu.memref_squeeze %dma_start3A_18 : memref<1x1x64xi32, #tpu.memory_space<vmem>> -> memref<64xi32, #tpu.memory_space<vmem>>
    %dma_start3A_20 = arith.constant 0 : i32
    %dma_start3A_21 = arith.constant 0 : i32
    %dma_start3A_22 = tpu.memref_slice %arg2[%dma_start3A_20, %dma_start3A_21] : memref<10000x128xf32, #tpu.memory_space<hbm>> -> memref<10000x128xf32, #tpu.memory_space<hbm>>
    tpu.enqueue_indirect_dma source(%dma_start3A_22 : memref<10000x128xf32, #tpu.memory_space<hbm>>) target(%arg8 : memref<64x128xf32, #tpu.memory_space<vmem>>) offsets(%dma_start3A_19 : memref<64xi32, #tpu.memory_space<vmem>>) semaphore(%arg14 : memref<!tpu.dma_semaphore, #tpu.memory_space<semaphore_mem>>)
    %run_scoped3A_23 = arith.constant 2 : i32
    %run_scoped3A_24 = arith.constant 2 : i32
    "tpu.region"() ({
      %run_scoped3A_71 = tpu.sem_alloc : memref<!tpu.dma_semaphore, #tpu.memory_space<semaphore_mem>>
      %dma_start3A_72 = arith.constant 0 : i32
      %dma_start3A_73 = arith.constant 0 : i32
      %dma_start3A_74 = tpu.memref_slice %arg6[%run_scoped3A_24, %dma_start3A_72, %dma_start3A_73] : memref<5x2x64xi32, #tpu.memory_space<vmem>> -> memref<1x2x64xi32, #tpu.memory_space<vmem>>
      %dma_start3A_75 = tpu.memref_squeeze %dma_start3A_74 : memref<1x2x64xi32, #tpu.memory_space<vmem>> -> memref<2x64xi32, #tpu.memory_space<vmem>>
      %dma_start3A_76 = arith.constant 0 : i32
      %dma_start3A_77 = arith.constant 0 : i32
      %dma_start3A_78 = tpu.memref_slice %arg3[%add3A, %run_scoped3A_23, %dma_start3A_76, %dma_start3A_77] : memref<32x160x2x64xi32, #tpu.memory_space<hbm>> -> memref<1x1x2x64xi32, #tpu.memory_space<hbm>>
      %dma_start3A_79 = tpu.memref_squeeze %dma_start3A_78 : memref<1x1x2x64xi32, #tpu.memory_space<hbm>> -> memref<2x64xi32, #tpu.memory_space<hbm>>
      %dma_start3A_80 = arith.constant 0 : i32
      %dma_start3A_81 = arith.constant 0 : i32
      %dma_start3A_82 = tpu.memref_slice %arg6[%run_scoped3A_24, %dma_start3A_80, %dma_start3A_81] : memref<5x2x64xi32, #tpu.memory_space<vmem>> -> memref<1x2x64xi32, #tpu.memory_space<vmem>>
      %dma_start3A_83 = tpu.memref_squeeze %dma_start3A_82 : memref<1x2x64xi32, #tpu.memory_space<vmem>> -> memref<2x64xi32, #tpu.memory_space<vmem>>
      %dma_start3A_84 = arith.constant 0 : i32
      %dma_start3A_85 = arith.constant 0 : i32
      %dma_start3A_86 = tpu.memref_slice %arg3[%add3A, %run_scoped3A_23, %dma_start3A_84, %dma_start3A_85] : memref<32x160x2x64xi32, #tpu.memory_space<hbm>> -> memref<1x1x2x64xi32, #tpu.memory_space<hbm>>
      %dma_start3A_87 = tpu.memref_squeeze %dma_start3A_86 : memref<1x1x2x64xi32, #tpu.memory_space<hbm>> -> memref<2x64xi32, #tpu.memory_space<hbm>>
      tpu.enqueue_dma source(%dma_start3A_87 : memref<2x64xi32, #tpu.memory_space<hbm>>) target(%dma_start3A_83 : memref<2x64xi32, #tpu.memory_space<vmem>>) target_semaphore(%run_scoped3A_71 : memref<!tpu.dma_semaphore, #tpu.memory_space<semaphore_mem>>)
      %dma_wait3A = arith.constant 0 : i32
      %dma_wait3A_88 = arith.constant 0 : i32
      %dma_wait3A_89 = tpu.memref_slice %arg6[%run_scoped3A_24, %dma_wait3A, %dma_wait3A_88] : memref<5x2x64xi32, #tpu.memory_space<vmem>> -> memref<1x2x64xi32, #tpu.memory_space<vmem>>
      %dma_wait3A_90 = tpu.memref_squeeze %dma_wait3A_89 : memref<1x2x64xi32, #tpu.memory_space<vmem>> -> memref<2x64xi32, #tpu.memory_space<vmem>>
      %dma_wait3A_91 = arith.constant 0 : i32
      %dma_wait3A_92 = arith.constant 0 : i32
      %dma_wait3A_93 = tpu.memref_slice %arg3[%add3A, %run_scoped3A_23, %dma_wait3A_91, %dma_wait3A_92] : memref<32x160x2x64xi32, #tpu.memory_space<hbm>> -> memref<1x1x2x64xi32, #tpu.memory_space<hbm>>
      %dma_wait3A_94 = tpu.memref_squeeze %dma_wait3A_93 : memref<1x1x2x64xi32, #tpu.memory_space<hbm>> -> memref<2x64xi32, #tpu.memory_space<hbm>>
      %dma_wait3A_95 = arith.constant 0 : i32
      %dma_wait3A_96 = arith.constant 0 : i32
      %dma_wait3A_97 = tpu.memref_slice %arg6[%run_scoped3A_24, %dma_wait3A_95, %dma_wait3A_96] : memref<5x2x64xi32, #tpu.memory_space<vmem>> -> memref<1x2x64xi32, #tpu.memory_space<vmem>>
      %dma_wait3A_98 = tpu.memref_squeeze %dma_wait3A_97 : memref<1x2x64xi32, #tpu.memory_space<vmem>> -> memref<2x64xi32, #tpu.memory_space<vmem>>
      %dma_wait3A_99 = arith.constant 0 : i32
      %dma_wait3A_100 = arith.constant 0 : i32
      %dma_wait3A_101 = tpu.memref_slice %arg3[%add3A, %run_scoped3A_23, %dma_wait3A_99, %dma_wait3A_100] : memref<32x160x2x64xi32, #tpu.memory_space<hbm>> -> memref<1x1x2x64xi32, #tpu.memory_space<hbm>>
      %dma_wait3A_102 = tpu.memref_squeeze %dma_wait3A_101 : memref<1x1x2x64xi32, #tpu.memory_space<hbm>> -> memref<2x64xi32, #tpu.memory_space<hbm>>
      tpu.wait_dma2 semaphore(%run_scoped3A_71 : memref<!tpu.dma_semaphore, #tpu.memory_space<semaphore_mem>>) src(%dma_wait3A_102 : memref<2x64xi32, #tpu.memory_space<hbm>>) dst(%dma_wait3A_98 : memref<2x64xi32, #tpu.memory_space<vmem>>)
      tpu.yield
    }) : () -> ()
    %dma_start3A_25 = arith.constant 2 : i32
    %dma_start3A_26 = arith.constant 0 : i32
    %dma_start3A_27 = arith.constant 0 : i32
    %dma_start3A_28 = tpu.memref_slice %arg6[%dma_start3A_25, %dma_start3A_26, %dma_start3A_27] : memref<5x2x64xi32, #tpu.memory_space<vmem>> -> memref<1x1x64xi32, #tpu.memory_space<vmem>>
    %dma_start3A_29 = tpu.memref_squeeze %dma_start3A_28 : memref<1x1x64xi32, #tpu.memory_space<vmem>> -> memref<64xi32, #tpu.memory_space<vmem>>
    %dma_start3A_30 = arith.constant 0 : i32
    %dma_start3A_31 = arith.constant 0 : i32
    %dma_start3A_32 = tpu.memref_slice %arg2[%dma_start3A_30, %dma_start3A_31] : memref<10000x128xf32, #tpu.memory_space<hbm>> -> memref<10000x128xf32, #tpu.memory_space<hbm>>
    tpu.enqueue_indirect_dma source(%dma_start3A_32 : memref<10000x128xf32, #tpu.memory_space<hbm>>) target(%arg9 : memref<64x128xf32, #tpu.memory_space<vmem>>) offsets(%dma_start3A_29 : memref<64xi32, #tpu.memory_space<vmem>>) semaphore(%arg15 : memref<!tpu.dma_semaphore, #tpu.memory_space<semaphore_mem>>)
    %run_scoped3A_33 = arith.constant 3 : i32
    %run_scoped3A_34 = arith.constant 3 : i32
    "tpu.region"() ({
      %run_scoped3A_71 = tpu.sem_alloc : memref<!tpu.dma_semaphore, #tpu.memory_space<semaphore_mem>>
      %dma_start3A_72 = arith.constant 0 : i32
      %dma_start3A_73 = arith.constant 0 : i32
      %dma_start3A_74 = tpu.memref_slice %arg6[%run_scoped3A_34, %dma_start3A_72, %dma_start3A_73] : memref<5x2x64xi32, #tpu.memory_space<vmem>> -> memref<1x2x64xi32, #tpu.memory_space<vmem>>
      %dma_start3A_75 = tpu.memref_squeeze %dma_start3A_74 : memref<1x2x64xi32, #tpu.memory_space<vmem>> -> memref<2x64xi32, #tpu.memory_space<vmem>>
      %dma_start3A_76 = arith.constant 0 : i32
      %dma_start3A_77 = arith.constant 0 : i32
      %dma_start3A_78 = tpu.memref_slice %arg3[%add3A, %run_scoped3A_33, %dma_start3A_76, %dma_start3A_77] : memref<32x160x2x64xi32, #tpu.memory_space<hbm>> -> memref<1x1x2x64xi32, #tpu.memory_space<hbm>>
      %dma_start3A_79 = tpu.memref_squeeze %dma_start3A_78 : memref<1x1x2x64xi32, #tpu.memory_space<hbm>> -> memref<2x64xi32, #tpu.memory_space<hbm>>
      %dma_start3A_80 = arith.constant 0 : i32
      %dma_start3A_81 = arith.constant 0 : i32
      %dma_start3A_82 = tpu.memref_slice %arg6[%run_scoped3A_34, %dma_start3A_80, %dma_start3A_81] : memref<5x2x64xi32, #tpu.memory_space<vmem>> -> memref<1x2x64xi32, #tpu.memory_space<vmem>>
      %dma_start3A_83 = tpu.memref_squeeze %dma_start3A_82 : memref<1x2x64xi32, #tpu.memory_space<vmem>> -> memref<2x64xi32, #tpu.memory_space<vmem>>
      %dma_start3A_84 = arith.constant 0 : i32
      %dma_start3A_85 = arith.constant 0 : i32
      %dma_start3A_86 = tpu.memref_slice %arg3[%add3A, %run_scoped3A_33, %dma_start3A_84, %dma_start3A_85] : memref<32x160x2x64xi32, #tpu.memory_space<hbm>> -> memref<1x1x2x64xi32, #tpu.memory_space<hbm>>
      %dma_start3A_87 = tpu.memref_squeeze %dma_start3A_86 : memref<1x1x2x64xi32, #tpu.memory_space<hbm>> -> memref<2x64xi32, #tpu.memory_space<hbm>>
      tpu.enqueue_dma source(%dma_start3A_87 : memref<2x64xi32, #tpu.memory_space<hbm>>) target(%dma_start3A_83 : memref<2x64xi32, #tpu.memory_space<vmem>>) target_semaphore(%run_scoped3A_71 : memref<!tpu.dma_semaphore, #tpu.memory_space<semaphore_mem>>)
      %dma_wait3A = arith.constant 0 : i32
      %dma_wait3A_88 = arith.constant 0 : i32
      %dma_wait3A_89 = tpu.memref_slice %arg6[%run_scoped3A_34, %dma_wait3A, %dma_wait3A_88] : memref<5x2x64xi32, #tpu.memory_space<vmem>> -> memref<1x2x64xi32, #tpu.memory_space<vmem>>
      %dma_wait3A_90 = tpu.memref_squeeze %dma_wait3A_89 : memref<1x2x64xi32, #tpu.memory_space<vmem>> -> memref<2x64xi32, #tpu.memory_space<vmem>>
      %dma_wait3A_91 = arith.constant 0 : i32
      %dma_wait3A_92 = arith.constant 0 : i32
      %dma_wait3A_93 = tpu.memref_slice %arg3[%add3A, %run_scoped3A_33, %dma_wait3A_91, %dma_wait3A_92] : memref<32x160x2x64xi32, #tpu.memory_space<hbm>> -> memref<1x1x2x64xi32, #tpu.memory_space<hbm>>
      %dma_wait3A_94 = tpu.memref_squeeze %dma_wait3A_93 : memref<1x1x2x64xi32, #tpu.memory_space<hbm>> -> memref<2x64xi32, #tpu.memory_space<hbm>>
      %dma_wait3A_95 = arith.constant 0 : i32
      %dma_wait3A_96 = arith.constant 0 : i32
      %dma_wait3A_97 = tpu.memref_slice %arg6[%run_scoped3A_34, %dma_wait3A_95, %dma_wait3A_96] : memref<5x2x64xi32, #tpu.memory_space<vmem>> -> memref<1x2x64xi32, #tpu.memory_space<vmem>>
      %dma_wait3A_98 = tpu.memref_squeeze %dma_wait3A_97 : memref<1x2x64xi32, #tpu.memory_space<vmem>> -> memref<2x64xi32, #tpu.memory_space<vmem>>
      %dma_wait3A_99 = arith.constant 0 : i32
      %dma_wait3A_100 = arith.constant 0 : i32
      %dma_wait3A_101 = tpu.memref_slice %arg3[%add3A, %run_scoped3A_33, %dma_wait3A_99, %dma_wait3A_100] : memref<32x160x2x64xi32, #tpu.memory_space<hbm>> -> memref<1x1x2x64xi32, #tpu.memory_space<hbm>>
      %dma_wait3A_102 = tpu.memref_squeeze %dma_wait3A_101 : memref<1x1x2x64xi32, #tpu.memory_space<hbm>> -> memref<2x64xi32, #tpu.memory_space<hbm>>
      tpu.wait_dma2 semaphore(%run_scoped3A_71 : memref<!tpu.dma_semaphore, #tpu.memory_space<semaphore_mem>>) src(%dma_wait3A_102 : memref<2x64xi32, #tpu.memory_space<hbm>>) dst(%dma_wait3A_98 : memref<2x64xi32, #tpu.memory_space<vmem>>)
      tpu.yield
    }) : () -> ()
    %dma_start3A_35 = arith.constant 3 : i32
    %dma_start3A_36 = arith.constant 0 : i32
    %dma_start3A_37 = arith.constant 0 : i32
    %dma_start3A_38 = tpu.memref_slice %arg6[%dma_start3A_35, %dma_start3A_36, %dma_start3A_37] : memref<5x2x64xi32, #tpu.memory_space<vmem>> -> memref<1x1x64xi32, #tpu.memory_space<vmem>>
    %dma_start3A_39 = tpu.memref_squeeze %dma_start3A_38 : memref<1x1x64xi32, #tpu.memory_space<vmem>> -> memref<64xi32, #tpu.memory_space<vmem>>
    %dma_start3A_40 = arith.constant 0 : i32
    %dma_start3A_41 = arith.constant 0 : i32
    %dma_start3A_42 = tpu.memref_slice %arg2[%dma_start3A_40, %dma_start3A_41] : memref<10000x128xf32, #tpu.memory_space<hbm>> -> memref<10000x128xf32, #tpu.memory_space<hbm>>
    tpu.enqueue_indirect_dma source(%dma_start3A_42 : memref<10000x128xf32, #tpu.memory_space<hbm>>) target(%arg10 : memref<64x128xf32, #tpu.memory_space<vmem>>) offsets(%dma_start3A_39 : memref<64xi32, #tpu.memory_space<vmem>>) semaphore(%arg16 : memref<!tpu.dma_semaphore, #tpu.memory_space<semaphore_mem>>)
    %dma_start3A_43 = arith.constant 4 : i32
    %dma_start3A_44 = arith.constant 4 : i32
    %dma_start3A_45 = arith.constant 0 : i32
    %dma_start3A_46 = arith.constant 0 : i32
    %dma_start3A_47 = tpu.memref_slice %arg6[%dma_start3A_44, %dma_start3A_45, %dma_start3A_46] : memref<5x2x64xi32, #tpu.memory_space<vmem>> -> memref<1x2x64xi32, #tpu.memory_space<vmem>>
    %dma_start3A_48 = tpu.memref_squeeze %dma_start3A_47 : memref<1x2x64xi32, #tpu.memory_space<vmem>> -> memref<2x64xi32, #tpu.memory_space<vmem>>
    %dma_start3A_49 = arith.constant 0 : i32
    %dma_start3A_50 = arith.constant 0 : i32
    %dma_start3A_51 = tpu.memref_slice %arg3[%add3A, %dma_start3A_43, %dma_start3A_49, %dma_start3A_50] : memref<32x160x2x64xi32, #tpu.memory_space<hbm>> -> memref<1x1x2x64xi32, #tpu.memory_space<hbm>>
    %dma_start3A_52 = tpu.memref_squeeze %dma_start3A_51 : memref<1x1x2x64xi32, #tpu.memory_space<hbm>> -> memref<2x64xi32, #tpu.memory_space<hbm>>
    %dma_start3A_53 = arith.constant 0 : i32
    %dma_start3A_54 = arith.constant 0 : i32
    %dma_start3A_55 = tpu.memref_slice %arg6[%dma_start3A_44, %dma_start3A_53, %dma_start3A_54] : memref<5x2x64xi32, #tpu.memory_space<vmem>> -> memref<1x2x64xi32, #tpu.memory_space<vmem>>
    %dma_start3A_56 = tpu.memref_squeeze %dma_start3A_55 : memref<1x2x64xi32, #tpu.memory_space<vmem>> -> memref<2x64xi32, #tpu.memory_space<vmem>>
    %dma_start3A_57 = arith.constant 0 : i32
    %dma_start3A_58 = arith.constant 0 : i32
    %dma_start3A_59 = tpu.memref_slice %arg3[%add3A, %dma_start3A_43, %dma_start3A_57, %dma_start3A_58] : memref<32x160x2x64xi32, #tpu.memory_space<hbm>> -> memref<1x1x2x64xi32, #tpu.memory_space<hbm>>
    %dma_start3A_60 = tpu.memref_squeeze %dma_start3A_59 : memref<1x1x2x64xi32, #tpu.memory_space<hbm>> -> memref<2x64xi32, #tpu.memory_space<hbm>>
    tpu.enqueue_dma source(%dma_start3A_60 : memref<2x64xi32, #tpu.memory_space<hbm>>) target(%dma_start3A_56 : memref<2x64xi32, #tpu.memory_space<vmem>>) target_semaphore(%arg22 : memref<!tpu.dma_semaphore, #tpu.memory_space<semaphore_mem>>)
    %scan3A = arith.constant 0 : i32
    %scan3A_61 = arith.constant 0 : i32
    %scan3A_62 = arith.constant 32 : i32
    %scan3A_63 = arith.addi %scan3A_61, %scan3A_62 : i32
    %scan3A_64 = arith.constant 1 : i32
    scf.for %scan3A_71 = %scan3A_61 to %scan3A_63 step %scan3A_64  : i32 {
      %mul3A_72 = arith.constant 5 : i32
      %mul3A_73 = arith.muli %scan3A_71, %mul3A_72 : i32
      %add3A_74 = arith.constant 0 : i32
      %add3A_75 = arith.addi %mul3A_73, %add3A_74 : i32
      %add3A_76 = arith.constant 5 : i32
      %add3A_77 = arith.addi %add3A_75, %add3A_76 : i32
      %sub3A = arith.constant 1 : i32
      %sub3A_78 = arith.subi %add3A_77, %sub3A : i32
      %lt3A = arith.constant 160 : i32
      %lt3A_79 = arith.cmpi slt, %sub3A_78, %lt3A : i32
      %convert_element_type3A = arith.extui %lt3A_79 : i1 to i32
      %cond3A = arith.constant 0 : i32
      %cond3A_80 = arith.cmpi ne, %convert_element_type3A, %cond3A : i32
      scf.if %cond3A_80 {
        %dma_wait3A_217 = arith.constant 4 : i32
        %dma_wait3A_218 = arith.constant 0 : i32
        %dma_wait3A_219 = arith.constant 0 : i32
        %dma_wait3A_220 = tpu.memref_slice %arg6[%dma_wait3A_217, %dma_wait3A_218, %dma_wait3A_219] : memref<5x2x64xi32, #tpu.memory_space<vmem>> -> memref<1x2x64xi32, #tpu.memory_space<vmem>>
        %dma_wait3A_221 = tpu.memref_squeeze %dma_wait3A_220 : memref<1x2x64xi32, #tpu.memory_space<vmem>> -> memref<2x64xi32, #tpu.memory_space<vmem>>
        %dma_wait3A_222 = arith.constant 0 : i32
        %dma_wait3A_223 = arith.constant 0 : i32
        %dma_wait3A_224 = tpu.memref_slice %arg3[%add3A, %sub3A_78, %dma_wait3A_222, %dma_wait3A_223] : memref<32x160x2x64xi32, #tpu.memory_space<hbm>> -> memref<1x1x2x64xi32, #tpu.memory_space<hbm>>
        %dma_wait3A_225 = tpu.memref_squeeze %dma_wait3A_224 : memref<1x1x2x64xi32, #tpu.memory_space<hbm>> -> memref<2x64xi32, #tpu.memory_space<hbm>>
        %dma_wait3A_226 = arith.constant 0 : i32
        %dma_wait3A_227 = arith.constant 0 : i32
        %dma_wait3A_228 = tpu.memref_slice %arg6[%dma_wait3A_217, %dma_wait3A_226, %dma_wait3A_227] : memref<5x2x64xi32, #tpu.memory_space<vmem>> -> memref<1x2x64xi32, #tpu.memory_space<vmem>>
        %dma_wait3A_229 = tpu.memref_squeeze %dma_wait3A_228 : memref<1x2x64xi32, #tpu.memory_space<vmem>> -> memref<2x64xi32, #tpu.memory_space<vmem>>
        %dma_wait3A_230 = arith.constant 0 : i32
        %dma_wait3A_231 = arith.constant 0 : i32
        %dma_wait3A_232 = tpu.memref_slice %arg3[%add3A, %sub3A_78, %dma_wait3A_230, %dma_wait3A_231] : memref<32x160x2x64xi32, #tpu.memory_space<hbm>> -> memref<1x1x2x64xi32, #tpu.memory_space<hbm>>
        %dma_wait3A_233 = tpu.memref_squeeze %dma_wait3A_232 : memref<1x1x2x64xi32, #tpu.memory_space<hbm>> -> memref<2x64xi32, #tpu.memory_space<hbm>>
        tpu.wait_dma2 semaphore(%arg22 : memref<!tpu.dma_semaphore, #tpu.memory_space<semaphore_mem>>) src(%dma_wait3A_233 : memref<2x64xi32, #tpu.memory_space<hbm>>) dst(%dma_wait3A_229 : memref<2x64xi32, #tpu.memory_space<vmem>>)
        %dma_start3A_234 = arith.constant 4 : i32
        %dma_start3A_235 = arith.constant 0 : i32
        %dma_start3A_236 = arith.constant 0 : i32
        %dma_start3A_237 = tpu.memref_slice %arg6[%dma_start3A_234, %dma_start3A_235, %dma_start3A_236] : memref<5x2x64xi32, #tpu.memory_space<vmem>> -> memref<1x1x64xi32, #tpu.memory_space<vmem>>
        %dma_start3A_238 = tpu.memref_squeeze %dma_start3A_237 : memref<1x1x64xi32, #tpu.memory_space<vmem>> -> memref<64xi32, #tpu.memory_space<vmem>>
        %dma_start3A_239 = arith.constant 0 : i32
        %dma_start3A_240 = arith.constant 0 : i32
        %dma_start3A_241 = tpu.memref_slice %arg2[%dma_start3A_239, %dma_start3A_240] : memref<10000x128xf32, #tpu.memory_space<hbm>> -> memref<10000x128xf32, #tpu.memory_space<hbm>>
        tpu.enqueue_indirect_dma source(%dma_start3A_241 : memref<10000x128xf32, #tpu.memory_space<hbm>>) target(%arg11 : memref<64x128xf32, #tpu.memory_space<vmem>>) offsets(%dma_start3A_238 : memref<64xi32, #tpu.memory_space<vmem>>) semaphore(%arg17 : memref<!tpu.dma_semaphore, #tpu.memory_space<semaphore_mem>>)
      } else {
      }
      %dma_wait3A = arith.constant 0 : i32
      %dma_wait3A_81 = arith.constant 0 : i32
      %dma_wait3A_82 = arith.constant 0 : i32
      %dma_wait3A_83 = tpu.memref_slice %arg6[%dma_wait3A, %dma_wait3A_81, %dma_wait3A_82] : memref<5x2x64xi32, #tpu.memory_space<vmem>> -> memref<1x1x64xi32, #tpu.memory_space<vmem>>
      %dma_wait3A_84 = tpu.memref_squeeze %dma_wait3A_83 : memref<1x1x64xi32, #tpu.memory_space<vmem>> -> memref<64xi32, #tpu.memory_space<vmem>>
      %dma_wait3A_85 = arith.constant 0 : i32
      %dma_wait3A_86 = arith.constant 0 : i32
      %dma_wait3A_87 = tpu.memref_slice %arg2[%dma_wait3A_85, %dma_wait3A_86] : memref<10000x128xf32, #tpu.memory_space<hbm>> -> memref<10000x128xf32, #tpu.memory_space<hbm>>
      tpu.wait_indirect_dma semaphore(%arg13 : memref<!tpu.dma_semaphore, #tpu.memory_space<semaphore_mem>>) src(%dma_wait3A_87 : memref<10000x128xf32, #tpu.memory_space<hbm>>) dst(%arg7 : memref<64x128xf32, #tpu.memory_space<vmem>>)
      %run_scoped3A_88 = arith.constant 0 : i32
      %run_scoped3A_89 = arith.constant 1 : i32
      "tpu.region"() ({
        %run_scoped3A_217 = tpu.sem_alloc : memref<!tpu.dma_semaphore, #tpu.memory_space<semaphore_mem>>
        %dma_start3A_218 = arith.constant 0 : i32
        %dma_start3A_219 = tpu.memref_slice %arg6[%run_scoped3A_88, %run_scoped3A_89, %dma_start3A_218] : memref<5x2x64xi32, #tpu.memory_space<vmem>> -> memref<1x1x64xi32, #tpu.memory_space<vmem>>
        %dma_start3A_220 = tpu.memref_squeeze %dma_start3A_219 : memref<1x1x64xi32, #tpu.memory_space<vmem>> -> memref<64xi32, #tpu.memory_space<vmem>>
        %dma_start3A_221 = arith.constant 0 : i32
        %dma_start3A_222 = arith.constant 0 : i32
        %dma_start3A_223 = tpu.memref_slice %arg12[%dma_start3A_221, %dma_start3A_222] : memref<10240x128xf32, #tpu.memory_space<vmem_shared>> -> memref<10240x128xf32, #tpu.memory_space<vmem_shared>>
        tpu.enqueue_indirect_dma source(%arg7 : memref<64x128xf32, #tpu.memory_space<vmem>>) target(%dma_start3A_223 : memref<10240x128xf32, #tpu.memory_space<vmem_shared>>) offsets(%dma_start3A_220 : memref<64xi32, #tpu.memory_space<vmem>>) semaphore(%run_scoped3A_217 : memref<!tpu.dma_semaphore, #tpu.memory_space<semaphore_mem>>) {add = true}
        %dma_wait3A_224 = arith.constant 0 : i32
        %dma_wait3A_225 = tpu.memref_slice %arg6[%run_scoped3A_88, %run_scoped3A_89, %dma_wait3A_224] : memref<5x2x64xi32, #tpu.memory_space<vmem>> -> memref<1x1x64xi32, #tpu.memory_space<vmem>>
        %dma_wait3A_226 = tpu.memref_squeeze %dma_wait3A_225 : memref<1x1x64xi32, #tpu.memory_space<vmem>> -> memref<64xi32, #tpu.memory_space<vmem>>
        %dma_wait3A_227 = arith.constant 0 : i32
        %dma_wait3A_228 = arith.constant 0 : i32
        %dma_wait3A_229 = tpu.memref_slice %arg12[%dma_wait3A_227, %dma_wait3A_228] : memref<10240x128xf32, #tpu.memory_space<vmem_shared>> -> memref<10240x128xf32, #tpu.memory_space<vmem_shared>>
        tpu.wait_indirect_dma semaphore(%run_scoped3A_217 : memref<!tpu.dma_semaphore, #tpu.memory_space<semaphore_mem>>) src(%arg7 : memref<64x128xf32, #tpu.memory_space<vmem>>) dst(%dma_wait3A_229 : memref<10240x128xf32, #tpu.memory_space<vmem_shared>>)
        tpu.yield
      }) : () -> ()
      %add3A_90 = arith.constant 5 : i32
      %add3A_91 = arith.addi %add3A_75, %add3A_90 : i32
      %lt3A_92 = arith.constant 160 : i32
      %lt3A_93 = arith.cmpi slt, %add3A_91, %lt3A_92 : i32
      %convert_element_type3A_94 = arith.extui %lt3A_93 : i1 to i32
      %cond3A_95 = arith.constant 0 : i32
      %cond3A_96 = arith.cmpi ne, %convert_element_type3A_94, %cond3A_95 : i32
      scf.if %cond3A_96 {
        %add3A_217 = arith.constant 5 : i32
        %add3A_218 = arith.addi %add3A_75, %add3A_217 : i32
        %dma_start3A_219 = arith.constant 0 : i32
        %dma_start3A_220 = arith.constant 0 : i32
        %dma_start3A_221 = arith.constant 0 : i32
        %dma_start3A_222 = tpu.memref_slice %arg6[%dma_start3A_219, %dma_start3A_220, %dma_start3A_221] : memref<5x2x64xi32, #tpu.memory_space<vmem>> -> memref<1x2x64xi32, #tpu.memory_space<vmem>>
        %dma_start3A_223 = tpu.memref_squeeze %dma_start3A_222 : memref<1x2x64xi32, #tpu.memory_space<vmem>> -> memref<2x64xi32, #tpu.memory_space<vmem>>
        %dma_start3A_224 = arith.constant 0 : i32
        %dma_start3A_225 = arith.constant 0 : i32
        %dma_start3A_226 = tpu.memref_slice %arg3[%add3A, %add3A_218, %dma_start3A_224, %dma_start3A_225] : memref<32x160x2x64xi32, #tpu.memory_space<hbm>> -> memref<1x1x2x64xi32, #tpu.memory_space<hbm>>
        %dma_start3A_227 = tpu.memref_squeeze %dma_start3A_226 : memref<1x1x2x64xi32, #tpu.memory_space<hbm>> -> memref<2x64xi32, #tpu.memory_space<hbm>>
        %dma_start3A_228 = arith.constant 0 : i32
        %dma_start3A_229 = arith.constant 0 : i32
        %dma_start3A_230 = tpu.memref_slice %arg6[%dma_start3A_219, %dma_start3A_228, %dma_start3A_229] : memref<5x2x64xi32, #tpu.memory_space<vmem>> -> memref<1x2x64xi32, #tpu.memory_space<vmem>>
        %dma_start3A_231 = tpu.memref_squeeze %dma_start3A_230 : memref<1x2x64xi32, #tpu.memory_space<vmem>> -> memref<2x64xi32, #tpu.memory_space<vmem>>
        %dma_start3A_232 = arith.constant 0 : i32
        %dma_start3A_233 = arith.constant 0 : i32
        %dma_start3A_234 = tpu.memref_slice %arg3[%add3A, %add3A_218, %dma_start3A_232, %dma_start3A_233] : memref<32x160x2x64xi32, #tpu.memory_space<hbm>> -> memref<1x1x2x64xi32, #tpu.memory_space<hbm>>
        %dma_start3A_235 = tpu.memref_squeeze %dma_start3A_234 : memref<1x1x2x64xi32, #tpu.memory_space<hbm>> -> memref<2x64xi32, #tpu.memory_space<hbm>>
        tpu.enqueue_dma source(%dma_start3A_235 : memref<2x64xi32, #tpu.memory_space<hbm>>) target(%dma_start3A_231 : memref<2x64xi32, #tpu.memory_space<vmem>>) target_semaphore(%arg18 : memref<!tpu.dma_semaphore, #tpu.memory_space<semaphore_mem>>)
      } else {
      }
      %mul3A_97 = arith.constant 5 : i32
      %mul3A_98 = arith.muli %scan3A_71, %mul3A_97 : i32
      %add3A_99 = arith.constant 1 : i32
      %add3A_100 = arith.addi %mul3A_98, %add3A_99 : i32
      %add3A_101 = arith.constant 5 : i32
      %add3A_102 = arith.addi %add3A_100, %add3A_101 : i32
      %sub3A_103 = arith.constant 1 : i32
      %sub3A_104 = arith.subi %add3A_102, %sub3A_103 : i32
      %lt3A_105 = arith.constant 160 : i32
      %lt3A_106 = arith.cmpi slt, %sub3A_104, %lt3A_105 : i32
      %convert_element_type3A_107 = arith.extui %lt3A_106 : i1 to i32
      %cond3A_108 = arith.constant 0 : i32
      %cond3A_109 = arith.cmpi ne, %convert_element_type3A_107, %cond3A_108 : i32
      scf.if %cond3A_109 {
        %dma_wait3A_217 = arith.constant 0 : i32
        %dma_wait3A_218 = arith.constant 0 : i32
        %dma_wait3A_219 = arith.constant 0 : i32
        %dma_wait3A_220 = tpu.memref_slice %arg6[%dma_wait3A_217, %dma_wait3A_218, %dma_wait3A_219] : memref<5x2x64xi32, #tpu.memory_space<vmem>> -> memref<1x2x64xi32, #tpu.memory_space<vmem>>
        %dma_wait3A_221 = tpu.memref_squeeze %dma_wait3A_220 : memref<1x2x64xi32, #tpu.memory_space<vmem>> -> memref<2x64xi32, #tpu.memory_space<vmem>>
        %dma_wait3A_222 = arith.constant 0 : i32
        %dma_wait3A_223 = arith.constant 0 : i32
        %dma_wait3A_224 = tpu.memref_slice %arg3[%add3A, %sub3A_104, %dma_wait3A_222, %dma_wait3A_223] : memref<32x160x2x64xi32, #tpu.memory_space<hbm>> -> memref<1x1x2x64xi32, #tpu.memory_space<hbm>>
        %dma_wait3A_225 = tpu.memref_squeeze %dma_wait3A_224 : memref<1x1x2x64xi32, #tpu.memory_space<hbm>> -> memref<2x64xi32, #tpu.memory_space<hbm>>
        %dma_wait3A_226 = arith.constant 0 : i32
        %dma_wait3A_227 = arith.constant 0 : i32
        %dma_wait3A_228 = tpu.memref_slice %arg6[%dma_wait3A_217, %dma_wait3A_226, %dma_wait3A_227] : memref<5x2x64xi32, #tpu.memory_space<vmem>> -> memref<1x2x64xi32, #tpu.memory_space<vmem>>
        %dma_wait3A_229 = tpu.memref_squeeze %dma_wait3A_228 : memref<1x2x64xi32, #tpu.memory_space<vmem>> -> memref<2x64xi32, #tpu.memory_space<vmem>>
        %dma_wait3A_230 = arith.constant 0 : i32
        %dma_wait3A_231 = arith.constant 0 : i32
        %dma_wait3A_232 = tpu.memref_slice %arg3[%add3A, %sub3A_104, %dma_wait3A_230, %dma_wait3A_231] : memref<32x160x2x64xi32, #tpu.memory_space<hbm>> -> memref<1x1x2x64xi32, #tpu.memory_space<hbm>>
        %dma_wait3A_233 = tpu.memref_squeeze %dma_wait3A_232 : memref<1x1x2x64xi32, #tpu.memory_space<hbm>> -> memref<2x64xi32, #tpu.memory_space<hbm>>
        tpu.wait_dma2 semaphore(%arg18 : memref<!tpu.dma_semaphore, #tpu.memory_space<semaphore_mem>>) src(%dma_wait3A_233 : memref<2x64xi32, #tpu.memory_space<hbm>>) dst(%dma_wait3A_229 : memref<2x64xi32, #tpu.memory_space<vmem>>)
        %dma_start3A_234 = arith.constant 0 : i32
        %dma_start3A_235 = arith.constant 0 : i32
        %dma_start3A_236 = arith.constant 0 : i32
        %dma_start3A_237 = tpu.memref_slice %arg6[%dma_start3A_234, %dma_start3A_235, %dma_start3A_236] : memref<5x2x64xi32, #tpu.memory_space<vmem>> -> memref<1x1x64xi32, #tpu.memory_space<vmem>>
        %dma_start3A_238 = tpu.memref_squeeze %dma_start3A_237 : memref<1x1x64xi32, #tpu.memory_space<vmem>> -> memref<64xi32, #tpu.memory_space<vmem>>
        %dma_start3A_239 = arith.constant 0 : i32
        %dma_start3A_240 = arith.constant 0 : i32
        %dma_start3A_241 = tpu.memref_slice %arg2[%dma_start3A_239, %dma_start3A_240] : memref<10000x128xf32, #tpu.memory_space<hbm>> -> memref<10000x128xf32, #tpu.memory_space<hbm>>
        tpu.enqueue_indirect_dma source(%dma_start3A_241 : memref<10000x128xf32, #tpu.memory_space<hbm>>) target(%arg7 : memref<64x128xf32, #tpu.memory_space<vmem>>) offsets(%dma_start3A_238 : memref<64xi32, #tpu.memory_space<vmem>>) semaphore(%arg13 : memref<!tpu.dma_semaphore, #tpu.memory_space<semaphore_mem>>)
      } else {
      }
      %dma_wait3A_110 = arith.constant 1 : i32
      %dma_wait3A_111 = arith.constant 0 : i32
      %dma_wait3A_112 = arith.constant 0 : i32
      %dma_wait3A_113 = tpu.memref_slice %arg6[%dma_wait3A_110, %dma_wait3A_111, %dma_wait3A_112] : memref<5x2x64xi32, #tpu.memory_space<vmem>> -> memref<1x1x64xi32, #tpu.memory_space<vmem>>
      %dma_wait3A_114 = tpu.memref_squeeze %dma_wait3A_113 : memref<1x1x64xi32, #tpu.memory_space<vmem>> -> memref<64xi32, #tpu.memory_space<vmem>>
      %dma_wait3A_115 = arith.constant 0 : i32
      %dma_wait3A_116 = arith.constant 0 : i32
      %dma_wait3A_117 = tpu.memref_slice %arg2[%dma_wait3A_115, %dma_wait3A_116] : memref<10000x128xf32, #tpu.memory_space<hbm>> -> memref<10000x128xf32, #tpu.memory_space<hbm>>
      tpu.wait_indirect_dma semaphore(%arg14 : memref<!tpu.dma_semaphore, #tpu.memory_space<semaphore_mem>>) src(%dma_wait3A_117 : memref<10000x128xf32, #tpu.memory_space<hbm>>) dst(%arg8 : memref<64x128xf32, #tpu.memory_space<vmem>>)
      %run_scoped3A_118 = arith.constant 1 : i32
      %run_scoped3A_119 = arith.constant 1 : i32
      "tpu.region"() ({
        %run_scoped3A_217 = tpu.sem_alloc : memref<!tpu.dma_semaphore, #tpu.memory_space<semaphore_mem>>
        %dma_start3A_218 = arith.constant 0 : i32
        %dma_start3A_219 = tpu.memref_slice %arg6[%run_scoped3A_118, %run_scoped3A_119, %dma_start3A_218] : memref<5x2x64xi32, #tpu.memory_space<vmem>> -> memref<1x1x64xi32, #tpu.memory_space<vmem>>
        %dma_start3A_220 = tpu.memref_squeeze %dma_start3A_219 : memref<1x1x64xi32, #tpu.memory_space<vmem>> -> memref<64xi32, #tpu.memory_space<vmem>>
        %dma_start3A_221 = arith.constant 0 : i32
        %dma_start3A_222 = arith.constant 0 : i32
        %dma_start3A_223 = tpu.memref_slice %arg12[%dma_start3A_221, %dma_start3A_222] : memref<10240x128xf32, #tpu.memory_space<vmem_shared>> -> memref<10240x128xf32, #tpu.memory_space<vmem_shared>>
        tpu.enqueue_indirect_dma source(%arg8 : memref<64x128xf32, #tpu.memory_space<vmem>>) target(%dma_start3A_223 : memref<10240x128xf32, #tpu.memory_space<vmem_shared>>) offsets(%dma_start3A_220 : memref<64xi32, #tpu.memory_space<vmem>>) semaphore(%run_scoped3A_217 : memref<!tpu.dma_semaphore, #tpu.memory_space<semaphore_mem>>) {add = true}
        %dma_wait3A_224 = arith.constant 0 : i32
        %dma_wait3A_225 = tpu.memref_slice %arg6[%run_scoped3A_118, %run_scoped3A_119, %dma_wait3A_224] : memref<5x2x64xi32, #tpu.memory_space<vmem>> -> memref<1x1x64xi32, #tpu.memory_space<vmem>>
        %dma_wait3A_226 = tpu.memref_squeeze %dma_wait3A_225 : memref<1x1x64xi32, #tpu.memory_space<vmem>> -> memref<64xi32, #tpu.memory_space<vmem>>
        %dma_wait3A_227 = arith.constant 0 : i32
        %dma_wait3A_228 = arith.constant 0 : i32
        %dma_wait3A_229 = tpu.memref_slice %arg12[%dma_wait3A_227, %dma_wait3A_228] : memref<10240x128xf32, #tpu.memory_space<vmem_shared>> -> memref<10240x128xf32, #tpu.memory_space<vmem_shared>>
        tpu.wait_indirect_dma semaphore(%run_scoped3A_217 : memref<!tpu.dma_semaphore, #tpu.memory_space<semaphore_mem>>) src(%arg8 : memref<64x128xf32, #tpu.memory_space<vmem>>) dst(%dma_wait3A_229 : memref<10240x128xf32, #tpu.memory_space<vmem_shared>>)
        tpu.yield
      }) : () -> ()
      %add3A_120 = arith.constant 5 : i32
      %add3A_121 = arith.addi %add3A_100, %add3A_120 : i32
      %lt3A_122 = arith.constant 160 : i32
      %lt3A_123 = arith.cmpi slt, %add3A_121, %lt3A_122 : i32
      %convert_element_type3A_124 = arith.extui %lt3A_123 : i1 to i32
      %cond3A_125 = arith.constant 0 : i32
      %cond3A_126 = arith.cmpi ne, %convert_element_type3A_124, %cond3A_125 : i32
      scf.if %cond3A_126 {
        %add3A_217 = arith.constant 5 : i32
        %add3A_218 = arith.addi %add3A_100, %add3A_217 : i32
        %dma_start3A_219 = arith.constant 1 : i32
        %dma_start3A_220 = arith.constant 0 : i32
        %dma_start3A_221 = arith.constant 0 : i32
        %dma_start3A_222 = tpu.memref_slice %arg6[%dma_start3A_219, %dma_start3A_220, %dma_start3A_221] : memref<5x2x64xi32, #tpu.memory_space<vmem>> -> memref<1x2x64xi32, #tpu.memory_space<vmem>>
        %dma_start3A_223 = tpu.memref_squeeze %dma_start3A_222 : memref<1x2x64xi32, #tpu.memory_space<vmem>> -> memref<2x64xi32, #tpu.memory_space<vmem>>
        %dma_start3A_224 = arith.constant 0 : i32
        %dma_start3A_225 = arith.constant 0 : i32
        %dma_start3A_226 = tpu.memref_slice %arg3[%add3A, %add3A_218, %dma_start3A_224, %dma_start3A_225] : memref<32x160x2x64xi32, #tpu.memory_space<hbm>> -> memref<1x1x2x64xi32, #tpu.memory_space<hbm>>
        %dma_start3A_227 = tpu.memref_squeeze %dma_start3A_226 : memref<1x1x2x64xi32, #tpu.memory_space<hbm>> -> memref<2x64xi32, #tpu.memory_space<hbm>>
        %dma_start3A_228 = arith.constant 0 : i32
        %dma_start3A_229 = arith.constant 0 : i32
        %dma_start3A_230 = tpu.memref_slice %arg6[%dma_start3A_219, %dma_start3A_228, %dma_start3A_229] : memref<5x2x64xi32, #tpu.memory_space<vmem>> -> memref<1x2x64xi32, #tpu.memory_space<vmem>>
        %dma_start3A_231 = tpu.memref_squeeze %dma_start3A_230 : memref<1x2x64xi32, #tpu.memory_space<vmem>> -> memref<2x64xi32, #tpu.memory_space<vmem>>
        %dma_start3A_232 = arith.constant 0 : i32
        %dma_start3A_233 = arith.constant 0 : i32
        %dma_start3A_234 = tpu.memref_slice %arg3[%add3A, %add3A_218, %dma_start3A_232, %dma_start3A_233] : memref<32x160x2x64xi32, #tpu.memory_space<hbm>> -> memref<1x1x2x64xi32, #tpu.memory_space<hbm>>
        %dma_start3A_235 = tpu.memref_squeeze %dma_start3A_234 : memref<1x1x2x64xi32, #tpu.memory_space<hbm>> -> memref<2x64xi32, #tpu.memory_space<hbm>>
        tpu.enqueue_dma source(%dma_start3A_235 : memref<2x64xi32, #tpu.memory_space<hbm>>) target(%dma_start3A_231 : memref<2x64xi32, #tpu.memory_space<vmem>>) target_semaphore(%arg19 : memref<!tpu.dma_semaphore, #tpu.memory_space<semaphore_mem>>)
      } else {
      }
      %mul3A_127 = arith.constant 5 : i32
      %mul3A_128 = arith.muli %scan3A_71, %mul3A_127 : i32
      %add3A_129 = arith.constant 2 : i32
      %add3A_130 = arith.addi %mul3A_128, %add3A_129 : i32
      %add3A_131 = arith.constant 5 : i32
      %add3A_132 = arith.addi %add3A_130, %add3A_131 : i32
      %sub3A_133 = arith.constant 1 : i32
      %sub3A_134 = arith.subi %add3A_132, %sub3A_133 : i32
      %lt3A_135 = arith.constant 160 : i32
      %lt3A_136 = arith.cmpi slt, %sub3A_134, %lt3A_135 : i32
      %convert_element_type3A_137 = arith.extui %lt3A_136 : i1 to i32
      %cond3A_138 = arith.constant 0 : i32
      %cond3A_139 = arith.cmpi ne, %convert_element_type3A_137, %cond3A_138 : i32
      scf.if %cond3A_139 {
        %dma_wait3A_217 = arith.constant 1 : i32
        %dma_wait3A_218 = arith.constant 0 : i32
        %dma_wait3A_219 = arith.constant 0 : i32
        %dma_wait3A_220 = tpu.memref_slice %arg6[%dma_wait3A_217, %dma_wait3A_218, %dma_wait3A_219] : memref<5x2x64xi32, #tpu.memory_space<vmem>> -> memref<1x2x64xi32, #tpu.memory_space<vmem>>
        %dma_wait3A_221 = tpu.memref_squeeze %dma_wait3A_220 : memref<1x2x64xi32, #tpu.memory_space<vmem>> -> memref<2x64xi32, #tpu.memory_space<vmem>>
        %dma_wait3A_222 = arith.constant 0 : i32
        %dma_wait3A_223 = arith.constant 0 : i32
        %dma_wait3A_224 = tpu.memref_slice %arg3[%add3A, %sub3A_134, %dma_wait3A_222, %dma_wait3A_223] : memref<32x160x2x64xi32, #tpu.memory_space<hbm>> -> memref<1x1x2x64xi32, #tpu.memory_space<hbm>>
        %dma_wait3A_225 = tpu.memref_squeeze %dma_wait3A_224 : memref<1x1x2x64xi32, #tpu.memory_space<hbm>> -> memref<2x64xi32, #tpu.memory_space<hbm>>
        %dma_wait3A_226 = arith.constant 0 : i32
        %dma_wait3A_227 = arith.constant 0 : i32
        %dma_wait3A_228 = tpu.memref_slice %arg6[%dma_wait3A_217, %dma_wait3A_226, %dma_wait3A_227] : memref<5x2x64xi32, #tpu.memory_space<vmem>> -> memref<1x2x64xi32, #tpu.memory_space<vmem>>
        %dma_wait3A_229 = tpu.memref_squeeze %dma_wait3A_228 : memref<1x2x64xi32, #tpu.memory_space<vmem>> -> memref<2x64xi32, #tpu.memory_space<vmem>>
        %dma_wait3A_230 = arith.constant 0 : i32
        %dma_wait3A_231 = arith.constant 0 : i32
        %dma_wait3A_232 = tpu.memref_slice %arg3[%add3A, %sub3A_134, %dma_wait3A_230, %dma_wait3A_231] : memref<32x160x2x64xi32, #tpu.memory_space<hbm>> -> memref<1x1x2x64xi32, #tpu.memory_space<hbm>>
        %dma_wait3A_233 = tpu.memref_squeeze %dma_wait3A_232 : memref<1x1x2x64xi32, #tpu.memory_space<hbm>> -> memref<2x64xi32, #tpu.memory_space<hbm>>
        tpu.wait_dma2 semaphore(%arg19 : memref<!tpu.dma_semaphore, #tpu.memory_space<semaphore_mem>>) src(%dma_wait3A_233 : memref<2x64xi32, #tpu.memory_space<hbm>>) dst(%dma_wait3A_229 : memref<2x64xi32, #tpu.memory_space<vmem>>)
        %dma_start3A_234 = arith.constant 1 : i32
        %dma_start3A_235 = arith.constant 0 : i32
        %dma_start3A_236 = arith.constant 0 : i32
        %dma_start3A_237 = tpu.memref_slice %arg6[%dma_start3A_234, %dma_start3A_235, %dma_start3A_236] : memref<5x2x64xi32, #tpu.memory_space<vmem>> -> memref<1x1x64xi32, #tpu.memory_space<vmem>>
        %dma_start3A_238 = tpu.memref_squeeze %dma_start3A_237 : memref<1x1x64xi32, #tpu.memory_space<vmem>> -> memref<64xi32, #tpu.memory_space<vmem>>
        %dma_start3A_239 = arith.constant 0 : i32
        %dma_start3A_240 = arith.constant 0 : i32
        %dma_start3A_241 = tpu.memref_slice %arg2[%dma_start3A_239, %dma_start3A_240] : memref<10000x128xf32, #tpu.memory_space<hbm>> -> memref<10000x128xf32, #tpu.memory_space<hbm>>
        tpu.enqueue_indirect_dma source(%dma_start3A_241 : memref<10000x128xf32, #tpu.memory_space<hbm>>) target(%arg8 : memref<64x128xf32, #tpu.memory_space<vmem>>) offsets(%dma_start3A_238 : memref<64xi32, #tpu.memory_space<vmem>>) semaphore(%arg14 : memref<!tpu.dma_semaphore, #tpu.memory_space<semaphore_mem>>)
      } else {
      }
      %dma_wait3A_140 = arith.constant 2 : i32
      %dma_wait3A_141 = arith.constant 0 : i32
      %dma_wait3A_142 = arith.constant 0 : i32
      %dma_wait3A_143 = tpu.memref_slice %arg6[%dma_wait3A_140, %dma_wait3A_141, %dma_wait3A_142] : memref<5x2x64xi32, #tpu.memory_space<vmem>> -> memref<1x1x64xi32, #tpu.memory_space<vmem>>
      %dma_wait3A_144 = tpu.memref_squeeze %dma_wait3A_143 : memref<1x1x64xi32, #tpu.memory_space<vmem>> -> memref<64xi32, #tpu.memory_space<vmem>>
      %dma_wait3A_145 = arith.constant 0 : i32
      %dma_wait3A_146 = arith.constant 0 : i32
      %dma_wait3A_147 = tpu.memref_slice %arg2[%dma_wait3A_145, %dma_wait3A_146] : memref<10000x128xf32, #tpu.memory_space<hbm>> -> memref<10000x128xf32, #tpu.memory_space<hbm>>
      tpu.wait_indirect_dma semaphore(%arg15 : memref<!tpu.dma_semaphore, #tpu.memory_space<semaphore_mem>>) src(%dma_wait3A_147 : memref<10000x128xf32, #tpu.memory_space<hbm>>) dst(%arg9 : memref<64x128xf32, #tpu.memory_space<vmem>>)
      %run_scoped3A_148 = arith.constant 2 : i32
      %run_scoped3A_149 = arith.constant 1 : i32
      "tpu.region"() ({
        %run_scoped3A_217 = tpu.sem_alloc : memref<!tpu.dma_semaphore, #tpu.memory_space<semaphore_mem>>
        %dma_start3A_218 = arith.constant 0 : i32
        %dma_start3A_219 = tpu.memref_slice %arg6[%run_scoped3A_148, %run_scoped3A_149, %dma_start3A_218] : memref<5x2x64xi32, #tpu.memory_space<vmem>> -> memref<1x1x64xi32, #tpu.memory_space<vmem>>
        %dma_start3A_220 = tpu.memref_squeeze %dma_start3A_219 : memref<1x1x64xi32, #tpu.memory_space<vmem>> -> memref<64xi32, #tpu.memory_space<vmem>>
        %dma_start3A_221 = arith.constant 0 : i32
        %dma_start3A_222 = arith.constant 0 : i32
        %dma_start3A_223 = tpu.memref_slice %arg12[%dma_start3A_221, %dma_start3A_222] : memref<10240x128xf32, #tpu.memory_space<vmem_shared>> -> memref<10240x128xf32, #tpu.memory_space<vmem_shared>>
        tpu.enqueue_indirect_dma source(%arg9 : memref<64x128xf32, #tpu.memory_space<vmem>>) target(%dma_start3A_223 : memref<10240x128xf32, #tpu.memory_space<vmem_shared>>) offsets(%dma_start3A_220 : memref<64xi32, #tpu.memory_space<vmem>>) semaphore(%run_scoped3A_217 : memref<!tpu.dma_semaphore, #tpu.memory_space<semaphore_mem>>) {add = true}
        %dma_wait3A_224 = arith.constant 0 : i32
        %dma_wait3A_225 = tpu.memref_slice %arg6[%run_scoped3A_148, %run_scoped3A_149, %dma_wait3A_224] : memref<5x2x64xi32, #tpu.memory_space<vmem>> -> memref<1x1x64xi32, #tpu.memory_space<vmem>>
        %dma_wait3A_226 = tpu.memref_squeeze %dma_wait3A_225 : memref<1x1x64xi32, #tpu.memory_space<vmem>> -> memref<64xi32, #tpu.memory_space<vmem>>
        %dma_wait3A_227 = arith.constant 0 : i32
        %dma_wait3A_228 = arith.constant 0 : i32
        %dma_wait3A_229 = tpu.memref_slice %arg12[%dma_wait3A_227, %dma_wait3A_228] : memref<10240x128xf32, #tpu.memory_space<vmem_shared>> -> memref<10240x128xf32, #tpu.memory_space<vmem_shared>>
        tpu.wait_indirect_dma semaphore(%run_scoped3A_217 : memref<!tpu.dma_semaphore, #tpu.memory_space<semaphore_mem>>) src(%arg9 : memref<64x128xf32, #tpu.memory_space<vmem>>) dst(%dma_wait3A_229 : memref<10240x128xf32, #tpu.memory_space<vmem_shared>>)
        tpu.yield
      }) : () -> ()
      %add3A_150 = arith.constant 5 : i32
      %add3A_151 = arith.addi %add3A_130, %add3A_150 : i32
      %lt3A_152 = arith.constant 160 : i32
      %lt3A_153 = arith.cmpi slt, %add3A_151, %lt3A_152 : i32
      %convert_element_type3A_154 = arith.extui %lt3A_153 : i1 to i32
      %cond3A_155 = arith.constant 0 : i32
      %cond3A_156 = arith.cmpi ne, %convert_element_type3A_154, %cond3A_155 : i32
      scf.if %cond3A_156 {
        %add3A_217 = arith.constant 5 : i32
        %add3A_218 = arith.addi %add3A_130, %add3A_217 : i32
        %dma_start3A_219 = arith.constant 2 : i32
        %dma_start3A_220 = arith.constant 0 : i32
        %dma_start3A_221 = arith.constant 0 : i32
        %dma_start3A_222 = tpu.memref_slice %arg6[%dma_start3A_219, %dma_start3A_220, %dma_start3A_221] : memref<5x2x64xi32, #tpu.memory_space<vmem>> -> memref<1x2x64xi32, #tpu.memory_space<vmem>>
        %dma_start3A_223 = tpu.memref_squeeze %dma_start3A_222 : memref<1x2x64xi32, #tpu.memory_space<vmem>> -> memref<2x64xi32, #tpu.memory_space<vmem>>
        %dma_start3A_224 = arith.constant 0 : i32
        %dma_start3A_225 = arith.constant 0 : i32
        %dma_start3A_226 = tpu.memref_slice %arg3[%add3A, %add3A_218, %dma_start3A_224, %dma_start3A_225] : memref<32x160x2x64xi32, #tpu.memory_space<hbm>> -> memref<1x1x2x64xi32, #tpu.memory_space<hbm>>
        %dma_start3A_227 = tpu.memref_squeeze %dma_start3A_226 : memref<1x1x2x64xi32, #tpu.memory_space<hbm>> -> memref<2x64xi32, #tpu.memory_space<hbm>>
        %dma_start3A_228 = arith.constant 0 : i32
        %dma_start3A_229 = arith.constant 0 : i32
        %dma_start3A_230 = tpu.memref_slice %arg6[%dma_start3A_219, %dma_start3A_228, %dma_start3A_229] : memref<5x2x64xi32, #tpu.memory_space<vmem>> -> memref<1x2x64xi32, #tpu.memory_space<vmem>>
        %dma_start3A_231 = tpu.memref_squeeze %dma_start3A_230 : memref<1x2x64xi32, #tpu.memory_space<vmem>> -> memref<2x64xi32, #tpu.memory_space<vmem>>
        %dma_start3A_232 = arith.constant 0 : i32
        %dma_start3A_233 = arith.constant 0 : i32
        %dma_start3A_234 = tpu.memref_slice %arg3[%add3A, %add3A_218, %dma_start3A_232, %dma_start3A_233] : memref<32x160x2x64xi32, #tpu.memory_space<hbm>> -> memref<1x1x2x64xi32, #tpu.memory_space<hbm>>
        %dma_start3A_235 = tpu.memref_squeeze %dma_start3A_234 : memref<1x1x2x64xi32, #tpu.memory_space<hbm>> -> memref<2x64xi32, #tpu.memory_space<hbm>>
        tpu.enqueue_dma source(%dma_start3A_235 : memref<2x64xi32, #tpu.memory_space<hbm>>) target(%dma_start3A_231 : memref<2x64xi32, #tpu.memory_space<vmem>>) target_semaphore(%arg20 : memref<!tpu.dma_semaphore, #tpu.memory_space<semaphore_mem>>)
      } else {
      }
      %mul3A_157 = arith.constant 5 : i32
      %mul3A_158 = arith.muli %scan3A_71, %mul3A_157 : i32
      %add3A_159 = arith.constant 3 : i32
      %add3A_160 = arith.addi %mul3A_158, %add3A_159 : i32
      %add3A_161 = arith.constant 5 : i32
      %add3A_162 = arith.addi %add3A_160, %add3A_161 : i32
      %sub3A_163 = arith.constant 1 : i32
      %sub3A_164 = arith.subi %add3A_162, %sub3A_163 : i32
      %lt3A_165 = arith.constant 160 : i32
      %lt3A_166 = arith.cmpi slt, %sub3A_164, %lt3A_165 : i32
      %convert_element_type3A_167 = arith.extui %lt3A_166 : i1 to i32
      %cond3A_168 = arith.constant 0 : i32
      %cond3A_169 = arith.cmpi ne, %convert_element_type3A_167, %cond3A_168 : i32
      scf.if %cond3A_169 {
        %dma_wait3A_217 = arith.constant 2 : i32
        %dma_wait3A_218 = arith.constant 0 : i32
        %dma_wait3A_219 = arith.constant 0 : i32
        %dma_wait3A_220 = tpu.memref_slice %arg6[%dma_wait3A_217, %dma_wait3A_218, %dma_wait3A_219] : memref<5x2x64xi32, #tpu.memory_space<vmem>> -> memref<1x2x64xi32, #tpu.memory_space<vmem>>
        %dma_wait3A_221 = tpu.memref_squeeze %dma_wait3A_220 : memref<1x2x64xi32, #tpu.memory_space<vmem>> -> memref<2x64xi32, #tpu.memory_space<vmem>>
        %dma_wait3A_222 = arith.constant 0 : i32
        %dma_wait3A_223 = arith.constant 0 : i32
        %dma_wait3A_224 = tpu.memref_slice %arg3[%add3A, %sub3A_164, %dma_wait3A_222, %dma_wait3A_223] : memref<32x160x2x64xi32, #tpu.memory_space<hbm>> -> memref<1x1x2x64xi32, #tpu.memory_space<hbm>>
        %dma_wait3A_225 = tpu.memref_squeeze %dma_wait3A_224 : memref<1x1x2x64xi32, #tpu.memory_space<hbm>> -> memref<2x64xi32, #tpu.memory_space<hbm>>
        %dma_wait3A_226 = arith.constant 0 : i32
        %dma_wait3A_227 = arith.constant 0 : i32
        %dma_wait3A_228 = tpu.memref_slice %arg6[%dma_wait3A_217, %dma_wait3A_226, %dma_wait3A_227] : memref<5x2x64xi32, #tpu.memory_space<vmem>> -> memref<1x2x64xi32, #tpu.memory_space<vmem>>
        %dma_wait3A_229 = tpu.memref_squeeze %dma_wait3A_228 : memref<1x2x64xi32, #tpu.memory_space<vmem>> -> memref<2x64xi32, #tpu.memory_space<vmem>>
        %dma_wait3A_230 = arith.constant 0 : i32
        %dma_wait3A_231 = arith.constant 0 : i32
        %dma_wait3A_232 = tpu.memref_slice %arg3[%add3A, %sub3A_164, %dma_wait3A_230, %dma_wait3A_231] : memref<32x160x2x64xi32, #tpu.memory_space<hbm>> -> memref<1x1x2x64xi32, #tpu.memory_space<hbm>>
        %dma_wait3A_233 = tpu.memref_squeeze %dma_wait3A_232 : memref<1x1x2x64xi32, #tpu.memory_space<hbm>> -> memref<2x64xi32, #tpu.memory_space<hbm>>
        tpu.wait_dma2 semaphore(%arg20 : memref<!tpu.dma_semaphore, #tpu.memory_space<semaphore_mem>>) src(%dma_wait3A_233 : memref<2x64xi32, #tpu.memory_space<hbm>>) dst(%dma_wait3A_229 : memref<2x64xi32, #tpu.memory_space<vmem>>)
        %dma_start3A_234 = arith.constant 2 : i32
        %dma_start3A_235 = arith.constant 0 : i32
        %dma_start3A_236 = arith.constant 0 : i32
        %dma_start3A_237 = tpu.memref_slice %arg6[%dma_start3A_234, %dma_start3A_235, %dma_start3A_236] : memref<5x2x64xi32, #tpu.memory_space<vmem>> -> memref<1x1x64xi32, #tpu.memory_space<vmem>>
        %dma_start3A_238 = tpu.memref_squeeze %dma_start3A_237 : memref<1x1x64xi32, #tpu.memory_space<vmem>> -> memref<64xi32, #tpu.memory_space<vmem>>
        %dma_start3A_239 = arith.constant 0 : i32
        %dma_start3A_240 = arith.constant 0 : i32
        %dma_start3A_241 = tpu.memref_slice %arg2[%dma_start3A_239, %dma_start3A_240] : memref<10000x128xf32, #tpu.memory_space<hbm>> -> memref<10000x128xf32, #tpu.memory_space<hbm>>
        tpu.enqueue_indirect_dma source(%dma_start3A_241 : memref<10000x128xf32, #tpu.memory_space<hbm>>) target(%arg9 : memref<64x128xf32, #tpu.memory_space<vmem>>) offsets(%dma_start3A_238 : memref<64xi32, #tpu.memory_space<vmem>>) semaphore(%arg15 : memref<!tpu.dma_semaphore, #tpu.memory_space<semaphore_mem>>)
      } else {
      }
      %dma_wait3A_170 = arith.constant 3 : i32
      %dma_wait3A_171 = arith.constant 0 : i32
      %dma_wait3A_172 = arith.constant 0 : i32
      %dma_wait3A_173 = tpu.memref_slice %arg6[%dma_wait3A_170, %dma_wait3A_171, %dma_wait3A_172] : memref<5x2x64xi32, #tpu.memory_space<vmem>> -> memref<1x1x64xi32, #tpu.memory_space<vmem>>
      %dma_wait3A_174 = tpu.memref_squeeze %dma_wait3A_173 : memref<1x1x64xi32, #tpu.memory_space<vmem>> -> memref<64xi32, #tpu.memory_space<vmem>>
      %dma_wait3A_175 = arith.constant 0 : i32
      %dma_wait3A_176 = arith.constant 0 : i32
      %dma_wait3A_177 = tpu.memref_slice %arg2[%dma_wait3A_175, %dma_wait3A_176] : memref<10000x128xf32, #tpu.memory_space<hbm>> -> memref<10000x128xf32, #tpu.memory_space<hbm>>
      tpu.wait_indirect_dma semaphore(%arg16 : memref<!tpu.dma_semaphore, #tpu.memory_space<semaphore_mem>>) src(%dma_wait3A_177 : memref<10000x128xf32, #tpu.memory_space<hbm>>) dst(%arg10 : memref<64x128xf32, #tpu.memory_space<vmem>>)
      %run_scoped3A_178 = arith.constant 3 : i32
      %run_scoped3A_179 = arith.constant 1 : i32
      "tpu.region"() ({
        %run_scoped3A_217 = tpu.sem_alloc : memref<!tpu.dma_semaphore, #tpu.memory_space<semaphore_mem>>
        %dma_start3A_218 = arith.constant 0 : i32
        %dma_start3A_219 = tpu.memref_slice %arg6[%run_scoped3A_178, %run_scoped3A_179, %dma_start3A_218] : memref<5x2x64xi32, #tpu.memory_space<vmem>> -> memref<1x1x64xi32, #tpu.memory_space<vmem>>
        %dma_start3A_220 = tpu.memref_squeeze %dma_start3A_219 : memref<1x1x64xi32, #tpu.memory_space<vmem>> -> memref<64xi32, #tpu.memory_space<vmem>>
        %dma_start3A_221 = arith.constant 0 : i32
        %dma_start3A_222 = arith.constant 0 : i32
        %dma_start3A_223 = tpu.memref_slice %arg12[%dma_start3A_221, %dma_start3A_222] : memref<10240x128xf32, #tpu.memory_space<vmem_shared>> -> memref<10240x128xf32, #tpu.memory_space<vmem_shared>>
        tpu.enqueue_indirect_dma source(%arg10 : memref<64x128xf32, #tpu.memory_space<vmem>>) target(%dma_start3A_223 : memref<10240x128xf32, #tpu.memory_space<vmem_shared>>) offsets(%dma_start3A_220 : memref<64xi32, #tpu.memory_space<vmem>>) semaphore(%run_scoped3A_217 : memref<!tpu.dma_semaphore, #tpu.memory_space<semaphore_mem>>) {add = true}
        %dma_wait3A_224 = arith.constant 0 : i32
        %dma_wait3A_225 = tpu.memref_slice %arg6[%run_scoped3A_178, %run_scoped3A_179, %dma_wait3A_224] : memref<5x2x64xi32, #tpu.memory_space<vmem>> -> memref<1x1x64xi32, #tpu.memory_space<vmem>>
        %dma_wait3A_226 = tpu.memref_squeeze %dma_wait3A_225 : memref<1x1x64xi32, #tpu.memory_space<vmem>> -> memref<64xi32, #tpu.memory_space<vmem>>
        %dma_wait3A_227 = arith.constant 0 : i32
        %dma_wait3A_228 = arith.constant 0 : i32
        %dma_wait3A_229 = tpu.memref_slice %arg12[%dma_wait3A_227, %dma_wait3A_228] : memref<10240x128xf32, #tpu.memory_space<vmem_shared>> -> memref<10240x128xf32, #tpu.memory_space<vmem_shared>>
        tpu.wait_indirect_dma semaphore(%run_scoped3A_217 : memref<!tpu.dma_semaphore, #tpu.memory_space<semaphore_mem>>) src(%arg10 : memref<64x128xf32, #tpu.memory_space<vmem>>) dst(%dma_wait3A_229 : memref<10240x128xf32, #tpu.memory_space<vmem_shared>>)
        tpu.yield
      }) : () -> ()
      %add3A_180 = arith.constant 5 : i32
      %add3A_181 = arith.addi %add3A_160, %add3A_180 : i32
      %lt3A_182 = arith.constant 160 : i32
      %lt3A_183 = arith.cmpi slt, %add3A_181, %lt3A_182 : i32
      %convert_element_type3A_184 = arith.extui %lt3A_183 : i1 to i32
      %cond3A_185 = arith.constant 0 : i32
      %cond3A_186 = arith.cmpi ne, %convert_element_type3A_184, %cond3A_185 : i32
      scf.if %cond3A_186 {
        %add3A_217 = arith.constant 5 : i32
        %add3A_218 = arith.addi %add3A_160, %add3A_217 : i32
        %dma_start3A_219 = arith.constant 3 : i32
        %dma_start3A_220 = arith.constant 0 : i32
        %dma_start3A_221 = arith.constant 0 : i32
        %dma_start3A_222 = tpu.memref_slice %arg6[%dma_start3A_219, %dma_start3A_220, %dma_start3A_221] : memref<5x2x64xi32, #tpu.memory_space<vmem>> -> memref<1x2x64xi32, #tpu.memory_space<vmem>>
        %dma_start3A_223 = tpu.memref_squeeze %dma_start3A_222 : memref<1x2x64xi32, #tpu.memory_space<vmem>> -> memref<2x64xi32, #tpu.memory_space<vmem>>
        %dma_start3A_224 = arith.constant 0 : i32
        %dma_start3A_225 = arith.constant 0 : i32
        %dma_start3A_226 = tpu.memref_slice %arg3[%add3A, %add3A_218, %dma_start3A_224, %dma_start3A_225] : memref<32x160x2x64xi32, #tpu.memory_space<hbm>> -> memref<1x1x2x64xi32, #tpu.memory_space<hbm>>
        %dma_start3A_227 = tpu.memref_squeeze %dma_start3A_226 : memref<1x1x2x64xi32, #tpu.memory_space<hbm>> -> memref<2x64xi32, #tpu.memory_space<hbm>>
        %dma_start3A_228 = arith.constant 0 : i32
        %dma_start3A_229 = arith.constant 0 : i32
        %dma_start3A_230 = tpu.memref_slice %arg6[%dma_start3A_219, %dma_start3A_228, %dma_start3A_229] : memref<5x2x64xi32, #tpu.memory_space<vmem>> -> memref<1x2x64xi32, #tpu.memory_space<vmem>>
        %dma_start3A_231 = tpu.memref_squeeze %dma_start3A_230 : memref<1x2x64xi32, #tpu.memory_space<vmem>> -> memref<2x64xi32, #tpu.memory_space<vmem>>
        %dma_start3A_232 = arith.constant 0 : i32
        %dma_start3A_233 = arith.constant 0 : i32
        %dma_start3A_234 = tpu.memref_slice %arg3[%add3A, %add3A_218, %dma_start3A_232, %dma_start3A_233] : memref<32x160x2x64xi32, #tpu.memory_space<hbm>> -> memref<1x1x2x64xi32, #tpu.memory_space<hbm>>
        %dma_start3A_235 = tpu.memref_squeeze %dma_start3A_234 : memref<1x1x2x64xi32, #tpu.memory_space<hbm>> -> memref<2x64xi32, #tpu.memory_space<hbm>>
        tpu.enqueue_dma source(%dma_start3A_235 : memref<2x64xi32, #tpu.memory_space<hbm>>) target(%dma_start3A_231 : memref<2x64xi32, #tpu.memory_space<vmem>>) target_semaphore(%arg21 : memref<!tpu.dma_semaphore, #tpu.memory_space<semaphore_mem>>)
      } else {
      }
      %mul3A_187 = arith.constant 5 : i32
      %mul3A_188 = arith.muli %scan3A_71, %mul3A_187 : i32
      %add3A_189 = arith.constant 4 : i32
      %add3A_190 = arith.addi %mul3A_188, %add3A_189 : i32
      %add3A_191 = arith.constant 5 : i32
      %add3A_192 = arith.addi %add3A_190, %add3A_191 : i32
      %sub3A_193 = arith.constant 1 : i32
      %sub3A_194 = arith.subi %add3A_192, %sub3A_193 : i32
      %lt3A_195 = arith.constant 160 : i32
      %lt3A_196 = arith.cmpi slt, %sub3A_194, %lt3A_195 : i32
      %convert_element_type3A_197 = arith.extui %lt3A_196 : i1 to i32
      %cond3A_198 = arith.constant 0 : i32
      %cond3A_199 = arith.cmpi ne, %convert_element_type3A_197, %cond3A_198 : i32
      scf.if %cond3A_199 {
        %dma_wait3A_217 = arith.constant 3 : i32
        %dma_wait3A_218 = arith.constant 0 : i32
        %dma_wait3A_219 = arith.constant 0 : i32
        %dma_wait3A_220 = tpu.memref_slice %arg6[%dma_wait3A_217, %dma_wait3A_218, %dma_wait3A_219] : memref<5x2x64xi32, #tpu.memory_space<vmem>> -> memref<1x2x64xi32, #tpu.memory_space<vmem>>
        %dma_wait3A_221 = tpu.memref_squeeze %dma_wait3A_220 : memref<1x2x64xi32, #tpu.memory_space<vmem>> -> memref<2x64xi32, #tpu.memory_space<vmem>>
        %dma_wait3A_222 = arith.constant 0 : i32
        %dma_wait3A_223 = arith.constant 0 : i32
        %dma_wait3A_224 = tpu.memref_slice %arg3[%add3A, %sub3A_194, %dma_wait3A_222, %dma_wait3A_223] : memref<32x160x2x64xi32, #tpu.memory_space<hbm>> -> memref<1x1x2x64xi32, #tpu.memory_space<hbm>>
        %dma_wait3A_225 = tpu.memref_squeeze %dma_wait3A_224 : memref<1x1x2x64xi32, #tpu.memory_space<hbm>> -> memref<2x64xi32, #tpu.memory_space<hbm>>
        %dma_wait3A_226 = arith.constant 0 : i32
        %dma_wait3A_227 = arith.constant 0 : i32
        %dma_wait3A_228 = tpu.memref_slice %arg6[%dma_wait3A_217, %dma_wait3A_226, %dma_wait3A_227] : memref<5x2x64xi32, #tpu.memory_space<vmem>> -> memref<1x2x64xi32, #tpu.memory_space<vmem>>
        %dma_wait3A_229 = tpu.memref_squeeze %dma_wait3A_228 : memref<1x2x64xi32, #tpu.memory_space<vmem>> -> memref<2x64xi32, #tpu.memory_space<vmem>>
        %dma_wait3A_230 = arith.constant 0 : i32
        %dma_wait3A_231 = arith.constant 0 : i32
        %dma_wait3A_232 = tpu.memref_slice %arg3[%add3A, %sub3A_194, %dma_wait3A_230, %dma_wait3A_231] : memref<32x160x2x64xi32, #tpu.memory_space<hbm>> -> memref<1x1x2x64xi32, #tpu.memory_space<hbm>>
        %dma_wait3A_233 = tpu.memref_squeeze %dma_wait3A_232 : memref<1x1x2x64xi32, #tpu.memory_space<hbm>> -> memref<2x64xi32, #tpu.memory_space<hbm>>
        tpu.wait_dma2 semaphore(%arg21 : memref<!tpu.dma_semaphore, #tpu.memory_space<semaphore_mem>>) src(%dma_wait3A_233 : memref<2x64xi32, #tpu.memory_space<hbm>>) dst(%dma_wait3A_229 : memref<2x64xi32, #tpu.memory_space<vmem>>)
        %dma_start3A_234 = arith.constant 3 : i32
        %dma_start3A_235 = arith.constant 0 : i32
        %dma_start3A_236 = arith.constant 0 : i32
        %dma_start3A_237 = tpu.memref_slice %arg6[%dma_start3A_234, %dma_start3A_235, %dma_start3A_236] : memref<5x2x64xi32, #tpu.memory_space<vmem>> -> memref<1x1x64xi32, #tpu.memory_space<vmem>>
        %dma_start3A_238 = tpu.memref_squeeze %dma_start3A_237 : memref<1x1x64xi32, #tpu.memory_space<vmem>> -> memref<64xi32, #tpu.memory_space<vmem>>
        %dma_start3A_239 = arith.constant 0 : i32
        %dma_start3A_240 = arith.constant 0 : i32
        %dma_start3A_241 = tpu.memref_slice %arg2[%dma_start3A_239, %dma_start3A_240] : memref<10000x128xf32, #tpu.memory_space<hbm>> -> memref<10000x128xf32, #tpu.memory_space<hbm>>
        tpu.enqueue_indirect_dma source(%dma_start3A_241 : memref<10000x128xf32, #tpu.memory_space<hbm>>) target(%arg10 : memref<64x128xf32, #tpu.memory_space<vmem>>) offsets(%dma_start3A_238 : memref<64xi32, #tpu.memory_space<vmem>>) semaphore(%arg16 : memref<!tpu.dma_semaphore, #tpu.memory_space<semaphore_mem>>)
      } else {
      }
      %dma_wait3A_200 = arith.constant 4 : i32
      %dma_wait3A_201 = arith.constant 0 : i32
      %dma_wait3A_202 = arith.constant 0 : i32
      %dma_wait3A_203 = tpu.memref_slice %arg6[%dma_wait3A_200, %dma_wait3A_201, %dma_wait3A_202] : memref<5x2x64xi32, #tpu.memory_space<vmem>> -> memref<1x1x64xi32, #tpu.memory_space<vmem>>
      %dma_wait3A_204 = tpu.memref_squeeze %dma_wait3A_203 : memref<1x1x64xi32, #tpu.memory_space<vmem>> -> memref<64xi32, #tpu.memory_space<vmem>>
      %dma_wait3A_205 = arith.constant 0 : i32
      %dma_wait3A_206 = arith.constant 0 : i32
      %dma_wait3A_207 = tpu.memref_slice %arg2[%dma_wait3A_205, %dma_wait3A_206] : memref<10000x128xf32, #tpu.memory_space<hbm>> -> memref<10000x128xf32, #tpu.memory_space<hbm>>
      tpu.wait_indirect_dma semaphore(%arg17 : memref<!tpu.dma_semaphore, #tpu.memory_space<semaphore_mem>>) src(%dma_wait3A_207 : memref<10000x128xf32, #tpu.memory_space<hbm>>) dst(%arg11 : memref<64x128xf32, #tpu.memory_space<vmem>>)
      %run_scoped3A_208 = arith.constant 4 : i32
      %run_scoped3A_209 = arith.constant 1 : i32
      "tpu.region"() ({
        %run_scoped3A_217 = tpu.sem_alloc : memref<!tpu.dma_semaphore, #tpu.memory_space<semaphore_mem>>
        %dma_start3A_218 = arith.constant 0 : i32
        %dma_start3A_219 = tpu.memref_slice %arg6[%run_scoped3A_208, %run_scoped3A_209, %dma_start3A_218] : memref<5x2x64xi32, #tpu.memory_space<vmem>> -> memref<1x1x64xi32, #tpu.memory_space<vmem>>
        %dma_start3A_220 = tpu.memref_squeeze %dma_start3A_219 : memref<1x1x64xi32, #tpu.memory_space<vmem>> -> memref<64xi32, #tpu.memory_space<vmem>>
        %dma_start3A_221 = arith.constant 0 : i32
        %dma_start3A_222 = arith.constant 0 : i32
        %dma_start3A_223 = tpu.memref_slice %arg12[%dma_start3A_221, %dma_start3A_222] : memref<10240x128xf32, #tpu.memory_space<vmem_shared>> -> memref<10240x128xf32, #tpu.memory_space<vmem_shared>>
        tpu.enqueue_indirect_dma source(%arg11 : memref<64x128xf32, #tpu.memory_space<vmem>>) target(%dma_start3A_223 : memref<10240x128xf32, #tpu.memory_space<vmem_shared>>) offsets(%dma_start3A_220 : memref<64xi32, #tpu.memory_space<vmem>>) semaphore(%run_scoped3A_217 : memref<!tpu.dma_semaphore, #tpu.memory_space<semaphore_mem>>) {add = true}
        %dma_wait3A_224 = arith.constant 0 : i32
        %dma_wait3A_225 = tpu.memref_slice %arg6[%run_scoped3A_208, %run_scoped3A_209, %dma_wait3A_224] : memref<5x2x64xi32, #tpu.memory_space<vmem>> -> memref<1x1x64xi32, #tpu.memory_space<vmem>>
        %dma_wait3A_226 = tpu.memref_squeeze %dma_wait3A_225 : memref<1x1x64xi32, #tpu.memory_space<vmem>> -> memref<64xi32, #tpu.memory_space<vmem>>
        %dma_wait3A_227 = arith.constant 0 : i32
        %dma_wait3A_228 = arith.constant 0 : i32
        %dma_wait3A_229 = tpu.memref_slice %arg12[%dma_wait3A_227, %dma_wait3A_228] : memref<10240x128xf32, #tpu.memory_space<vmem_shared>> -> memref<10240x128xf32, #tpu.memory_space<vmem_shared>>
        tpu.wait_indirect_dma semaphore(%run_scoped3A_217 : memref<!tpu.dma_semaphore, #tpu.memory_space<semaphore_mem>>) src(%arg11 : memref<64x128xf32, #tpu.memory_space<vmem>>) dst(%dma_wait3A_229 : memref<10240x128xf32, #tpu.memory_space<vmem_shared>>)
        tpu.yield
      }) : () -> ()
      %add3A_210 = arith.constant 5 : i32
      %add3A_211 = arith.addi %add3A_190, %add3A_210 : i32
      %lt3A_212 = arith.constant 160 : i32
      %lt3A_213 = arith.cmpi slt, %add3A_211, %lt3A_212 : i32
      %convert_element_type3A_214 = arith.extui %lt3A_213 : i1 to i32
      %cond3A_215 = arith.constant 0 : i32
      %cond3A_216 = arith.cmpi ne, %convert_element_type3A_214, %cond3A_215 : i32
      scf.if %cond3A_216 {
        %add3A_217 = arith.constant 5 : i32
        %add3A_218 = arith.addi %add3A_190, %add3A_217 : i32
        %dma_start3A_219 = arith.constant 4 : i32
        %dma_start3A_220 = arith.constant 0 : i32
        %dma_start3A_221 = arith.constant 0 : i32
        %dma_start3A_222 = tpu.memref_slice %arg6[%dma_start3A_219, %dma_start3A_220, %dma_start3A_221] : memref<5x2x64xi32, #tpu.memory_space<vmem>> -> memref<1x2x64xi32, #tpu.memory_space<vmem>>
        %dma_start3A_223 = tpu.memref_squeeze %dma_start3A_222 : memref<1x2x64xi32, #tpu.memory_space<vmem>> -> memref<2x64xi32, #tpu.memory_space<vmem>>
        %dma_start3A_224 = arith.constant 0 : i32
        %dma_start3A_225 = arith.constant 0 : i32
        %dma_start3A_226 = tpu.memref_slice %arg3[%add3A, %add3A_218, %dma_start3A_224, %dma_start3A_225] : memref<32x160x2x64xi32, #tpu.memory_space<hbm>> -> memref<1x1x2x64xi32, #tpu.memory_space<hbm>>
        %dma_start3A_227 = tpu.memref_squeeze %dma_start3A_226 : memref<1x1x2x64xi32, #tpu.memory_space<hbm>> -> memref<2x64xi32, #tpu.memory_space<hbm>>
        %dma_start3A_228 = arith.constant 0 : i32
        %dma_start3A_229 = arith.constant 0 : i32
        %dma_start3A_230 = tpu.memref_slice %arg6[%dma_start3A_219, %dma_start3A_228, %dma_start3A_229] : memref<5x2x64xi32, #tpu.memory_space<vmem>> -> memref<1x2x64xi32, #tpu.memory_space<vmem>>
        %dma_start3A_231 = tpu.memref_squeeze %dma_start3A_230 : memref<1x2x64xi32, #tpu.memory_space<vmem>> -> memref<2x64xi32, #tpu.memory_space<vmem>>
        %dma_start3A_232 = arith.constant 0 : i32
        %dma_start3A_233 = arith.constant 0 : i32
        %dma_start3A_234 = tpu.memref_slice %arg3[%add3A, %add3A_218, %dma_start3A_232, %dma_start3A_233] : memref<32x160x2x64xi32, #tpu.memory_space<hbm>> -> memref<1x1x2x64xi32, #tpu.memory_space<hbm>>
        %dma_start3A_235 = tpu.memref_squeeze %dma_start3A_234 : memref<1x1x2x64xi32, #tpu.memory_space<hbm>> -> memref<2x64xi32, #tpu.memory_space<hbm>>
        tpu.enqueue_dma source(%dma_start3A_235 : memref<2x64xi32, #tpu.memory_space<hbm>>) target(%dma_start3A_231 : memref<2x64xi32, #tpu.memory_space<vmem>>) target_semaphore(%arg22 : memref<!tpu.dma_semaphore, #tpu.memory_space<semaphore_mem>>)
      } else {
      }
    }
    %scan3A_65 = arith.constant 32 : i32
    %barrier3A_66 = arith.constant 0 : index
    tpu.barrier barrier_id(%barrier3A_66)
    %mul3A_67 = arith.constant 640 : i32
    %mul3A_68 = arith.muli %arg1, %mul3A_67 : i32
    %mul3A_69 = arith.constant 640 : i32
    %mul3A_70 = arith.muli %arg1, %mul3A_69 : i32
    "tpu.region"() ({
      %run_scoped3A_71 = tpu.sem_alloc : memref<!tpu.dma_semaphore, #tpu.memory_space<semaphore_mem>>
      %dma_start3A_72 = arith.constant 0 : i32
      %dma_start3A_73 = tpu.memref_slice %arg5[%arg0, %mul3A_70, %dma_start3A_72] : memref<2x10240x128xf32, #tpu.memory_space<hbm>> -> memref<1x640x128xf32, #tpu.memory_space<hbm>>
      %dma_start3A_74 = tpu.memref_squeeze %dma_start3A_73 : memref<1x640x128xf32, #tpu.memory_space<hbm>> -> memref<640x128xf32, #tpu.memory_space<hbm>>
      %dma_start3A_75 = arith.constant 0 : i32
      %dma_start3A_76 = tpu.memref_slice %arg12[%mul3A_68, %dma_start3A_75] : memref<10240x128xf32, #tpu.memory_space<vmem_shared>> -> memref<640x128xf32, #tpu.memory_space<vmem_shared>>
      tpu.enqueue_dma source(%dma_start3A_76 : memref<640x128xf32, #tpu.memory_space<vmem_shared>>) target(%dma_start3A_74 : memref<640x128xf32, #tpu.memory_space<hbm>>) target_semaphore(%run_scoped3A_71 : memref<!tpu.dma_semaphore, #tpu.memory_space<semaphore_mem>>)
      %dma_wait3A = arith.constant 0 : i32
      %dma_wait3A_77 = tpu.memref_slice %arg5[%arg0, %mul3A_70, %dma_wait3A] : memref<2x10240x128xf32, #tpu.memory_space<hbm>> -> memref<1x640x128xf32, #tpu.memory_space<hbm>>
      %dma_wait3A_78 = tpu.memref_squeeze %dma_wait3A_77 : memref<1x640x128xf32, #tpu.memory_space<hbm>> -> memref<640x128xf32, #tpu.memory_space<hbm>>
      %dma_wait3A_79 = arith.constant 0 : i32
      %dma_wait3A_80 = tpu.memref_slice %arg12[%mul3A_68, %dma_wait3A_79] : memref<10240x128xf32, #tpu.memory_space<vmem_shared>> -> memref<640x128xf32, #tpu.memory_space<vmem_shared>>
      tpu.wait_dma2 semaphore(%run_scoped3A_71 : memref<!tpu.dma_semaphore, #tpu.memory_space<semaphore_mem>>) src(%dma_wait3A_80 : memref<640x128xf32, #tpu.memory_space<vmem_shared>>) dst(%dma_wait3A_78 : memref<640x128xf32, #tpu.memory_space<hbm>>)
      tpu.yield
    }) : () -> ()
    return
  }
}

#map = affine_map<(d0, d1) -> (0, 0)>
#map1 = affine_map<(d0, d1) -> (0, 0, 0, 0)>
#map2 = affine_map<(d0, d1) -> (0, 0, 0)>
module attributes {stable_mosaic.version = 14 : i64} {
  func.func @_sc_round(%arg0: i32, %arg1: i32, %arg2: memref<10000x128xf32, #tpu.memory_space<hbm>>, %arg3: memref<32x160x2x64xi32, #tpu.memory_space<hbm>>, %arg4: memref<10240x128xf32, #tpu.memory_space<hbm>>, %arg5: memref<2x10240x128xf32, #tpu.memory_space<hbm>>, %arg6: memref<5x2x64xi32, #tpu.memory_space<vmem>>, %arg7: memref<64x128xf32, #tpu.memory_space<vmem>>, %arg8: memref<64x128xf32, #tpu.memory_space<vmem>>, %arg9: memref<64x128xf32, #tpu.memory_space<vmem>>, %arg10: memref<64x128xf32, #tpu.memory_space<vmem>>, %arg11: memref<64x128xf32, #tpu.memory_space<vmem>>, %arg12: memref<10240x128xf32, #tpu.memory_space<vmem_shared>>, %arg13: memref<!tpu.dma_semaphore, #tpu.memory_space<semaphore_mem>>, %arg14: memref<!tpu.dma_semaphore, #tpu.memory_space<semaphore_mem>>, %arg15: memref<!tpu.dma_semaphore, #tpu.memory_space<semaphore_mem>>, %arg16: memref<!tpu.dma_semaphore, #tpu.memory_space<semaphore_mem>>, %arg17: memref<!tpu.dma_semaphore, #tpu.memory_space<semaphore_mem>>, %arg18: memref<!tpu.dma_semaphore, #tpu.memory_space<semaphore_mem>>, %arg19: memref<!tpu.dma_semaphore, #tpu.memory_space<semaphore_mem>>, %arg20: memref<!tpu.dma_semaphore, #tpu.memory_space<semaphore_mem>>, %arg21: memref<!tpu.dma_semaphore, #tpu.memory_space<semaphore_mem>>, %arg22: memref<!tpu.dma_semaphore, #tpu.memory_space<semaphore_mem>>) attributes {dimension_semantics = [#tpu.dimension_semantics<core_parallel>, #tpu.dimension_semantics<subcore_parallel>], iteration_bounds = array<i64: 2, 16>, scalar_prefetch = 0 : i64, scratch_operands = 17 : i64, tpu.core_type = #tpu.core_type<sc_vector_subcore>, window_params = [{transform_indices = #map}, {transform_indices = #map1}, {transform_indices = #map}, {transform_indices = #map2}]} {
    %mul3A = arith.constant 16 : i32
    %mul3A_0 = arith.muli %arg0, %mul3A : i32
    %add3A = arith.addi %mul3A_0, %arg1 : i32
    %mul3A_1 = arith.constant 640 : i32
    %mul3A_2 = arith.muli %arg1, %mul3A_1 : i32
    %mul3A_3 = arith.constant 640 : i32
    %mul3A_4 = arith.muli %arg1, %mul3A_3 : i32
    "tpu.region"() ({
      %run_scoped3A_71 = tpu.sem_alloc : memref<!tpu.dma_semaphore, #tpu.memory_space<semaphore_mem>>
      %dma_start3A_72 = arith.constant 0 : i32
      %dma_start3A_73 = tpu.memref_slice %arg12[%mul3A_4, %dma_start3A_72] : memref<10240x128xf32, #tpu.memory_space<vmem_shared>> -> memref<640x128xf32, #tpu.memory_space<vmem_shared>>
      %dma_start3A_74 = arith.constant 0 : i32
      %dma_start3A_75 = tpu.memref_slice %arg4[%mul3A_2, %dma_start3A_74] : memref<10240x128xf32, #tpu.memory_space<hbm>> -> memref<640x128xf32, #tpu.memory_space<hbm>>
      tpu.enqueue_dma source(%dma_start3A_75 : memref<640x128xf32, #tpu.memory_space<hbm>>) target(%dma_start3A_73 : memref<640x128xf32, #tpu.memory_space<vmem_shared>>) target_semaphore(%run_scoped3A_71 : memref<!tpu.dma_semaphore, #tpu.memory_space<semaphore_mem>>)
      %dma_wait3A = arith.constant 0 : i32
      %dma_wait3A_76 = tpu.memref_slice %arg12[%mul3A_4, %dma_wait3A] : memref<10240x128xf32, #tpu.memory_space<vmem_shared>> -> memref<640x128xf32, #tpu.memory_space<vmem_shared>>
      %dma_wait3A_77 = arith.constant 0 : i32
      %dma_wait3A_78 = tpu.memref_slice %arg4[%mul3A_2, %dma_wait3A_77] : memref<10240x128xf32, #tpu.memory_space<hbm>> -> memref<640x128xf32, #tpu.memory_space<hbm>>
      tpu.wait_dma2 semaphore(%run_scoped3A_71 : memref<!tpu.dma_semaphore, #tpu.memory_space<semaphore_mem>>) src(%dma_wait3A_78 : memref<640x128xf32, #tpu.memory_space<hbm>>) dst(%dma_wait3A_76 : memref<640x128xf32, #tpu.memory_space<vmem_shared>>)
      tpu.yield
    }) : () -> ()
    %barrier3A = arith.constant 0 : index
    tpu.barrier barrier_id(%barrier3A)
    %run_scoped3A = arith.constant 0 : i32
    %run_scoped3A_5 = arith.constant 0 : i32
    "tpu.region"() ({
      %run_scoped3A_71 = tpu.sem_alloc : memref<!tpu.dma_semaphore, #tpu.memory_space<semaphore_mem>>
      %dma_start3A_72 = arith.constant 0 : i32
      %dma_start3A_73 = arith.constant 0 : i32
      %dma_start3A_74 = tpu.memref_slice %arg6[%run_scoped3A_5, %dma_start3A_72, %dma_start3A_73] : memref<5x2x64xi32, #tpu.memory_space<vmem>> -> memref<1x2x64xi32, #tpu.memory_space<vmem>>
      %dma_start3A_75 = tpu.memref_squeeze %dma_start3A_74 : memref<1x2x64xi32, #tpu.memory_space<vmem>> -> memref<2x64xi32, #tpu.memory_space<vmem>>
      %dma_start3A_76 = arith.constant 0 : i32
      %dma_start3A_77 = arith.constant 0 : i32
      %dma_start3A_78 = tpu.memref_slice %arg3[%add3A, %run_scoped3A, %dma_start3A_76, %dma_start3A_77] : memref<32x160x2x64xi32, #tpu.memory_space<hbm>> -> memref<1x1x2x64xi32, #tpu.memory_space<hbm>>
      %dma_start3A_79 = tpu.memref_squeeze %dma_start3A_78 : memref<1x1x2x64xi32, #tpu.memory_space<hbm>> -> memref<2x64xi32, #tpu.memory_space<hbm>>
      %dma_start3A_80 = arith.constant 0 : i32
      %dma_start3A_81 = arith.constant 0 : i32
      %dma_start3A_82 = tpu.memref_slice %arg6[%run_scoped3A_5, %dma_start3A_80, %dma_start3A_81] : memref<5x2x64xi32, #tpu.memory_space<vmem>> -> memref<1x2x64xi32, #tpu.memory_space<vmem>>
      %dma_start3A_83 = tpu.memref_squeeze %dma_start3A_82 : memref<1x2x64xi32, #tpu.memory_space<vmem>> -> memref<2x64xi32, #tpu.memory_space<vmem>>
      %dma_start3A_84 = arith.constant 0 : i32
      %dma_start3A_85 = arith.constant 0 : i32
      %dma_start3A_86 = tpu.memref_slice %arg3[%add3A, %run_scoped3A, %dma_start3A_84, %dma_start3A_85] : memref<32x160x2x64xi32, #tpu.memory_space<hbm>> -> memref<1x1x2x64xi32, #tpu.memory_space<hbm>>
      %dma_start3A_87 = tpu.memref_squeeze %dma_start3A_86 : memref<1x1x2x64xi32, #tpu.memory_space<hbm>> -> memref<2x64xi32, #tpu.memory_space<hbm>>
      tpu.enqueue_dma source(%dma_start3A_87 : memref<2x64xi32, #tpu.memory_space<hbm>>) target(%dma_start3A_83 : memref<2x64xi32, #tpu.memory_space<vmem>>) target_semaphore(%run_scoped3A_71 : memref<!tpu.dma_semaphore, #tpu.memory_space<semaphore_mem>>)
      %dma_wait3A = arith.constant 0 : i32
      %dma_wait3A_88 = arith.constant 0 : i32
      %dma_wait3A_89 = tpu.memref_slice %arg6[%run_scoped3A_5, %dma_wait3A, %dma_wait3A_88] : memref<5x2x64xi32, #tpu.memory_space<vmem>> -> memref<1x2x64xi32, #tpu.memory_space<vmem>>
      %dma_wait3A_90 = tpu.memref_squeeze %dma_wait3A_89 : memref<1x2x64xi32, #tpu.memory_space<vmem>> -> memref<2x64xi32, #tpu.memory_space<vmem>>
      %dma_wait3A_91 = arith.constant 0 : i32
      %dma_wait3A_92 = arith.constant 0 : i32
      %dma_wait3A_93 = tpu.memref_slice %arg3[%add3A, %run_scoped3A, %dma_wait3A_91, %dma_wait3A_92] : memref<32x160x2x64xi32, #tpu.memory_space<hbm>> -> memref<1x1x2x64xi32, #tpu.memory_space<hbm>>
      %dma_wait3A_94 = tpu.memref_squeeze %dma_wait3A_93 : memref<1x1x2x64xi32, #tpu.memory_space<hbm>> -> memref<2x64xi32, #tpu.memory_space<hbm>>
      %dma_wait3A_95 = arith.constant 0 : i32
      %dma_wait3A_96 = arith.constant 0 : i32
      %dma_wait3A_97 = tpu.memref_slice %arg6[%run_scoped3A_5, %dma_wait3A_95, %dma_wait3A_96] : memref<5x2x64xi32, #tpu.memory_space<vmem>> -> memref<1x2x64xi32, #tpu.memory_space<vmem>>
      %dma_wait3A_98 = tpu.memref_squeeze %dma_wait3A_97 : memref<1x2x64xi32, #tpu.memory_space<vmem>> -> memref<2x64xi32, #tpu.memory_space<vmem>>
      %dma_wait3A_99 = arith.constant 0 : i32
      %dma_wait3A_100 = arith.constant 0 : i32
      %dma_wait3A_101 = tpu.memref_slice %arg3[%add3A, %run_scoped3A, %dma_wait3A_99, %dma_wait3A_100] : memref<32x160x2x64xi32, #tpu.memory_space<hbm>> -> memref<1x1x2x64xi32, #tpu.memory_space<hbm>>
      %dma_wait3A_102 = tpu.memref_squeeze %dma_wait3A_101 : memref<1x1x2x64xi32, #tpu.memory_space<hbm>> -> memref<2x64xi32, #tpu.memory_space<hbm>>
      tpu.wait_dma2 semaphore(%run_scoped3A_71 : memref<!tpu.dma_semaphore, #tpu.memory_space<semaphore_mem>>) src(%dma_wait3A_102 : memref<2x64xi32, #tpu.memory_space<hbm>>) dst(%dma_wait3A_98 : memref<2x64xi32, #tpu.memory_space<vmem>>)
      tpu.yield
    }) : () -> ()
    %dma_start3A = arith.constant 0 : i32
    %dma_start3A_6 = arith.constant 0 : i32
    %dma_start3A_7 = arith.constant 0 : i32
    %dma_start3A_8 = tpu.memref_slice %arg6[%dma_start3A, %dma_start3A_6, %dma_start3A_7] : memref<5x2x64xi32, #tpu.memory_space<vmem>> -> memref<1x1x64xi32, #tpu.memory_space<vmem>>
    %dma_start3A_9 = tpu.memref_squeeze %dma_start3A_8 : memref<1x1x64xi32, #tpu.memory_space<vmem>> -> memref<64xi32, #tpu.memory_space<vmem>>
    %dma_start3A_10 = arith.constant 0 : i32
    %dma_start3A_11 = arith.constant 0 : i32
    %dma_start3A_12 = tpu.memref_slice %arg2[%dma_start3A_10, %dma_start3A_11] : memref<10000x128xf32, #tpu.memory_space<hbm>> -> memref<10000x128xf32, #tpu.memory_space<hbm>>
    tpu.enqueue_indirect_dma source(%dma_start3A_12 : memref<10000x128xf32, #tpu.memory_space<hbm>>) target(%arg7 : memref<64x128xf32, #tpu.memory_space<vmem>>) offsets(%dma_start3A_9 : memref<64xi32, #tpu.memory_space<vmem>>) semaphore(%arg13 : memref<!tpu.dma_semaphore, #tpu.memory_space<semaphore_mem>>)
    %run_scoped3A_13 = arith.constant 1 : i32
    %run_scoped3A_14 = arith.constant 1 : i32
    "tpu.region"() ({
      %run_scoped3A_71 = tpu.sem_alloc : memref<!tpu.dma_semaphore, #tpu.memory_space<semaphore_mem>>
      %dma_start3A_72 = arith.constant 0 : i32
      %dma_start3A_73 = arith.constant 0 : i32
      %dma_start3A_74 = tpu.memref_slice %arg6[%run_scoped3A_14, %dma_start3A_72, %dma_start3A_73] : memref<5x2x64xi32, #tpu.memory_space<vmem>> -> memref<1x2x64xi32, #tpu.memory_space<vmem>>
      %dma_start3A_75 = tpu.memref_squeeze %dma_start3A_74 : memref<1x2x64xi32, #tpu.memory_space<vmem>> -> memref<2x64xi32, #tpu.memory_space<vmem>>
      %dma_start3A_76 = arith.constant 0 : i32
      %dma_start3A_77 = arith.constant 0 : i32
      %dma_start3A_78 = tpu.memref_slice %arg3[%add3A, %run_scoped3A_13, %dma_start3A_76, %dma_start3A_77] : memref<32x160x2x64xi32, #tpu.memory_space<hbm>> -> memref<1x1x2x64xi32, #tpu.memory_space<hbm>>
      %dma_start3A_79 = tpu.memref_squeeze %dma_start3A_78 : memref<1x1x2x64xi32, #tpu.memory_space<hbm>> -> memref<2x64xi32, #tpu.memory_space<hbm>>
      %dma_start3A_80 = arith.constant 0 : i32
      %dma_start3A_81 = arith.constant 0 : i32
      %dma_start3A_82 = tpu.memref_slice %arg6[%run_scoped3A_14, %dma_start3A_80, %dma_start3A_81] : memref<5x2x64xi32, #tpu.memory_space<vmem>> -> memref<1x2x64xi32, #tpu.memory_space<vmem>>
      %dma_start3A_83 = tpu.memref_squeeze %dma_start3A_82 : memref<1x2x64xi32, #tpu.memory_space<vmem>> -> memref<2x64xi32, #tpu.memory_space<vmem>>
      %dma_start3A_84 = arith.constant 0 : i32
      %dma_start3A_85 = arith.constant 0 : i32
      %dma_start3A_86 = tpu.memref_slice %arg3[%add3A, %run_scoped3A_13, %dma_start3A_84, %dma_start3A_85] : memref<32x160x2x64xi32, #tpu.memory_space<hbm>> -> memref<1x1x2x64xi32, #tpu.memory_space<hbm>>
      %dma_start3A_87 = tpu.memref_squeeze %dma_start3A_86 : memref<1x1x2x64xi32, #tpu.memory_space<hbm>> -> memref<2x64xi32, #tpu.memory_space<hbm>>
      tpu.enqueue_dma source(%dma_start3A_87 : memref<2x64xi32, #tpu.memory_space<hbm>>) target(%dma_start3A_83 : memref<2x64xi32, #tpu.memory_space<vmem>>) target_semaphore(%run_scoped3A_71 : memref<!tpu.dma_semaphore, #tpu.memory_space<semaphore_mem>>)
      %dma_wait3A = arith.constant 0 : i32
      %dma_wait3A_88 = arith.constant 0 : i32
      %dma_wait3A_89 = tpu.memref_slice %arg6[%run_scoped3A_14, %dma_wait3A, %dma_wait3A_88] : memref<5x2x64xi32, #tpu.memory_space<vmem>> -> memref<1x2x64xi32, #tpu.memory_space<vmem>>
      %dma_wait3A_90 = tpu.memref_squeeze %dma_wait3A_89 : memref<1x2x64xi32, #tpu.memory_space<vmem>> -> memref<2x64xi32, #tpu.memory_space<vmem>>
      %dma_wait3A_91 = arith.constant 0 : i32
      %dma_wait3A_92 = arith.constant 0 : i32
      %dma_wait3A_93 = tpu.memref_slice %arg3[%add3A, %run_scoped3A_13, %dma_wait3A_91, %dma_wait3A_92] : memref<32x160x2x64xi32, #tpu.memory_space<hbm>> -> memref<1x1x2x64xi32, #tpu.memory_space<hbm>>
      %dma_wait3A_94 = tpu.memref_squeeze %dma_wait3A_93 : memref<1x1x2x64xi32, #tpu.memory_space<hbm>> -> memref<2x64xi32, #tpu.memory_space<hbm>>
      %dma_wait3A_95 = arith.constant 0 : i32
      %dma_wait3A_96 = arith.constant 0 : i32
      %dma_wait3A_97 = tpu.memref_slice %arg6[%run_scoped3A_14, %dma_wait3A_95, %dma_wait3A_96] : memref<5x2x64xi32, #tpu.memory_space<vmem>> -> memref<1x2x64xi32, #tpu.memory_space<vmem>>
      %dma_wait3A_98 = tpu.memref_squeeze %dma_wait3A_97 : memref<1x2x64xi32, #tpu.memory_space<vmem>> -> memref<2x64xi32, #tpu.memory_space<vmem>>
      %dma_wait3A_99 = arith.constant 0 : i32
      %dma_wait3A_100 = arith.constant 0 : i32
      %dma_wait3A_101 = tpu.memref_slice %arg3[%add3A, %run_scoped3A_13, %dma_wait3A_99, %dma_wait3A_100] : memref<32x160x2x64xi32, #tpu.memory_space<hbm>> -> memref<1x1x2x64xi32, #tpu.memory_space<hbm>>
      %dma_wait3A_102 = tpu.memref_squeeze %dma_wait3A_101 : memref<1x1x2x64xi32, #tpu.memory_space<hbm>> -> memref<2x64xi32, #tpu.memory_space<hbm>>
      tpu.wait_dma2 semaphore(%run_scoped3A_71 : memref<!tpu.dma_semaphore, #tpu.memory_space<semaphore_mem>>) src(%dma_wait3A_102 : memref<2x64xi32, #tpu.memory_space<hbm>>) dst(%dma_wait3A_98 : memref<2x64xi32, #tpu.memory_space<vmem>>)
      tpu.yield
    }) : () -> ()
    %dma_start3A_15 = arith.constant 1 : i32
    %dma_start3A_16 = arith.constant 0 : i32
    %dma_start3A_17 = arith.constant 0 : i32
    %dma_start3A_18 = tpu.memref_slice %arg6[%dma_start3A_15, %dma_start3A_16, %dma_start3A_17] : memref<5x2x64xi32, #tpu.memory_space<vmem>> -> memref<1x1x64xi32, #tpu.memory_space<vmem>>
    %dma_start3A_19 = tpu.memref_squeeze %dma_start3A_18 : memref<1x1x64xi32, #tpu.memory_space<vmem>> -> memref<64xi32, #tpu.memory_space<vmem>>
    %dma_start3A_20 = arith.constant 0 : i32
    %dma_start3A_21 = arith.constant 0 : i32
    %dma_start3A_22 = tpu.memref_slice %arg2[%dma_start3A_20, %dma_start3A_21] : memref<10000x128xf32, #tpu.memory_space<hbm>> -> memref<10000x128xf32, #tpu.memory_space<hbm>>
    tpu.enqueue_indirect_dma source(%dma_start3A_22 : memref<10000x128xf32, #tpu.memory_space<hbm>>) target(%arg8 : memref<64x128xf32, #tpu.memory_space<vmem>>) offsets(%dma_start3A_19 : memref<64xi32, #tpu.memory_space<vmem>>) semaphore(%arg14 : memref<!tpu.dma_semaphore, #tpu.memory_space<semaphore_mem>>)
    %run_scoped3A_23 = arith.constant 2 : i32
    %run_scoped3A_24 = arith.constant 2 : i32
    "tpu.region"() ({
      %run_scoped3A_71 = tpu.sem_alloc : memref<!tpu.dma_semaphore, #tpu.memory_space<semaphore_mem>>
      %dma_start3A_72 = arith.constant 0 : i32
      %dma_start3A_73 = arith.constant 0 : i32
      %dma_start3A_74 = tpu.memref_slice %arg6[%run_scoped3A_24, %dma_start3A_72, %dma_start3A_73] : memref<5x2x64xi32, #tpu.memory_space<vmem>> -> memref<1x2x64xi32, #tpu.memory_space<vmem>>
      %dma_start3A_75 = tpu.memref_squeeze %dma_start3A_74 : memref<1x2x64xi32, #tpu.memory_space<vmem>> -> memref<2x64xi32, #tpu.memory_space<vmem>>
      %dma_start3A_76 = arith.constant 0 : i32
      %dma_start3A_77 = arith.constant 0 : i32
      %dma_start3A_78 = tpu.memref_slice %arg3[%add3A, %run_scoped3A_23, %dma_start3A_76, %dma_start3A_77] : memref<32x160x2x64xi32, #tpu.memory_space<hbm>> -> memref<1x1x2x64xi32, #tpu.memory_space<hbm>>
      %dma_start3A_79 = tpu.memref_squeeze %dma_start3A_78 : memref<1x1x2x64xi32, #tpu.memory_space<hbm>> -> memref<2x64xi32, #tpu.memory_space<hbm>>
      %dma_start3A_80 = arith.constant 0 : i32
      %dma_start3A_81 = arith.constant 0 : i32
      %dma_start3A_82 = tpu.memref_slice %arg6[%run_scoped3A_24, %dma_start3A_80, %dma_start3A_81] : memref<5x2x64xi32, #tpu.memory_space<vmem>> -> memref<1x2x64xi32, #tpu.memory_space<vmem>>
      %dma_start3A_83 = tpu.memref_squeeze %dma_start3A_82 : memref<1x2x64xi32, #tpu.memory_space<vmem>> -> memref<2x64xi32, #tpu.memory_space<vmem>>
      %dma_start3A_84 = arith.constant 0 : i32
      %dma_start3A_85 = arith.constant 0 : i32
      %dma_start3A_86 = tpu.memref_slice %arg3[%add3A, %run_scoped3A_23, %dma_start3A_84, %dma_start3A_85] : memref<32x160x2x64xi32, #tpu.memory_space<hbm>> -> memref<1x1x2x64xi32, #tpu.memory_space<hbm>>
      %dma_start3A_87 = tpu.memref_squeeze %dma_start3A_86 : memref<1x1x2x64xi32, #tpu.memory_space<hbm>> -> memref<2x64xi32, #tpu.memory_space<hbm>>
      tpu.enqueue_dma source(%dma_start3A_87 : memref<2x64xi32, #tpu.memory_space<hbm>>) target(%dma_start3A_83 : memref<2x64xi32, #tpu.memory_space<vmem>>) target_semaphore(%run_scoped3A_71 : memref<!tpu.dma_semaphore, #tpu.memory_space<semaphore_mem>>)
      %dma_wait3A = arith.constant 0 : i32
      %dma_wait3A_88 = arith.constant 0 : i32
      %dma_wait3A_89 = tpu.memref_slice %arg6[%run_scoped3A_24, %dma_wait3A, %dma_wait3A_88] : memref<5x2x64xi32, #tpu.memory_space<vmem>> -> memref<1x2x64xi32, #tpu.memory_space<vmem>>
      %dma_wait3A_90 = tpu.memref_squeeze %dma_wait3A_89 : memref<1x2x64xi32, #tpu.memory_space<vmem>> -> memref<2x64xi32, #tpu.memory_space<vmem>>
      %dma_wait3A_91 = arith.constant 0 : i32
      %dma_wait3A_92 = arith.constant 0 : i32
      %dma_wait3A_93 = tpu.memref_slice %arg3[%add3A, %run_scoped3A_23, %dma_wait3A_91, %dma_wait3A_92] : memref<32x160x2x64xi32, #tpu.memory_space<hbm>> -> memref<1x1x2x64xi32, #tpu.memory_space<hbm>>
      %dma_wait3A_94 = tpu.memref_squeeze %dma_wait3A_93 : memref<1x1x2x64xi32, #tpu.memory_space<hbm>> -> memref<2x64xi32, #tpu.memory_space<hbm>>
      %dma_wait3A_95 = arith.constant 0 : i32
      %dma_wait3A_96 = arith.constant 0 : i32
      %dma_wait3A_97 = tpu.memref_slice %arg6[%run_scoped3A_24, %dma_wait3A_95, %dma_wait3A_96] : memref<5x2x64xi32, #tpu.memory_space<vmem>> -> memref<1x2x64xi32, #tpu.memory_space<vmem>>
      %dma_wait3A_98 = tpu.memref_squeeze %dma_wait3A_97 : memref<1x2x64xi32, #tpu.memory_space<vmem>> -> memref<2x64xi32, #tpu.memory_space<vmem>>
      %dma_wait3A_99 = arith.constant 0 : i32
      %dma_wait3A_100 = arith.constant 0 : i32
      %dma_wait3A_101 = tpu.memref_slice %arg3[%add3A, %run_scoped3A_23, %dma_wait3A_99, %dma_wait3A_100] : memref<32x160x2x64xi32, #tpu.memory_space<hbm>> -> memref<1x1x2x64xi32, #tpu.memory_space<hbm>>
      %dma_wait3A_102 = tpu.memref_squeeze %dma_wait3A_101 : memref<1x1x2x64xi32, #tpu.memory_space<hbm>> -> memref<2x64xi32, #tpu.memory_space<hbm>>
      tpu.wait_dma2 semaphore(%run_scoped3A_71 : memref<!tpu.dma_semaphore, #tpu.memory_space<semaphore_mem>>) src(%dma_wait3A_102 : memref<2x64xi32, #tpu.memory_space<hbm>>) dst(%dma_wait3A_98 : memref<2x64xi32, #tpu.memory_space<vmem>>)
      tpu.yield
    }) : () -> ()
    %dma_start3A_25 = arith.constant 2 : i32
    %dma_start3A_26 = arith.constant 0 : i32
    %dma_start3A_27 = arith.constant 0 : i32
    %dma_start3A_28 = tpu.memref_slice %arg6[%dma_start3A_25, %dma_start3A_26, %dma_start3A_27] : memref<5x2x64xi32, #tpu.memory_space<vmem>> -> memref<1x1x64xi32, #tpu.memory_space<vmem>>
    %dma_start3A_29 = tpu.memref_squeeze %dma_start3A_28 : memref<1x1x64xi32, #tpu.memory_space<vmem>> -> memref<64xi32, #tpu.memory_space<vmem>>
    %dma_start3A_30 = arith.constant 0 : i32
    %dma_start3A_31 = arith.constant 0 : i32
    %dma_start3A_32 = tpu.memref_slice %arg2[%dma_start3A_30, %dma_start3A_31] : memref<10000x128xf32, #tpu.memory_space<hbm>> -> memref<10000x128xf32, #tpu.memory_space<hbm>>
    tpu.enqueue_indirect_dma source(%dma_start3A_32 : memref<10000x128xf32, #tpu.memory_space<hbm>>) target(%arg9 : memref<64x128xf32, #tpu.memory_space<vmem>>) offsets(%dma_start3A_29 : memref<64xi32, #tpu.memory_space<vmem>>) semaphore(%arg15 : memref<!tpu.dma_semaphore, #tpu.memory_space<semaphore_mem>>)
    %run_scoped3A_33 = arith.constant 3 : i32
    %run_scoped3A_34 = arith.constant 3 : i32
    "tpu.region"() ({
      %run_scoped3A_71 = tpu.sem_alloc : memref<!tpu.dma_semaphore, #tpu.memory_space<semaphore_mem>>
      %dma_start3A_72 = arith.constant 0 : i32
      %dma_start3A_73 = arith.constant 0 : i32
      %dma_start3A_74 = tpu.memref_slice %arg6[%run_scoped3A_34, %dma_start3A_72, %dma_start3A_73] : memref<5x2x64xi32, #tpu.memory_space<vmem>> -> memref<1x2x64xi32, #tpu.memory_space<vmem>>
      %dma_start3A_75 = tpu.memref_squeeze %dma_start3A_74 : memref<1x2x64xi32, #tpu.memory_space<vmem>> -> memref<2x64xi32, #tpu.memory_space<vmem>>
      %dma_start3A_76 = arith.constant 0 : i32
      %dma_start3A_77 = arith.constant 0 : i32
      %dma_start3A_78 = tpu.memref_slice %arg3[%add3A, %run_scoped3A_33, %dma_start3A_76, %dma_start3A_77] : memref<32x160x2x64xi32, #tpu.memory_space<hbm>> -> memref<1x1x2x64xi32, #tpu.memory_space<hbm>>
      %dma_start3A_79 = tpu.memref_squeeze %dma_start3A_78 : memref<1x1x2x64xi32, #tpu.memory_space<hbm>> -> memref<2x64xi32, #tpu.memory_space<hbm>>
      %dma_start3A_80 = arith.constant 0 : i32
      %dma_start3A_81 = arith.constant 0 : i32
      %dma_start3A_82 = tpu.memref_slice %arg6[%run_scoped3A_34, %dma_start3A_80, %dma_start3A_81] : memref<5x2x64xi32, #tpu.memory_space<vmem>> -> memref<1x2x64xi32, #tpu.memory_space<vmem>>
      %dma_start3A_83 = tpu.memref_squeeze %dma_start3A_82 : memref<1x2x64xi32, #tpu.memory_space<vmem>> -> memref<2x64xi32, #tpu.memory_space<vmem>>
      %dma_start3A_84 = arith.constant 0 : i32
      %dma_start3A_85 = arith.constant 0 : i32
      %dma_start3A_86 = tpu.memref_slice %arg3[%add3A, %run_scoped3A_33, %dma_start3A_84, %dma_start3A_85] : memref<32x160x2x64xi32, #tpu.memory_space<hbm>> -> memref<1x1x2x64xi32, #tpu.memory_space<hbm>>
      %dma_start3A_87 = tpu.memref_squeeze %dma_start3A_86 : memref<1x1x2x64xi32, #tpu.memory_space<hbm>> -> memref<2x64xi32, #tpu.memory_space<hbm>>
      tpu.enqueue_dma source(%dma_start3A_87 : memref<2x64xi32, #tpu.memory_space<hbm>>) target(%dma_start3A_83 : memref<2x64xi32, #tpu.memory_space<vmem>>) target_semaphore(%run_scoped3A_71 : memref<!tpu.dma_semaphore, #tpu.memory_space<semaphore_mem>>)
      %dma_wait3A = arith.constant 0 : i32
      %dma_wait3A_88 = arith.constant 0 : i32
      %dma_wait3A_89 = tpu.memref_slice %arg6[%run_scoped3A_34, %dma_wait3A, %dma_wait3A_88] : memref<5x2x64xi32, #tpu.memory_space<vmem>> -> memref<1x2x64xi32, #tpu.memory_space<vmem>>
      %dma_wait3A_90 = tpu.memref_squeeze %dma_wait3A_89 : memref<1x2x64xi32, #tpu.memory_space<vmem>> -> memref<2x64xi32, #tpu.memory_space<vmem>>
      %dma_wait3A_91 = arith.constant 0 : i32
      %dma_wait3A_92 = arith.constant 0 : i32
      %dma_wait3A_93 = tpu.memref_slice %arg3[%add3A, %run_scoped3A_33, %dma_wait3A_91, %dma_wait3A_92] : memref<32x160x2x64xi32, #tpu.memory_space<hbm>> -> memref<1x1x2x64xi32, #tpu.memory_space<hbm>>
      %dma_wait3A_94 = tpu.memref_squeeze %dma_wait3A_93 : memref<1x1x2x64xi32, #tpu.memory_space<hbm>> -> memref<2x64xi32, #tpu.memory_space<hbm>>
      %dma_wait3A_95 = arith.constant 0 : i32
      %dma_wait3A_96 = arith.constant 0 : i32
      %dma_wait3A_97 = tpu.memref_slice %arg6[%run_scoped3A_34, %dma_wait3A_95, %dma_wait3A_96] : memref<5x2x64xi32, #tpu.memory_space<vmem>> -> memref<1x2x64xi32, #tpu.memory_space<vmem>>
      %dma_wait3A_98 = tpu.memref_squeeze %dma_wait3A_97 : memref<1x2x64xi32, #tpu.memory_space<vmem>> -> memref<2x64xi32, #tpu.memory_space<vmem>>
      %dma_wait3A_99 = arith.constant 0 : i32
      %dma_wait3A_100 = arith.constant 0 : i32
      %dma_wait3A_101 = tpu.memref_slice %arg3[%add3A, %run_scoped3A_33, %dma_wait3A_99, %dma_wait3A_100] : memref<32x160x2x64xi32, #tpu.memory_space<hbm>> -> memref<1x1x2x64xi32, #tpu.memory_space<hbm>>
      %dma_wait3A_102 = tpu.memref_squeeze %dma_wait3A_101 : memref<1x1x2x64xi32, #tpu.memory_space<hbm>> -> memref<2x64xi32, #tpu.memory_space<hbm>>
      tpu.wait_dma2 semaphore(%run_scoped3A_71 : memref<!tpu.dma_semaphore, #tpu.memory_space<semaphore_mem>>) src(%dma_wait3A_102 : memref<2x64xi32, #tpu.memory_space<hbm>>) dst(%dma_wait3A_98 : memref<2x64xi32, #tpu.memory_space<vmem>>)
      tpu.yield
    }) : () -> ()
    %dma_start3A_35 = arith.constant 3 : i32
    %dma_start3A_36 = arith.constant 0 : i32
    %dma_start3A_37 = arith.constant 0 : i32
    %dma_start3A_38 = tpu.memref_slice %arg6[%dma_start3A_35, %dma_start3A_36, %dma_start3A_37] : memref<5x2x64xi32, #tpu.memory_space<vmem>> -> memref<1x1x64xi32, #tpu.memory_space<vmem>>
    %dma_start3A_39 = tpu.memref_squeeze %dma_start3A_38 : memref<1x1x64xi32, #tpu.memory_space<vmem>> -> memref<64xi32, #tpu.memory_space<vmem>>
    %dma_start3A_40 = arith.constant 0 : i32
    %dma_start3A_41 = arith.constant 0 : i32
    %dma_start3A_42 = tpu.memref_slice %arg2[%dma_start3A_40, %dma_start3A_41] : memref<10000x128xf32, #tpu.memory_space<hbm>> -> memref<10000x128xf32, #tpu.memory_space<hbm>>
    tpu.enqueue_indirect_dma source(%dma_start3A_42 : memref<10000x128xf32, #tpu.memory_space<hbm>>) target(%arg10 : memref<64x128xf32, #tpu.memory_space<vmem>>) offsets(%dma_start3A_39 : memref<64xi32, #tpu.memory_space<vmem>>) semaphore(%arg16 : memref<!tpu.dma_semaphore, #tpu.memory_space<semaphore_mem>>)
    %dma_start3A_43 = arith.constant 4 : i32
    %dma_start3A_44 = arith.constant 4 : i32
    %dma_start3A_45 = arith.constant 0 : i32
    %dma_start3A_46 = arith.constant 0 : i32
    %dma_start3A_47 = tpu.memref_slice %arg6[%dma_start3A_44, %dma_start3A_45, %dma_start3A_46] : memref<5x2x64xi32, #tpu.memory_space<vmem>> -> memref<1x2x64xi32, #tpu.memory_space<vmem>>
    %dma_start3A_48 = tpu.memref_squeeze %dma_start3A_47 : memref<1x2x64xi32, #tpu.memory_space<vmem>> -> memref<2x64xi32, #tpu.memory_space<vmem>>
    %dma_start3A_49 = arith.constant 0 : i32
    %dma_start3A_50 = arith.constant 0 : i32
    %dma_start3A_51 = tpu.memref_slice %arg3[%add3A, %dma_start3A_43, %dma_start3A_49, %dma_start3A_50] : memref<32x160x2x64xi32, #tpu.memory_space<hbm>> -> memref<1x1x2x64xi32, #tpu.memory_space<hbm>>
    %dma_start3A_52 = tpu.memref_squeeze %dma_start3A_51 : memref<1x1x2x64xi32, #tpu.memory_space<hbm>> -> memref<2x64xi32, #tpu.memory_space<hbm>>
    %dma_start3A_53 = arith.constant 0 : i32
    %dma_start3A_54 = arith.constant 0 : i32
    %dma_start3A_55 = tpu.memref_slice %arg6[%dma_start3A_44, %dma_start3A_53, %dma_start3A_54] : memref<5x2x64xi32, #tpu.memory_space<vmem>> -> memref<1x2x64xi32, #tpu.memory_space<vmem>>
    %dma_start3A_56 = tpu.memref_squeeze %dma_start3A_55 : memref<1x2x64xi32, #tpu.memory_space<vmem>> -> memref<2x64xi32, #tpu.memory_space<vmem>>
    %dma_start3A_57 = arith.constant 0 : i32
    %dma_start3A_58 = arith.constant 0 : i32
    %dma_start3A_59 = tpu.memref_slice %arg3[%add3A, %dma_start3A_43, %dma_start3A_57, %dma_start3A_58] : memref<32x160x2x64xi32, #tpu.memory_space<hbm>> -> memref<1x1x2x64xi32, #tpu.memory_space<hbm>>
    %dma_start3A_60 = tpu.memref_squeeze %dma_start3A_59 : memref<1x1x2x64xi32, #tpu.memory_space<hbm>> -> memref<2x64xi32, #tpu.memory_space<hbm>>
    tpu.enqueue_dma source(%dma_start3A_60 : memref<2x64xi32, #tpu.memory_space<hbm>>) target(%dma_start3A_56 : memref<2x64xi32, #tpu.memory_space<vmem>>) target_semaphore(%arg22 : memref<!tpu.dma_semaphore, #tpu.memory_space<semaphore_mem>>)
    %scan3A = arith.constant 0 : i32
    %scan3A_61 = arith.constant 0 : i32
    %scan3A_62 = arith.constant 32 : i32
    %scan3A_63 = arith.addi %scan3A_61, %scan3A_62 : i32
    %scan3A_64 = arith.constant 1 : i32
    scf.for %scan3A_71 = %scan3A_61 to %scan3A_63 step %scan3A_64  : i32 {
      %mul3A_72 = arith.constant 5 : i32
      %mul3A_73 = arith.muli %scan3A_71, %mul3A_72 : i32
      %add3A_74 = arith.constant 0 : i32
      %add3A_75 = arith.addi %mul3A_73, %add3A_74 : i32
      %add3A_76 = arith.constant 5 : i32
      %add3A_77 = arith.addi %add3A_75, %add3A_76 : i32
      %sub3A = arith.constant 1 : i32
      %sub3A_78 = arith.subi %add3A_77, %sub3A : i32
      %lt3A = arith.constant 160 : i32
      %lt3A_79 = arith.cmpi slt, %sub3A_78, %lt3A : i32
      %convert_element_type3A = arith.extui %lt3A_79 : i1 to i32
      %cond3A = arith.constant 0 : i32
      %cond3A_80 = arith.cmpi ne, %convert_element_type3A, %cond3A : i32
      scf.if %cond3A_80 {
        %dma_wait3A_217 = arith.constant 4 : i32
        %dma_wait3A_218 = arith.constant 0 : i32
        %dma_wait3A_219 = arith.constant 0 : i32
        %dma_wait3A_220 = tpu.memref_slice %arg6[%dma_wait3A_217, %dma_wait3A_218, %dma_wait3A_219] : memref<5x2x64xi32, #tpu.memory_space<vmem>> -> memref<1x2x64xi32, #tpu.memory_space<vmem>>
        %dma_wait3A_221 = tpu.memref_squeeze %dma_wait3A_220 : memref<1x2x64xi32, #tpu.memory_space<vmem>> -> memref<2x64xi32, #tpu.memory_space<vmem>>
        %dma_wait3A_222 = arith.constant 0 : i32
        %dma_wait3A_223 = arith.constant 0 : i32
        %dma_wait3A_224 = tpu.memref_slice %arg3[%add3A, %sub3A_78, %dma_wait3A_222, %dma_wait3A_223] : memref<32x160x2x64xi32, #tpu.memory_space<hbm>> -> memref<1x1x2x64xi32, #tpu.memory_space<hbm>>
        %dma_wait3A_225 = tpu.memref_squeeze %dma_wait3A_224 : memref<1x1x2x64xi32, #tpu.memory_space<hbm>> -> memref<2x64xi32, #tpu.memory_space<hbm>>
        %dma_wait3A_226 = arith.constant 0 : i32
        %dma_wait3A_227 = arith.constant 0 : i32
        %dma_wait3A_228 = tpu.memref_slice %arg6[%dma_wait3A_217, %dma_wait3A_226, %dma_wait3A_227] : memref<5x2x64xi32, #tpu.memory_space<vmem>> -> memref<1x2x64xi32, #tpu.memory_space<vmem>>
        %dma_wait3A_229 = tpu.memref_squeeze %dma_wait3A_228 : memref<1x2x64xi32, #tpu.memory_space<vmem>> -> memref<2x64xi32, #tpu.memory_space<vmem>>
        %dma_wait3A_230 = arith.constant 0 : i32
        %dma_wait3A_231 = arith.constant 0 : i32
        %dma_wait3A_232 = tpu.memref_slice %arg3[%add3A, %sub3A_78, %dma_wait3A_230, %dma_wait3A_231] : memref<32x160x2x64xi32, #tpu.memory_space<hbm>> -> memref<1x1x2x64xi32, #tpu.memory_space<hbm>>
        %dma_wait3A_233 = tpu.memref_squeeze %dma_wait3A_232 : memref<1x1x2x64xi32, #tpu.memory_space<hbm>> -> memref<2x64xi32, #tpu.memory_space<hbm>>
        tpu.wait_dma2 semaphore(%arg22 : memref<!tpu.dma_semaphore, #tpu.memory_space<semaphore_mem>>) src(%dma_wait3A_233 : memref<2x64xi32, #tpu.memory_space<hbm>>) dst(%dma_wait3A_229 : memref<2x64xi32, #tpu.memory_space<vmem>>)
        %dma_start3A_234 = arith.constant 4 : i32
        %dma_start3A_235 = arith.constant 0 : i32
        %dma_start3A_236 = arith.constant 0 : i32
        %dma_start3A_237 = tpu.memref_slice %arg6[%dma_start3A_234, %dma_start3A_235, %dma_start3A_236] : memref<5x2x64xi32, #tpu.memory_space<vmem>> -> memref<1x1x64xi32, #tpu.memory_space<vmem>>
        %dma_start3A_238 = tpu.memref_squeeze %dma_start3A_237 : memref<1x1x64xi32, #tpu.memory_space<vmem>> -> memref<64xi32, #tpu.memory_space<vmem>>
        %dma_start3A_239 = arith.constant 0 : i32
        %dma_start3A_240 = arith.constant 0 : i32
        %dma_start3A_241 = tpu.memref_slice %arg2[%dma_start3A_239, %dma_start3A_240] : memref<10000x128xf32, #tpu.memory_space<hbm>> -> memref<10000x128xf32, #tpu.memory_space<hbm>>
        tpu.enqueue_indirect_dma source(%dma_start3A_241 : memref<10000x128xf32, #tpu.memory_space<hbm>>) target(%arg11 : memref<64x128xf32, #tpu.memory_space<vmem>>) offsets(%dma_start3A_238 : memref<64xi32, #tpu.memory_space<vmem>>) semaphore(%arg17 : memref<!tpu.dma_semaphore, #tpu.memory_space<semaphore_mem>>)
      } else {
      }
      %dma_wait3A = arith.constant 0 : i32
      %dma_wait3A_81 = arith.constant 0 : i32
      %dma_wait3A_82 = arith.constant 0 : i32
      %dma_wait3A_83 = tpu.memref_slice %arg6[%dma_wait3A, %dma_wait3A_81, %dma_wait3A_82] : memref<5x2x64xi32, #tpu.memory_space<vmem>> -> memref<1x1x64xi32, #tpu.memory_space<vmem>>
      %dma_wait3A_84 = tpu.memref_squeeze %dma_wait3A_83 : memref<1x1x64xi32, #tpu.memory_space<vmem>> -> memref<64xi32, #tpu.memory_space<vmem>>
      %dma_wait3A_85 = arith.constant 0 : i32
      %dma_wait3A_86 = arith.constant 0 : i32
      %dma_wait3A_87 = tpu.memref_slice %arg2[%dma_wait3A_85, %dma_wait3A_86] : memref<10000x128xf32, #tpu.memory_space<hbm>> -> memref<10000x128xf32, #tpu.memory_space<hbm>>
      tpu.wait_indirect_dma semaphore(%arg13 : memref<!tpu.dma_semaphore, #tpu.memory_space<semaphore_mem>>) src(%dma_wait3A_87 : memref<10000x128xf32, #tpu.memory_space<hbm>>) dst(%arg7 : memref<64x128xf32, #tpu.memory_space<vmem>>)
      %run_scoped3A_88 = arith.constant 0 : i32
      %run_scoped3A_89 = arith.constant 1 : i32
      "tpu.region"() ({
        %run_scoped3A_217 = tpu.sem_alloc : memref<!tpu.dma_semaphore, #tpu.memory_space<semaphore_mem>>
        %dma_start3A_218 = arith.constant 0 : i32
        %dma_start3A_219 = tpu.memref_slice %arg6[%run_scoped3A_88, %run_scoped3A_89, %dma_start3A_218] : memref<5x2x64xi32, #tpu.memory_space<vmem>> -> memref<1x1x64xi32, #tpu.memory_space<vmem>>
        %dma_start3A_220 = tpu.memref_squeeze %dma_start3A_219 : memref<1x1x64xi32, #tpu.memory_space<vmem>> -> memref<64xi32, #tpu.memory_space<vmem>>
        %dma_start3A_221 = arith.constant 0 : i32
        %dma_start3A_222 = arith.constant 0 : i32
        %dma_start3A_223 = tpu.memref_slice %arg12[%dma_start3A_221, %dma_start3A_222] : memref<10240x128xf32, #tpu.memory_space<vmem_shared>> -> memref<10240x128xf32, #tpu.memory_space<vmem_shared>>
        tpu.enqueue_indirect_dma source(%arg7 : memref<64x128xf32, #tpu.memory_space<vmem>>) target(%dma_start3A_223 : memref<10240x128xf32, #tpu.memory_space<vmem_shared>>) offsets(%dma_start3A_220 : memref<64xi32, #tpu.memory_space<vmem>>) semaphore(%run_scoped3A_217 : memref<!tpu.dma_semaphore, #tpu.memory_space<semaphore_mem>>) {add = true}
        %dma_wait3A_224 = arith.constant 0 : i32
        %dma_wait3A_225 = tpu.memref_slice %arg6[%run_scoped3A_88, %run_scoped3A_89, %dma_wait3A_224] : memref<5x2x64xi32, #tpu.memory_space<vmem>> -> memref<1x1x64xi32, #tpu.memory_space<vmem>>
        %dma_wait3A_226 = tpu.memref_squeeze %dma_wait3A_225 : memref<1x1x64xi32, #tpu.memory_space<vmem>> -> memref<64xi32, #tpu.memory_space<vmem>>
        %dma_wait3A_227 = arith.constant 0 : i32
        %dma_wait3A_228 = arith.constant 0 : i32
        %dma_wait3A_229 = tpu.memref_slice %arg12[%dma_wait3A_227, %dma_wait3A_228] : memref<10240x128xf32, #tpu.memory_space<vmem_shared>> -> memref<10240x128xf32, #tpu.memory_space<vmem_shared>>
        tpu.wait_indirect_dma semaphore(%run_scoped3A_217 : memref<!tpu.dma_semaphore, #tpu.memory_space<semaphore_mem>>) src(%arg7 : memref<64x128xf32, #tpu.memory_space<vmem>>) dst(%dma_wait3A_229 : memref<10240x128xf32, #tpu.memory_space<vmem_shared>>)
        tpu.yield
      }) : () -> ()
      %add3A_90 = arith.constant 5 : i32
      %add3A_91 = arith.addi %add3A_75, %add3A_90 : i32
      %lt3A_92 = arith.constant 160 : i32
      %lt3A_93 = arith.cmpi slt, %add3A_91, %lt3A_92 : i32
      %convert_element_type3A_94 = arith.extui %lt3A_93 : i1 to i32
      %cond3A_95 = arith.constant 0 : i32
      %cond3A_96 = arith.cmpi ne, %convert_element_type3A_94, %cond3A_95 : i32
      scf.if %cond3A_96 {
        %add3A_217 = arith.constant 5 : i32
        %add3A_218 = arith.addi %add3A_75, %add3A_217 : i32
        %dma_start3A_219 = arith.constant 0 : i32
        %dma_start3A_220 = arith.constant 0 : i32
        %dma_start3A_221 = arith.constant 0 : i32
        %dma_start3A_222 = tpu.memref_slice %arg6[%dma_start3A_219, %dma_start3A_220, %dma_start3A_221] : memref<5x2x64xi32, #tpu.memory_space<vmem>> -> memref<1x2x64xi32, #tpu.memory_space<vmem>>
        %dma_start3A_223 = tpu.memref_squeeze %dma_start3A_222 : memref<1x2x64xi32, #tpu.memory_space<vmem>> -> memref<2x64xi32, #tpu.memory_space<vmem>>
        %dma_start3A_224 = arith.constant 0 : i32
        %dma_start3A_225 = arith.constant 0 : i32
        %dma_start3A_226 = tpu.memref_slice %arg3[%add3A, %add3A_218, %dma_start3A_224, %dma_start3A_225] : memref<32x160x2x64xi32, #tpu.memory_space<hbm>> -> memref<1x1x2x64xi32, #tpu.memory_space<hbm>>
        %dma_start3A_227 = tpu.memref_squeeze %dma_start3A_226 : memref<1x1x2x64xi32, #tpu.memory_space<hbm>> -> memref<2x64xi32, #tpu.memory_space<hbm>>
        %dma_start3A_228 = arith.constant 0 : i32
        %dma_start3A_229 = arith.constant 0 : i32
        %dma_start3A_230 = tpu.memref_slice %arg6[%dma_start3A_219, %dma_start3A_228, %dma_start3A_229] : memref<5x2x64xi32, #tpu.memory_space<vmem>> -> memref<1x2x64xi32, #tpu.memory_space<vmem>>
        %dma_start3A_231 = tpu.memref_squeeze %dma_start3A_230 : memref<1x2x64xi32, #tpu.memory_space<vmem>> -> memref<2x64xi32, #tpu.memory_space<vmem>>
        %dma_start3A_232 = arith.constant 0 : i32
        %dma_start3A_233 = arith.constant 0 : i32
        %dma_start3A_234 = tpu.memref_slice %arg3[%add3A, %add3A_218, %dma_start3A_232, %dma_start3A_233] : memref<32x160x2x64xi32, #tpu.memory_space<hbm>> -> memref<1x1x2x64xi32, #tpu.memory_space<hbm>>
        %dma_start3A_235 = tpu.memref_squeeze %dma_start3A_234 : memref<1x1x2x64xi32, #tpu.memory_space<hbm>> -> memref<2x64xi32, #tpu.memory_space<hbm>>
        tpu.enqueue_dma source(%dma_start3A_235 : memref<2x64xi32, #tpu.memory_space<hbm>>) target(%dma_start3A_231 : memref<2x64xi32, #tpu.memory_space<vmem>>) target_semaphore(%arg18 : memref<!tpu.dma_semaphore, #tpu.memory_space<semaphore_mem>>)
      } else {
      }
      %mul3A_97 = arith.constant 5 : i32
      %mul3A_98 = arith.muli %scan3A_71, %mul3A_97 : i32
      %add3A_99 = arith.constant 1 : i32
      %add3A_100 = arith.addi %mul3A_98, %add3A_99 : i32
      %add3A_101 = arith.constant 5 : i32
      %add3A_102 = arith.addi %add3A_100, %add3A_101 : i32
      %sub3A_103 = arith.constant 1 : i32
      %sub3A_104 = arith.subi %add3A_102, %sub3A_103 : i32
      %lt3A_105 = arith.constant 160 : i32
      %lt3A_106 = arith.cmpi slt, %sub3A_104, %lt3A_105 : i32
      %convert_element_type3A_107 = arith.extui %lt3A_106 : i1 to i32
      %cond3A_108 = arith.constant 0 : i32
      %cond3A_109 = arith.cmpi ne, %convert_element_type3A_107, %cond3A_108 : i32
      scf.if %cond3A_109 {
        %dma_wait3A_217 = arith.constant 0 : i32
        %dma_wait3A_218 = arith.constant 0 : i32
        %dma_wait3A_219 = arith.constant 0 : i32
        %dma_wait3A_220 = tpu.memref_slice %arg6[%dma_wait3A_217, %dma_wait3A_218, %dma_wait3A_219] : memref<5x2x64xi32, #tpu.memory_space<vmem>> -> memref<1x2x64xi32, #tpu.memory_space<vmem>>
        %dma_wait3A_221 = tpu.memref_squeeze %dma_wait3A_220 : memref<1x2x64xi32, #tpu.memory_space<vmem>> -> memref<2x64xi32, #tpu.memory_space<vmem>>
        %dma_wait3A_222 = arith.constant 0 : i32
        %dma_wait3A_223 = arith.constant 0 : i32
        %dma_wait3A_224 = tpu.memref_slice %arg3[%add3A, %sub3A_104, %dma_wait3A_222, %dma_wait3A_223] : memref<32x160x2x64xi32, #tpu.memory_space<hbm>> -> memref<1x1x2x64xi32, #tpu.memory_space<hbm>>
        %dma_wait3A_225 = tpu.memref_squeeze %dma_wait3A_224 : memref<1x1x2x64xi32, #tpu.memory_space<hbm>> -> memref<2x64xi32, #tpu.memory_space<hbm>>
        %dma_wait3A_226 = arith.constant 0 : i32
        %dma_wait3A_227 = arith.constant 0 : i32
        %dma_wait3A_228 = tpu.memref_slice %arg6[%dma_wait3A_217, %dma_wait3A_226, %dma_wait3A_227] : memref<5x2x64xi32, #tpu.memory_space<vmem>> -> memref<1x2x64xi32, #tpu.memory_space<vmem>>
        %dma_wait3A_229 = tpu.memref_squeeze %dma_wait3A_228 : memref<1x2x64xi32, #tpu.memory_space<vmem>> -> memref<2x64xi32, #tpu.memory_space<vmem>>
        %dma_wait3A_230 = arith.constant 0 : i32
        %dma_wait3A_231 = arith.constant 0 : i32
        %dma_wait3A_232 = tpu.memref_slice %arg3[%add3A, %sub3A_104, %dma_wait3A_230, %dma_wait3A_231] : memref<32x160x2x64xi32, #tpu.memory_space<hbm>> -> memref<1x1x2x64xi32, #tpu.memory_space<hbm>>
        %dma_wait3A_233 = tpu.memref_squeeze %dma_wait3A_232 : memref<1x1x2x64xi32, #tpu.memory_space<hbm>> -> memref<2x64xi32, #tpu.memory_space<hbm>>
        tpu.wait_dma2 semaphore(%arg18 : memref<!tpu.dma_semaphore, #tpu.memory_space<semaphore_mem>>) src(%dma_wait3A_233 : memref<2x64xi32, #tpu.memory_space<hbm>>) dst(%dma_wait3A_229 : memref<2x64xi32, #tpu.memory_space<vmem>>)
        %dma_start3A_234 = arith.constant 0 : i32
        %dma_start3A_235 = arith.constant 0 : i32
        %dma_start3A_236 = arith.constant 0 : i32
        %dma_start3A_237 = tpu.memref_slice %arg6[%dma_start3A_234, %dma_start3A_235, %dma_start3A_236] : memref<5x2x64xi32, #tpu.memory_space<vmem>> -> memref<1x1x64xi32, #tpu.memory_space<vmem>>
        %dma_start3A_238 = tpu.memref_squeeze %dma_start3A_237 : memref<1x1x64xi32, #tpu.memory_space<vmem>> -> memref<64xi32, #tpu.memory_space<vmem>>
        %dma_start3A_239 = arith.constant 0 : i32
        %dma_start3A_240 = arith.constant 0 : i32
        %dma_start3A_241 = tpu.memref_slice %arg2[%dma_start3A_239, %dma_start3A_240] : memref<10000x128xf32, #tpu.memory_space<hbm>> -> memref<10000x128xf32, #tpu.memory_space<hbm>>
        tpu.enqueue_indirect_dma source(%dma_start3A_241 : memref<10000x128xf32, #tpu.memory_space<hbm>>) target(%arg7 : memref<64x128xf32, #tpu.memory_space<vmem>>) offsets(%dma_start3A_238 : memref<64xi32, #tpu.memory_space<vmem>>) semaphore(%arg13 : memref<!tpu.dma_semaphore, #tpu.memory_space<semaphore_mem>>)
      } else {
      }
      %dma_wait3A_110 = arith.constant 1 : i32
      %dma_wait3A_111 = arith.constant 0 : i32
      %dma_wait3A_112 = arith.constant 0 : i32
      %dma_wait3A_113 = tpu.memref_slice %arg6[%dma_wait3A_110, %dma_wait3A_111, %dma_wait3A_112] : memref<5x2x64xi32, #tpu.memory_space<vmem>> -> memref<1x1x64xi32, #tpu.memory_space<vmem>>
      %dma_wait3A_114 = tpu.memref_squeeze %dma_wait3A_113 : memref<1x1x64xi32, #tpu.memory_space<vmem>> -> memref<64xi32, #tpu.memory_space<vmem>>
      %dma_wait3A_115 = arith.constant 0 : i32
      %dma_wait3A_116 = arith.constant 0 : i32
      %dma_wait3A_117 = tpu.memref_slice %arg2[%dma_wait3A_115, %dma_wait3A_116] : memref<10000x128xf32, #tpu.memory_space<hbm>> -> memref<10000x128xf32, #tpu.memory_space<hbm>>
      tpu.wait_indirect_dma semaphore(%arg14 : memref<!tpu.dma_semaphore, #tpu.memory_space<semaphore_mem>>) src(%dma_wait3A_117 : memref<10000x128xf32, #tpu.memory_space<hbm>>) dst(%arg8 : memref<64x128xf32, #tpu.memory_space<vmem>>)
      %run_scoped3A_118 = arith.constant 1 : i32
      %run_scoped3A_119 = arith.constant 1 : i32
      "tpu.region"() ({
        %run_scoped3A_217 = tpu.sem_alloc : memref<!tpu.dma_semaphore, #tpu.memory_space<semaphore_mem>>
        %dma_start3A_218 = arith.constant 0 : i32
        %dma_start3A_219 = tpu.memref_slice %arg6[%run_scoped3A_118, %run_scoped3A_119, %dma_start3A_218] : memref<5x2x64xi32, #tpu.memory_space<vmem>> -> memref<1x1x64xi32, #tpu.memory_space<vmem>>
        %dma_start3A_220 = tpu.memref_squeeze %dma_start3A_219 : memref<1x1x64xi32, #tpu.memory_space<vmem>> -> memref<64xi32, #tpu.memory_space<vmem>>
        %dma_start3A_221 = arith.constant 0 : i32
        %dma_start3A_222 = arith.constant 0 : i32
        %dma_start3A_223 = tpu.memref_slice %arg12[%dma_start3A_221, %dma_start3A_222] : memref<10240x128xf32, #tpu.memory_space<vmem_shared>> -> memref<10240x128xf32, #tpu.memory_space<vmem_shared>>
        tpu.enqueue_indirect_dma source(%arg8 : memref<64x128xf32, #tpu.memory_space<vmem>>) target(%dma_start3A_223 : memref<10240x128xf32, #tpu.memory_space<vmem_shared>>) offsets(%dma_start3A_220 : memref<64xi32, #tpu.memory_space<vmem>>) semaphore(%run_scoped3A_217 : memref<!tpu.dma_semaphore, #tpu.memory_space<semaphore_mem>>) {add = true}
        %dma_wait3A_224 = arith.constant 0 : i32
        %dma_wait3A_225 = tpu.memref_slice %arg6[%run_scoped3A_118, %run_scoped3A_119, %dma_wait3A_224] : memref<5x2x64xi32, #tpu.memory_space<vmem>> -> memref<1x1x64xi32, #tpu.memory_space<vmem>>
        %dma_wait3A_226 = tpu.memref_squeeze %dma_wait3A_225 : memref<1x1x64xi32, #tpu.memory_space<vmem>> -> memref<64xi32, #tpu.memory_space<vmem>>
        %dma_wait3A_227 = arith.constant 0 : i32
        %dma_wait3A_228 = arith.constant 0 : i32
        %dma_wait3A_229 = tpu.memref_slice %arg12[%dma_wait3A_227, %dma_wait3A_228] : memref<10240x128xf32, #tpu.memory_space<vmem_shared>> -> memref<10240x128xf32, #tpu.memory_space<vmem_shared>>
        tpu.wait_indirect_dma semaphore(%run_scoped3A_217 : memref<!tpu.dma_semaphore, #tpu.memory_space<semaphore_mem>>) src(%arg8 : memref<64x128xf32, #tpu.memory_space<vmem>>) dst(%dma_wait3A_229 : memref<10240x128xf32, #tpu.memory_space<vmem_shared>>)
        tpu.yield
      }) : () -> ()
      %add3A_120 = arith.constant 5 : i32
      %add3A_121 = arith.addi %add3A_100, %add3A_120 : i32
      %lt3A_122 = arith.constant 160 : i32
      %lt3A_123 = arith.cmpi slt, %add3A_121, %lt3A_122 : i32
      %convert_element_type3A_124 = arith.extui %lt3A_123 : i1 to i32
      %cond3A_125 = arith.constant 0 : i32
      %cond3A_126 = arith.cmpi ne, %convert_element_type3A_124, %cond3A_125 : i32
      scf.if %cond3A_126 {
        %add3A_217 = arith.constant 5 : i32
        %add3A_218 = arith.addi %add3A_100, %add3A_217 : i32
        %dma_start3A_219 = arith.constant 1 : i32
        %dma_start3A_220 = arith.constant 0 : i32
        %dma_start3A_221 = arith.constant 0 : i32
        %dma_start3A_222 = tpu.memref_slice %arg6[%dma_start3A_219, %dma_start3A_220, %dma_start3A_221] : memref<5x2x64xi32, #tpu.memory_space<vmem>> -> memref<1x2x64xi32, #tpu.memory_space<vmem>>
        %dma_start3A_223 = tpu.memref_squeeze %dma_start3A_222 : memref<1x2x64xi32, #tpu.memory_space<vmem>> -> memref<2x64xi32, #tpu.memory_space<vmem>>
        %dma_start3A_224 = arith.constant 0 : i32
        %dma_start3A_225 = arith.constant 0 : i32
        %dma_start3A_226 = tpu.memref_slice %arg3[%add3A, %add3A_218, %dma_start3A_224, %dma_start3A_225] : memref<32x160x2x64xi32, #tpu.memory_space<hbm>> -> memref<1x1x2x64xi32, #tpu.memory_space<hbm>>
        %dma_start3A_227 = tpu.memref_squeeze %dma_start3A_226 : memref<1x1x2x64xi32, #tpu.memory_space<hbm>> -> memref<2x64xi32, #tpu.memory_space<hbm>>
        %dma_start3A_228 = arith.constant 0 : i32
        %dma_start3A_229 = arith.constant 0 : i32
        %dma_start3A_230 = tpu.memref_slice %arg6[%dma_start3A_219, %dma_start3A_228, %dma_start3A_229] : memref<5x2x64xi32, #tpu.memory_space<vmem>> -> memref<1x2x64xi32, #tpu.memory_space<vmem>>
        %dma_start3A_231 = tpu.memref_squeeze %dma_start3A_230 : memref<1x2x64xi32, #tpu.memory_space<vmem>> -> memref<2x64xi32, #tpu.memory_space<vmem>>
        %dma_start3A_232 = arith.constant 0 : i32
        %dma_start3A_233 = arith.constant 0 : i32
        %dma_start3A_234 = tpu.memref_slice %arg3[%add3A, %add3A_218, %dma_start3A_232, %dma_start3A_233] : memref<32x160x2x64xi32, #tpu.memory_space<hbm>> -> memref<1x1x2x64xi32, #tpu.memory_space<hbm>>
        %dma_start3A_235 = tpu.memref_squeeze %dma_start3A_234 : memref<1x1x2x64xi32, #tpu.memory_space<hbm>> -> memref<2x64xi32, #tpu.memory_space<hbm>>
        tpu.enqueue_dma source(%dma_start3A_235 : memref<2x64xi32, #tpu.memory_space<hbm>>) target(%dma_start3A_231 : memref<2x64xi32, #tpu.memory_space<vmem>>) target_semaphore(%arg19 : memref<!tpu.dma_semaphore, #tpu.memory_space<semaphore_mem>>)
      } else {
      }
      %mul3A_127 = arith.constant 5 : i32
      %mul3A_128 = arith.muli %scan3A_71, %mul3A_127 : i32
      %add3A_129 = arith.constant 2 : i32
      %add3A_130 = arith.addi %mul3A_128, %add3A_129 : i32
      %add3A_131 = arith.constant 5 : i32
      %add3A_132 = arith.addi %add3A_130, %add3A_131 : i32
      %sub3A_133 = arith.constant 1 : i32
      %sub3A_134 = arith.subi %add3A_132, %sub3A_133 : i32
      %lt3A_135 = arith.constant 160 : i32
      %lt3A_136 = arith.cmpi slt, %sub3A_134, %lt3A_135 : i32
      %convert_element_type3A_137 = arith.extui %lt3A_136 : i1 to i32
      %cond3A_138 = arith.constant 0 : i32
      %cond3A_139 = arith.cmpi ne, %convert_element_type3A_137, %cond3A_138 : i32
      scf.if %cond3A_139 {
        %dma_wait3A_217 = arith.constant 1 : i32
        %dma_wait3A_218 = arith.constant 0 : i32
        %dma_wait3A_219 = arith.constant 0 : i32
        %dma_wait3A_220 = tpu.memref_slice %arg6[%dma_wait3A_217, %dma_wait3A_218, %dma_wait3A_219] : memref<5x2x64xi32, #tpu.memory_space<vmem>> -> memref<1x2x64xi32, #tpu.memory_space<vmem>>
        %dma_wait3A_221 = tpu.memref_squeeze %dma_wait3A_220 : memref<1x2x64xi32, #tpu.memory_space<vmem>> -> memref<2x64xi32, #tpu.memory_space<vmem>>
        %dma_wait3A_222 = arith.constant 0 : i32
        %dma_wait3A_223 = arith.constant 0 : i32
        %dma_wait3A_224 = tpu.memref_slice %arg3[%add3A, %sub3A_134, %dma_wait3A_222, %dma_wait3A_223] : memref<32x160x2x64xi32, #tpu.memory_space<hbm>> -> memref<1x1x2x64xi32, #tpu.memory_space<hbm>>
        %dma_wait3A_225 = tpu.memref_squeeze %dma_wait3A_224 : memref<1x1x2x64xi32, #tpu.memory_space<hbm>> -> memref<2x64xi32, #tpu.memory_space<hbm>>
        %dma_wait3A_226 = arith.constant 0 : i32
        %dma_wait3A_227 = arith.constant 0 : i32
        %dma_wait3A_228 = tpu.memref_slice %arg6[%dma_wait3A_217, %dma_wait3A_226, %dma_wait3A_227] : memref<5x2x64xi32, #tpu.memory_space<vmem>> -> memref<1x2x64xi32, #tpu.memory_space<vmem>>
        %dma_wait3A_229 = tpu.memref_squeeze %dma_wait3A_228 : memref<1x2x64xi32, #tpu.memory_space<vmem>> -> memref<2x64xi32, #tpu.memory_space<vmem>>
        %dma_wait3A_230 = arith.constant 0 : i32
        %dma_wait3A_231 = arith.constant 0 : i32
        %dma_wait3A_232 = tpu.memref_slice %arg3[%add3A, %sub3A_134, %dma_wait3A_230, %dma_wait3A_231] : memref<32x160x2x64xi32, #tpu.memory_space<hbm>> -> memref<1x1x2x64xi32, #tpu.memory_space<hbm>>
        %dma_wait3A_233 = tpu.memref_squeeze %dma_wait3A_232 : memref<1x1x2x64xi32, #tpu.memory_space<hbm>> -> memref<2x64xi32, #tpu.memory_space<hbm>>
        tpu.wait_dma2 semaphore(%arg19 : memref<!tpu.dma_semaphore, #tpu.memory_space<semaphore_mem>>) src(%dma_wait3A_233 : memref<2x64xi32, #tpu.memory_space<hbm>>) dst(%dma_wait3A_229 : memref<2x64xi32, #tpu.memory_space<vmem>>)
        %dma_start3A_234 = arith.constant 1 : i32
        %dma_start3A_235 = arith.constant 0 : i32
        %dma_start3A_236 = arith.constant 0 : i32
        %dma_start3A_237 = tpu.memref_slice %arg6[%dma_start3A_234, %dma_start3A_235, %dma_start3A_236] : memref<5x2x64xi32, #tpu.memory_space<vmem>> -> memref<1x1x64xi32, #tpu.memory_space<vmem>>
        %dma_start3A_238 = tpu.memref_squeeze %dma_start3A_237 : memref<1x1x64xi32, #tpu.memory_space<vmem>> -> memref<64xi32, #tpu.memory_space<vmem>>
        %dma_start3A_239 = arith.constant 0 : i32
        %dma_start3A_240 = arith.constant 0 : i32
        %dma_start3A_241 = tpu.memref_slice %arg2[%dma_start3A_239, %dma_start3A_240] : memref<10000x128xf32, #tpu.memory_space<hbm>> -> memref<10000x128xf32, #tpu.memory_space<hbm>>
        tpu.enqueue_indirect_dma source(%dma_start3A_241 : memref<10000x128xf32, #tpu.memory_space<hbm>>) target(%arg8 : memref<64x128xf32, #tpu.memory_space<vmem>>) offsets(%dma_start3A_238 : memref<64xi32, #tpu.memory_space<vmem>>) semaphore(%arg14 : memref<!tpu.dma_semaphore, #tpu.memory_space<semaphore_mem>>)
      } else {
      }
      %dma_wait3A_140 = arith.constant 2 : i32
      %dma_wait3A_141 = arith.constant 0 : i32
      %dma_wait3A_142 = arith.constant 0 : i32
      %dma_wait3A_143 = tpu.memref_slice %arg6[%dma_wait3A_140, %dma_wait3A_141, %dma_wait3A_142] : memref<5x2x64xi32, #tpu.memory_space<vmem>> -> memref<1x1x64xi32, #tpu.memory_space<vmem>>
      %dma_wait3A_144 = tpu.memref_squeeze %dma_wait3A_143 : memref<1x1x64xi32, #tpu.memory_space<vmem>> -> memref<64xi32, #tpu.memory_space<vmem>>
      %dma_wait3A_145 = arith.constant 0 : i32
      %dma_wait3A_146 = arith.constant 0 : i32
      %dma_wait3A_147 = tpu.memref_slice %arg2[%dma_wait3A_145, %dma_wait3A_146] : memref<10000x128xf32, #tpu.memory_space<hbm>> -> memref<10000x128xf32, #tpu.memory_space<hbm>>
      tpu.wait_indirect_dma semaphore(%arg15 : memref<!tpu.dma_semaphore, #tpu.memory_space<semaphore_mem>>) src(%dma_wait3A_147 : memref<10000x128xf32, #tpu.memory_space<hbm>>) dst(%arg9 : memref<64x128xf32, #tpu.memory_space<vmem>>)
      %run_scoped3A_148 = arith.constant 2 : i32
      %run_scoped3A_149 = arith.constant 1 : i32
      "tpu.region"() ({
        %run_scoped3A_217 = tpu.sem_alloc : memref<!tpu.dma_semaphore, #tpu.memory_space<semaphore_mem>>
        %dma_start3A_218 = arith.constant 0 : i32
        %dma_start3A_219 = tpu.memref_slice %arg6[%run_scoped3A_148, %run_scoped3A_149, %dma_start3A_218] : memref<5x2x64xi32, #tpu.memory_space<vmem>> -> memref<1x1x64xi32, #tpu.memory_space<vmem>>
        %dma_start3A_220 = tpu.memref_squeeze %dma_start3A_219 : memref<1x1x64xi32, #tpu.memory_space<vmem>> -> memref<64xi32, #tpu.memory_space<vmem>>
        %dma_start3A_221 = arith.constant 0 : i32
        %dma_start3A_222 = arith.constant 0 : i32
        %dma_start3A_223 = tpu.memref_slice %arg12[%dma_start3A_221, %dma_start3A_222] : memref<10240x128xf32, #tpu.memory_space<vmem_shared>> -> memref<10240x128xf32, #tpu.memory_space<vmem_shared>>
        tpu.enqueue_indirect_dma source(%arg9 : memref<64x128xf32, #tpu.memory_space<vmem>>) target(%dma_start3A_223 : memref<10240x128xf32, #tpu.memory_space<vmem_shared>>) offsets(%dma_start3A_220 : memref<64xi32, #tpu.memory_space<vmem>>) semaphore(%run_scoped3A_217 : memref<!tpu.dma_semaphore, #tpu.memory_space<semaphore_mem>>) {add = true}
        %dma_wait3A_224 = arith.constant 0 : i32
        %dma_wait3A_225 = tpu.memref_slice %arg6[%run_scoped3A_148, %run_scoped3A_149, %dma_wait3A_224] : memref<5x2x64xi32, #tpu.memory_space<vmem>> -> memref<1x1x64xi32, #tpu.memory_space<vmem>>
        %dma_wait3A_226 = tpu.memref_squeeze %dma_wait3A_225 : memref<1x1x64xi32, #tpu.memory_space<vmem>> -> memref<64xi32, #tpu.memory_space<vmem>>
        %dma_wait3A_227 = arith.constant 0 : i32
        %dma_wait3A_228 = arith.constant 0 : i32
        %dma_wait3A_229 = tpu.memref_slice %arg12[%dma_wait3A_227, %dma_wait3A_228] : memref<10240x128xf32, #tpu.memory_space<vmem_shared>> -> memref<10240x128xf32, #tpu.memory_space<vmem_shared>>
        tpu.wait_indirect_dma semaphore(%run_scoped3A_217 : memref<!tpu.dma_semaphore, #tpu.memory_space<semaphore_mem>>) src(%arg9 : memref<64x128xf32, #tpu.memory_space<vmem>>) dst(%dma_wait3A_229 : memref<10240x128xf32, #tpu.memory_space<vmem_shared>>)
        tpu.yield
      }) : () -> ()
      %add3A_150 = arith.constant 5 : i32
      %add3A_151 = arith.addi %add3A_130, %add3A_150 : i32
      %lt3A_152 = arith.constant 160 : i32
      %lt3A_153 = arith.cmpi slt, %add3A_151, %lt3A_152 : i32
      %convert_element_type3A_154 = arith.extui %lt3A_153 : i1 to i32
      %cond3A_155 = arith.constant 0 : i32
      %cond3A_156 = arith.cmpi ne, %convert_element_type3A_154, %cond3A_155 : i32
      scf.if %cond3A_156 {
        %add3A_217 = arith.constant 5 : i32
        %add3A_218 = arith.addi %add3A_130, %add3A_217 : i32
        %dma_start3A_219 = arith.constant 2 : i32
        %dma_start3A_220 = arith.constant 0 : i32
        %dma_start3A_221 = arith.constant 0 : i32
        %dma_start3A_222 = tpu.memref_slice %arg6[%dma_start3A_219, %dma_start3A_220, %dma_start3A_221] : memref<5x2x64xi32, #tpu.memory_space<vmem>> -> memref<1x2x64xi32, #tpu.memory_space<vmem>>
        %dma_start3A_223 = tpu.memref_squeeze %dma_start3A_222 : memref<1x2x64xi32, #tpu.memory_space<vmem>> -> memref<2x64xi32, #tpu.memory_space<vmem>>
        %dma_start3A_224 = arith.constant 0 : i32
        %dma_start3A_225 = arith.constant 0 : i32
        %dma_start3A_226 = tpu.memref_slice %arg3[%add3A, %add3A_218, %dma_start3A_224, %dma_start3A_225] : memref<32x160x2x64xi32, #tpu.memory_space<hbm>> -> memref<1x1x2x64xi32, #tpu.memory_space<hbm>>
        %dma_start3A_227 = tpu.memref_squeeze %dma_start3A_226 : memref<1x1x2x64xi32, #tpu.memory_space<hbm>> -> memref<2x64xi32, #tpu.memory_space<hbm>>
        %dma_start3A_228 = arith.constant 0 : i32
        %dma_start3A_229 = arith.constant 0 : i32
        %dma_start3A_230 = tpu.memref_slice %arg6[%dma_start3A_219, %dma_start3A_228, %dma_start3A_229] : memref<5x2x64xi32, #tpu.memory_space<vmem>> -> memref<1x2x64xi32, #tpu.memory_space<vmem>>
        %dma_start3A_231 = tpu.memref_squeeze %dma_start3A_230 : memref<1x2x64xi32, #tpu.memory_space<vmem>> -> memref<2x64xi32, #tpu.memory_space<vmem>>
        %dma_start3A_232 = arith.constant 0 : i32
        %dma_start3A_233 = arith.constant 0 : i32
        %dma_start3A_234 = tpu.memref_slice %arg3[%add3A, %add3A_218, %dma_start3A_232, %dma_start3A_233] : memref<32x160x2x64xi32, #tpu.memory_space<hbm>> -> memref<1x1x2x64xi32, #tpu.memory_space<hbm>>
        %dma_start3A_235 = tpu.memref_squeeze %dma_start3A_234 : memref<1x1x2x64xi32, #tpu.memory_space<hbm>> -> memref<2x64xi32, #tpu.memory_space<hbm>>
        tpu.enqueue_dma source(%dma_start3A_235 : memref<2x64xi32, #tpu.memory_space<hbm>>) target(%dma_start3A_231 : memref<2x64xi32, #tpu.memory_space<vmem>>) target_semaphore(%arg20 : memref<!tpu.dma_semaphore, #tpu.memory_space<semaphore_mem>>)
      } else {
      }
      %mul3A_157 = arith.constant 5 : i32
      %mul3A_158 = arith.muli %scan3A_71, %mul3A_157 : i32
      %add3A_159 = arith.constant 3 : i32
      %add3A_160 = arith.addi %mul3A_158, %add3A_159 : i32
      %add3A_161 = arith.constant 5 : i32
      %add3A_162 = arith.addi %add3A_160, %add3A_161 : i32
      %sub3A_163 = arith.constant 1 : i32
      %sub3A_164 = arith.subi %add3A_162, %sub3A_163 : i32
      %lt3A_165 = arith.constant 160 : i32
      %lt3A_166 = arith.cmpi slt, %sub3A_164, %lt3A_165 : i32
      %convert_element_type3A_167 = arith.extui %lt3A_166 : i1 to i32
      %cond3A_168 = arith.constant 0 : i32
      %cond3A_169 = arith.cmpi ne, %convert_element_type3A_167, %cond3A_168 : i32
      scf.if %cond3A_169 {
        %dma_wait3A_217 = arith.constant 2 : i32
        %dma_wait3A_218 = arith.constant 0 : i32
        %dma_wait3A_219 = arith.constant 0 : i32
        %dma_wait3A_220 = tpu.memref_slice %arg6[%dma_wait3A_217, %dma_wait3A_218, %dma_wait3A_219] : memref<5x2x64xi32, #tpu.memory_space<vmem>> -> memref<1x2x64xi32, #tpu.memory_space<vmem>>
        %dma_wait3A_221 = tpu.memref_squeeze %dma_wait3A_220 : memref<1x2x64xi32, #tpu.memory_space<vmem>> -> memref<2x64xi32, #tpu.memory_space<vmem>>
        %dma_wait3A_222 = arith.constant 0 : i32
        %dma_wait3A_223 = arith.constant 0 : i32
        %dma_wait3A_224 = tpu.memref_slice %arg3[%add3A, %sub3A_164, %dma_wait3A_222, %dma_wait3A_223] : memref<32x160x2x64xi32, #tpu.memory_space<hbm>> -> memref<1x1x2x64xi32, #tpu.memory_space<hbm>>
        %dma_wait3A_225 = tpu.memref_squeeze %dma_wait3A_224 : memref<1x1x2x64xi32, #tpu.memory_space<hbm>> -> memref<2x64xi32, #tpu.memory_space<hbm>>
        %dma_wait3A_226 = arith.constant 0 : i32
        %dma_wait3A_227 = arith.constant 0 : i32
        %dma_wait3A_228 = tpu.memref_slice %arg6[%dma_wait3A_217, %dma_wait3A_226, %dma_wait3A_227] : memref<5x2x64xi32, #tpu.memory_space<vmem>> -> memref<1x2x64xi32, #tpu.memory_space<vmem>>
        %dma_wait3A_229 = tpu.memref_squeeze %dma_wait3A_228 : memref<1x2x64xi32, #tpu.memory_space<vmem>> -> memref<2x64xi32, #tpu.memory_space<vmem>>
        %dma_wait3A_230 = arith.constant 0 : i32
        %dma_wait3A_231 = arith.constant 0 : i32
        %dma_wait3A_232 = tpu.memref_slice %arg3[%add3A, %sub3A_164, %dma_wait3A_230, %dma_wait3A_231] : memref<32x160x2x64xi32, #tpu.memory_space<hbm>> -> memref<1x1x2x64xi32, #tpu.memory_space<hbm>>
        %dma_wait3A_233 = tpu.memref_squeeze %dma_wait3A_232 : memref<1x1x2x64xi32, #tpu.memory_space<hbm>> -> memref<2x64xi32, #tpu.memory_space<hbm>>
        tpu.wait_dma2 semaphore(%arg20 : memref<!tpu.dma_semaphore, #tpu.memory_space<semaphore_mem>>) src(%dma_wait3A_233 : memref<2x64xi32, #tpu.memory_space<hbm>>) dst(%dma_wait3A_229 : memref<2x64xi32, #tpu.memory_space<vmem>>)
        %dma_start3A_234 = arith.constant 2 : i32
        %dma_start3A_235 = arith.constant 0 : i32
        %dma_start3A_236 = arith.constant 0 : i32
        %dma_start3A_237 = tpu.memref_slice %arg6[%dma_start3A_234, %dma_start3A_235, %dma_start3A_236] : memref<5x2x64xi32, #tpu.memory_space<vmem>> -> memref<1x1x64xi32, #tpu.memory_space<vmem>>
        %dma_start3A_238 = tpu.memref_squeeze %dma_start3A_237 : memref<1x1x64xi32, #tpu.memory_space<vmem>> -> memref<64xi32, #tpu.memory_space<vmem>>
        %dma_start3A_239 = arith.constant 0 : i32
        %dma_start3A_240 = arith.constant 0 : i32
        %dma_start3A_241 = tpu.memref_slice %arg2[%dma_start3A_239, %dma_start3A_240] : memref<10000x128xf32, #tpu.memory_space<hbm>> -> memref<10000x128xf32, #tpu.memory_space<hbm>>
        tpu.enqueue_indirect_dma source(%dma_start3A_241 : memref<10000x128xf32, #tpu.memory_space<hbm>>) target(%arg9 : memref<64x128xf32, #tpu.memory_space<vmem>>) offsets(%dma_start3A_238 : memref<64xi32, #tpu.memory_space<vmem>>) semaphore(%arg15 : memref<!tpu.dma_semaphore, #tpu.memory_space<semaphore_mem>>)
      } else {
      }
      %dma_wait3A_170 = arith.constant 3 : i32
      %dma_wait3A_171 = arith.constant 0 : i32
      %dma_wait3A_172 = arith.constant 0 : i32
      %dma_wait3A_173 = tpu.memref_slice %arg6[%dma_wait3A_170, %dma_wait3A_171, %dma_wait3A_172] : memref<5x2x64xi32, #tpu.memory_space<vmem>> -> memref<1x1x64xi32, #tpu.memory_space<vmem>>
      %dma_wait3A_174 = tpu.memref_squeeze %dma_wait3A_173 : memref<1x1x64xi32, #tpu.memory_space<vmem>> -> memref<64xi32, #tpu.memory_space<vmem>>
      %dma_wait3A_175 = arith.constant 0 : i32
      %dma_wait3A_176 = arith.constant 0 : i32
      %dma_wait3A_177 = tpu.memref_slice %arg2[%dma_wait3A_175, %dma_wait3A_176] : memref<10000x128xf32, #tpu.memory_space<hbm>> -> memref<10000x128xf32, #tpu.memory_space<hbm>>
      tpu.wait_indirect_dma semaphore(%arg16 : memref<!tpu.dma_semaphore, #tpu.memory_space<semaphore_mem>>) src(%dma_wait3A_177 : memref<10000x128xf32, #tpu.memory_space<hbm>>) dst(%arg10 : memref<64x128xf32, #tpu.memory_space<vmem>>)
      %run_scoped3A_178 = arith.constant 3 : i32
      %run_scoped3A_179 = arith.constant 1 : i32
      "tpu.region"() ({
        %run_scoped3A_217 = tpu.sem_alloc : memref<!tpu.dma_semaphore, #tpu.memory_space<semaphore_mem>>
        %dma_start3A_218 = arith.constant 0 : i32
        %dma_start3A_219 = tpu.memref_slice %arg6[%run_scoped3A_178, %run_scoped3A_179, %dma_start3A_218] : memref<5x2x64xi32, #tpu.memory_space<vmem>> -> memref<1x1x64xi32, #tpu.memory_space<vmem>>
        %dma_start3A_220 = tpu.memref_squeeze %dma_start3A_219 : memref<1x1x64xi32, #tpu.memory_space<vmem>> -> memref<64xi32, #tpu.memory_space<vmem>>
        %dma_start3A_221 = arith.constant 0 : i32
        %dma_start3A_222 = arith.constant 0 : i32
        %dma_start3A_223 = tpu.memref_slice %arg12[%dma_start3A_221, %dma_start3A_222] : memref<10240x128xf32, #tpu.memory_space<vmem_shared>> -> memref<10240x128xf32, #tpu.memory_space<vmem_shared>>
        tpu.enqueue_indirect_dma source(%arg10 : memref<64x128xf32, #tpu.memory_space<vmem>>) target(%dma_start3A_223 : memref<10240x128xf32, #tpu.memory_space<vmem_shared>>) offsets(%dma_start3A_220 : memref<64xi32, #tpu.memory_space<vmem>>) semaphore(%run_scoped3A_217 : memref<!tpu.dma_semaphore, #tpu.memory_space<semaphore_mem>>) {add = true}
        %dma_wait3A_224 = arith.constant 0 : i32
        %dma_wait3A_225 = tpu.memref_slice %arg6[%run_scoped3A_178, %run_scoped3A_179, %dma_wait3A_224] : memref<5x2x64xi32, #tpu.memory_space<vmem>> -> memref<1x1x64xi32, #tpu.memory_space<vmem>>
        %dma_wait3A_226 = tpu.memref_squeeze %dma_wait3A_225 : memref<1x1x64xi32, #tpu.memory_space<vmem>> -> memref<64xi32, #tpu.memory_space<vmem>>
        %dma_wait3A_227 = arith.constant 0 : i32
        %dma_wait3A_228 = arith.constant 0 : i32
        %dma_wait3A_229 = tpu.memref_slice %arg12[%dma_wait3A_227, %dma_wait3A_228] : memref<10240x128xf32, #tpu.memory_space<vmem_shared>> -> memref<10240x128xf32, #tpu.memory_space<vmem_shared>>
        tpu.wait_indirect_dma semaphore(%run_scoped3A_217 : memref<!tpu.dma_semaphore, #tpu.memory_space<semaphore_mem>>) src(%arg10 : memref<64x128xf32, #tpu.memory_space<vmem>>) dst(%dma_wait3A_229 : memref<10240x128xf32, #tpu.memory_space<vmem_shared>>)
        tpu.yield
      }) : () -> ()
      %add3A_180 = arith.constant 5 : i32
      %add3A_181 = arith.addi %add3A_160, %add3A_180 : i32
      %lt3A_182 = arith.constant 160 : i32
      %lt3A_183 = arith.cmpi slt, %add3A_181, %lt3A_182 : i32
      %convert_element_type3A_184 = arith.extui %lt3A_183 : i1 to i32
      %cond3A_185 = arith.constant 0 : i32
      %cond3A_186 = arith.cmpi ne, %convert_element_type3A_184, %cond3A_185 : i32
      scf.if %cond3A_186 {
        %add3A_217 = arith.constant 5 : i32
        %add3A_218 = arith.addi %add3A_160, %add3A_217 : i32
        %dma_start3A_219 = arith.constant 3 : i32
        %dma_start3A_220 = arith.constant 0 : i32
        %dma_start3A_221 = arith.constant 0 : i32
        %dma_start3A_222 = tpu.memref_slice %arg6[%dma_start3A_219, %dma_start3A_220, %dma_start3A_221] : memref<5x2x64xi32, #tpu.memory_space<vmem>> -> memref<1x2x64xi32, #tpu.memory_space<vmem>>
        %dma_start3A_223 = tpu.memref_squeeze %dma_start3A_222 : memref<1x2x64xi32, #tpu.memory_space<vmem>> -> memref<2x64xi32, #tpu.memory_space<vmem>>
        %dma_start3A_224 = arith.constant 0 : i32
        %dma_start3A_225 = arith.constant 0 : i32
        %dma_start3A_226 = tpu.memref_slice %arg3[%add3A, %add3A_218, %dma_start3A_224, %dma_start3A_225] : memref<32x160x2x64xi32, #tpu.memory_space<hbm>> -> memref<1x1x2x64xi32, #tpu.memory_space<hbm>>
        %dma_start3A_227 = tpu.memref_squeeze %dma_start3A_226 : memref<1x1x2x64xi32, #tpu.memory_space<hbm>> -> memref<2x64xi32, #tpu.memory_space<hbm>>
        %dma_start3A_228 = arith.constant 0 : i32
        %dma_start3A_229 = arith.constant 0 : i32
        %dma_start3A_230 = tpu.memref_slice %arg6[%dma_start3A_219, %dma_start3A_228, %dma_start3A_229] : memref<5x2x64xi32, #tpu.memory_space<vmem>> -> memref<1x2x64xi32, #tpu.memory_space<vmem>>
        %dma_start3A_231 = tpu.memref_squeeze %dma_start3A_230 : memref<1x2x64xi32, #tpu.memory_space<vmem>> -> memref<2x64xi32, #tpu.memory_space<vmem>>
        %dma_start3A_232 = arith.constant 0 : i32
        %dma_start3A_233 = arith.constant 0 : i32
        %dma_start3A_234 = tpu.memref_slice %arg3[%add3A, %add3A_218, %dma_start3A_232, %dma_start3A_233] : memref<32x160x2x64xi32, #tpu.memory_space<hbm>> -> memref<1x1x2x64xi32, #tpu.memory_space<hbm>>
        %dma_start3A_235 = tpu.memref_squeeze %dma_start3A_234 : memref<1x1x2x64xi32, #tpu.memory_space<hbm>> -> memref<2x64xi32, #tpu.memory_space<hbm>>
        tpu.enqueue_dma source(%dma_start3A_235 : memref<2x64xi32, #tpu.memory_space<hbm>>) target(%dma_start3A_231 : memref<2x64xi32, #tpu.memory_space<vmem>>) target_semaphore(%arg21 : memref<!tpu.dma_semaphore, #tpu.memory_space<semaphore_mem>>)
      } else {
      }
      %mul3A_187 = arith.constant 5 : i32
      %mul3A_188 = arith.muli %scan3A_71, %mul3A_187 : i32
      %add3A_189 = arith.constant 4 : i32
      %add3A_190 = arith.addi %mul3A_188, %add3A_189 : i32
      %add3A_191 = arith.constant 5 : i32
      %add3A_192 = arith.addi %add3A_190, %add3A_191 : i32
      %sub3A_193 = arith.constant 1 : i32
      %sub3A_194 = arith.subi %add3A_192, %sub3A_193 : i32
      %lt3A_195 = arith.constant 160 : i32
      %lt3A_196 = arith.cmpi slt, %sub3A_194, %lt3A_195 : i32
      %convert_element_type3A_197 = arith.extui %lt3A_196 : i1 to i32
      %cond3A_198 = arith.constant 0 : i32
      %cond3A_199 = arith.cmpi ne, %convert_element_type3A_197, %cond3A_198 : i32
      scf.if %cond3A_199 {
        %dma_wait3A_217 = arith.constant 3 : i32
        %dma_wait3A_218 = arith.constant 0 : i32
        %dma_wait3A_219 = arith.constant 0 : i32
        %dma_wait3A_220 = tpu.memref_slice %arg6[%dma_wait3A_217, %dma_wait3A_218, %dma_wait3A_219] : memref<5x2x64xi32, #tpu.memory_space<vmem>> -> memref<1x2x64xi32, #tpu.memory_space<vmem>>
        %dma_wait3A_221 = tpu.memref_squeeze %dma_wait3A_220 : memref<1x2x64xi32, #tpu.memory_space<vmem>> -> memref<2x64xi32, #tpu.memory_space<vmem>>
        %dma_wait3A_222 = arith.constant 0 : i32
        %dma_wait3A_223 = arith.constant 0 : i32
        %dma_wait3A_224 = tpu.memref_slice %arg3[%add3A, %sub3A_194, %dma_wait3A_222, %dma_wait3A_223] : memref<32x160x2x64xi32, #tpu.memory_space<hbm>> -> memref<1x1x2x64xi32, #tpu.memory_space<hbm>>
        %dma_wait3A_225 = tpu.memref_squeeze %dma_wait3A_224 : memref<1x1x2x64xi32, #tpu.memory_space<hbm>> -> memref<2x64xi32, #tpu.memory_space<hbm>>
        %dma_wait3A_226 = arith.constant 0 : i32
        %dma_wait3A_227 = arith.constant 0 : i32
        %dma_wait3A_228 = tpu.memref_slice %arg6[%dma_wait3A_217, %dma_wait3A_226, %dma_wait3A_227] : memref<5x2x64xi32, #tpu.memory_space<vmem>> -> memref<1x2x64xi32, #tpu.memory_space<vmem>>
        %dma_wait3A_229 = tpu.memref_squeeze %dma_wait3A_228 : memref<1x2x64xi32, #tpu.memory_space<vmem>> -> memref<2x64xi32, #tpu.memory_space<vmem>>
        %dma_wait3A_230 = arith.constant 0 : i32
        %dma_wait3A_231 = arith.constant 0 : i32
        %dma_wait3A_232 = tpu.memref_slice %arg3[%add3A, %sub3A_194, %dma_wait3A_230, %dma_wait3A_231] : memref<32x160x2x64xi32, #tpu.memory_space<hbm>> -> memref<1x1x2x64xi32, #tpu.memory_space<hbm>>
        %dma_wait3A_233 = tpu.memref_squeeze %dma_wait3A_232 : memref<1x1x2x64xi32, #tpu.memory_space<hbm>> -> memref<2x64xi32, #tpu.memory_space<hbm>>
        tpu.wait_dma2 semaphore(%arg21 : memref<!tpu.dma_semaphore, #tpu.memory_space<semaphore_mem>>) src(%dma_wait3A_233 : memref<2x64xi32, #tpu.memory_space<hbm>>) dst(%dma_wait3A_229 : memref<2x64xi32, #tpu.memory_space<vmem>>)
        %dma_start3A_234 = arith.constant 3 : i32
        %dma_start3A_235 = arith.constant 0 : i32
        %dma_start3A_236 = arith.constant 0 : i32
        %dma_start3A_237 = tpu.memref_slice %arg6[%dma_start3A_234, %dma_start3A_235, %dma_start3A_236] : memref<5x2x64xi32, #tpu.memory_space<vmem>> -> memref<1x1x64xi32, #tpu.memory_space<vmem>>
        %dma_start3A_238 = tpu.memref_squeeze %dma_start3A_237 : memref<1x1x64xi32, #tpu.memory_space<vmem>> -> memref<64xi32, #tpu.memory_space<vmem>>
        %dma_start3A_239 = arith.constant 0 : i32
        %dma_start3A_240 = arith.constant 0 : i32
        %dma_start3A_241 = tpu.memref_slice %arg2[%dma_start3A_239, %dma_start3A_240] : memref<10000x128xf32, #tpu.memory_space<hbm>> -> memref<10000x128xf32, #tpu.memory_space<hbm>>
        tpu.enqueue_indirect_dma source(%dma_start3A_241 : memref<10000x128xf32, #tpu.memory_space<hbm>>) target(%arg10 : memref<64x128xf32, #tpu.memory_space<vmem>>) offsets(%dma_start3A_238 : memref<64xi32, #tpu.memory_space<vmem>>) semaphore(%arg16 : memref<!tpu.dma_semaphore, #tpu.memory_space<semaphore_mem>>)
      } else {
      }
      %dma_wait3A_200 = arith.constant 4 : i32
      %dma_wait3A_201 = arith.constant 0 : i32
      %dma_wait3A_202 = arith.constant 0 : i32
      %dma_wait3A_203 = tpu.memref_slice %arg6[%dma_wait3A_200, %dma_wait3A_201, %dma_wait3A_202] : memref<5x2x64xi32, #tpu.memory_space<vmem>> -> memref<1x1x64xi32, #tpu.memory_space<vmem>>
      %dma_wait3A_204 = tpu.memref_squeeze %dma_wait3A_203 : memref<1x1x64xi32, #tpu.memory_space<vmem>> -> memref<64xi32, #tpu.memory_space<vmem>>
      %dma_wait3A_205 = arith.constant 0 : i32
      %dma_wait3A_206 = arith.constant 0 : i32
      %dma_wait3A_207 = tpu.memref_slice %arg2[%dma_wait3A_205, %dma_wait3A_206] : memref<10000x128xf32, #tpu.memory_space<hbm>> -> memref<10000x128xf32, #tpu.memory_space<hbm>>
      tpu.wait_indirect_dma semaphore(%arg17 : memref<!tpu.dma_semaphore, #tpu.memory_space<semaphore_mem>>) src(%dma_wait3A_207 : memref<10000x128xf32, #tpu.memory_space<hbm>>) dst(%arg11 : memref<64x128xf32, #tpu.memory_space<vmem>>)
      %run_scoped3A_208 = arith.constant 4 : i32
      %run_scoped3A_209 = arith.constant 1 : i32
      "tpu.region"() ({
        %run_scoped3A_217 = tpu.sem_alloc : memref<!tpu.dma_semaphore, #tpu.memory_space<semaphore_mem>>
        %dma_start3A_218 = arith.constant 0 : i32
        %dma_start3A_219 = tpu.memref_slice %arg6[%run_scoped3A_208, %run_scoped3A_209, %dma_start3A_218] : memref<5x2x64xi32, #tpu.memory_space<vmem>> -> memref<1x1x64xi32, #tpu.memory_space<vmem>>
        %dma_start3A_220 = tpu.memref_squeeze %dma_start3A_219 : memref<1x1x64xi32, #tpu.memory_space<vmem>> -> memref<64xi32, #tpu.memory_space<vmem>>
        %dma_start3A_221 = arith.constant 0 : i32
        %dma_start3A_222 = arith.constant 0 : i32
        %dma_start3A_223 = tpu.memref_slice %arg12[%dma_start3A_221, %dma_start3A_222] : memref<10240x128xf32, #tpu.memory_space<vmem_shared>> -> memref<10240x128xf32, #tpu.memory_space<vmem_shared>>
        tpu.enqueue_indirect_dma source(%arg11 : memref<64x128xf32, #tpu.memory_space<vmem>>) target(%dma_start3A_223 : memref<10240x128xf32, #tpu.memory_space<vmem_shared>>) offsets(%dma_start3A_220 : memref<64xi32, #tpu.memory_space<vmem>>) semaphore(%run_scoped3A_217 : memref<!tpu.dma_semaphore, #tpu.memory_space<semaphore_mem>>) {add = true}
        %dma_wait3A_224 = arith.constant 0 : i32
        %dma_wait3A_225 = tpu.memref_slice %arg6[%run_scoped3A_208, %run_scoped3A_209, %dma_wait3A_224] : memref<5x2x64xi32, #tpu.memory_space<vmem>> -> memref<1x1x64xi32, #tpu.memory_space<vmem>>
        %dma_wait3A_226 = tpu.memref_squeeze %dma_wait3A_225 : memref<1x1x64xi32, #tpu.memory_space<vmem>> -> memref<64xi32, #tpu.memory_space<vmem>>
        %dma_wait3A_227 = arith.constant 0 : i32
        %dma_wait3A_228 = arith.constant 0 : i32
        %dma_wait3A_229 = tpu.memref_slice %arg12[%dma_wait3A_227, %dma_wait3A_228] : memref<10240x128xf32, #tpu.memory_space<vmem_shared>> -> memref<10240x128xf32, #tpu.memory_space<vmem_shared>>
        tpu.wait_indirect_dma semaphore(%run_scoped3A_217 : memref<!tpu.dma_semaphore, #tpu.memory_space<semaphore_mem>>) src(%arg11 : memref<64x128xf32, #tpu.memory_space<vmem>>) dst(%dma_wait3A_229 : memref<10240x128xf32, #tpu.memory_space<vmem_shared>>)
        tpu.yield
      }) : () -> ()
      %add3A_210 = arith.constant 5 : i32
      %add3A_211 = arith.addi %add3A_190, %add3A_210 : i32
      %lt3A_212 = arith.constant 160 : i32
      %lt3A_213 = arith.cmpi slt, %add3A_211, %lt3A_212 : i32
      %convert_element_type3A_214 = arith.extui %lt3A_213 : i1 to i32
      %cond3A_215 = arith.constant 0 : i32
      %cond3A_216 = arith.cmpi ne, %convert_element_type3A_214, %cond3A_215 : i32
      scf.if %cond3A_216 {
        %add3A_217 = arith.constant 5 : i32
        %add3A_218 = arith.addi %add3A_190, %add3A_217 : i32
        %dma_start3A_219 = arith.constant 4 : i32
        %dma_start3A_220 = arith.constant 0 : i32
        %dma_start3A_221 = arith.constant 0 : i32
        %dma_start3A_222 = tpu.memref_slice %arg6[%dma_start3A_219, %dma_start3A_220, %dma_start3A_221] : memref<5x2x64xi32, #tpu.memory_space<vmem>> -> memref<1x2x64xi32, #tpu.memory_space<vmem>>
        %dma_start3A_223 = tpu.memref_squeeze %dma_start3A_222 : memref<1x2x64xi32, #tpu.memory_space<vmem>> -> memref<2x64xi32, #tpu.memory_space<vmem>>
        %dma_start3A_224 = arith.constant 0 : i32
        %dma_start3A_225 = arith.constant 0 : i32
        %dma_start3A_226 = tpu.memref_slice %arg3[%add3A, %add3A_218, %dma_start3A_224, %dma_start3A_225] : memref<32x160x2x64xi32, #tpu.memory_space<hbm>> -> memref<1x1x2x64xi32, #tpu.memory_space<hbm>>
        %dma_start3A_227 = tpu.memref_squeeze %dma_start3A_226 : memref<1x1x2x64xi32, #tpu.memory_space<hbm>> -> memref<2x64xi32, #tpu.memory_space<hbm>>
        %dma_start3A_228 = arith.constant 0 : i32
        %dma_start3A_229 = arith.constant 0 : i32
        %dma_start3A_230 = tpu.memref_slice %arg6[%dma_start3A_219, %dma_start3A_228, %dma_start3A_229] : memref<5x2x64xi32, #tpu.memory_space<vmem>> -> memref<1x2x64xi32, #tpu.memory_space<vmem>>
        %dma_start3A_231 = tpu.memref_squeeze %dma_start3A_230 : memref<1x2x64xi32, #tpu.memory_space<vmem>> -> memref<2x64xi32, #tpu.memory_space<vmem>>
        %dma_start3A_232 = arith.constant 0 : i32
        %dma_start3A_233 = arith.constant 0 : i32
        %dma_start3A_234 = tpu.memref_slice %arg3[%add3A, %add3A_218, %dma_start3A_232, %dma_start3A_233] : memref<32x160x2x64xi32, #tpu.memory_space<hbm>> -> memref<1x1x2x64xi32, #tpu.memory_space<hbm>>
        %dma_start3A_235 = tpu.memref_squeeze %dma_start3A_234 : memref<1x1x2x64xi32, #tpu.memory_space<hbm>> -> memref<2x64xi32, #tpu.memory_space<hbm>>
        tpu.enqueue_dma source(%dma_start3A_235 : memref<2x64xi32, #tpu.memory_space<hbm>>) target(%dma_start3A_231 : memref<2x64xi32, #tpu.memory_space<vmem>>) target_semaphore(%arg22 : memref<!tpu.dma_semaphore, #tpu.memory_space<semaphore_mem>>)
      } else {
      }
    }
    %scan3A_65 = arith.constant 32 : i32
    %barrier3A_66 = arith.constant 0 : index
    tpu.barrier barrier_id(%barrier3A_66)
    %mul3A_67 = arith.constant 640 : i32
    %mul3A_68 = arith.muli %arg1, %mul3A_67 : i32
    %mul3A_69 = arith.constant 640 : i32
    %mul3A_70 = arith.muli %arg1, %mul3A_69 : i32
    "tpu.region"() ({
      %run_scoped3A_71 = tpu.sem_alloc : memref<!tpu.dma_semaphore, #tpu.memory_space<semaphore_mem>>
      %dma_start3A_72 = arith.constant 0 : i32
      %dma_start3A_73 = tpu.memref_slice %arg5[%arg0, %mul3A_70, %dma_start3A_72] : memref<2x10240x128xf32, #tpu.memory_space<hbm>> -> memref<1x640x128xf32, #tpu.memory_space<hbm>>
      %dma_start3A_74 = tpu.memref_squeeze %dma_start3A_73 : memref<1x640x128xf32, #tpu.memory_space<hbm>> -> memref<640x128xf32, #tpu.memory_space<hbm>>
      %dma_start3A_75 = arith.constant 0 : i32
      %dma_start3A_76 = tpu.memref_slice %arg12[%mul3A_68, %dma_start3A_75] : memref<10240x128xf32, #tpu.memory_space<vmem_shared>> -> memref<640x128xf32, #tpu.memory_space<vmem_shared>>
      tpu.enqueue_dma source(%dma_start3A_76 : memref<640x128xf32, #tpu.memory_space<vmem_shared>>) target(%dma_start3A_74 : memref<640x128xf32, #tpu.memory_space<hbm>>) target_semaphore(%run_scoped3A_71 : memref<!tpu.dma_semaphore, #tpu.memory_space<semaphore_mem>>)
      %dma_wait3A = arith.constant 0 : i32
      %dma_wait3A_77 = tpu.memref_slice %arg5[%arg0, %mul3A_70, %dma_wait3A] : memref<2x10240x128xf32, #tpu.memory_space<hbm>> -> memref<1x640x128xf32, #tpu.memory_space<hbm>>
      %dma_wait3A_78 = tpu.memref_squeeze %dma_wait3A_77 : memref<1x640x128xf32, #tpu.memory_space<hbm>> -> memref<640x128xf32, #tpu.memory_space<hbm>>
      %dma_wait3A_79 = arith.constant 0 : i32
      %dma_wait3A_80 = tpu.memref_slice %arg12[%mul3A_68, %dma_wait3A_79] : memref<10240x128xf32, #tpu.memory_space<vmem_shared>> -> memref<640x128xf32, #tpu.memory_space<vmem_shared>>
      tpu.wait_dma2 semaphore(%run_scoped3A_71 : memref<!tpu.dma_semaphore, #tpu.memory_space<semaphore_mem>>) src(%dma_wait3A_80 : memref<640x128xf32, #tpu.memory_space<vmem_shared>>) dst(%dma_wait3A_78 : memref<640x128xf32, #tpu.memory_space<hbm>>)
      tpu.yield
    }) : () -> ()
    return
  }
}

module attributes {stable_mosaic.version = 14 : i64} {
  func.func @_linear_body(%arg0: i32, %arg1: memref<400x128xf32, #tpu.memory_space<vmem>>, %arg2: memref<128x128xf32, #tpu.memory_space<vmem>>, %arg3: memref<1x128xf32, #tpu.memory_space<vmem>>, %arg4: memref<400x128xf32, #tpu.memory_space<vmem>>) attributes {dimension_semantics = [#tpu.dimension_semantics<arbitrary>], iteration_bounds = array<i64: 25>, scalar_prefetch = 0 : i64, scratch_operands = 0 : i64, tpu.core_type = #tpu.core_type<tc>, window_params = [{transform_indices = @transform_0, window_bounds = array<i64: 400, 128>}, {pipeline_mode = #tpu.pipeline_mode<synchronous>, transform_indices = @transform_1, window_bounds = array<i64: 128, 128>}, {pipeline_mode = #tpu.pipeline_mode<synchronous>, transform_indices = @transform_2, window_bounds = array<i64: 1, 128>}, {transform_indices = @transform_3, window_bounds = array<i64: 400, 128>}]} {
    %get3A = arith.constant 0 : index
    %get3A_0 = arith.constant 0 : index
    %get3A_1 = vector.load %arg1[%get3A, %get3A_0] : memref<400x128xf32, #tpu.memory_space<vmem>>, vector<400x128xf32>
    %get3A_2 = arith.constant 0 : index
    %get3A_3 = arith.constant 0 : index
    %get3A_4 = vector.load %arg2[%get3A_2, %get3A_3] : memref<128x128xf32, #tpu.memory_space<vmem>>, vector<128x128xf32>
    %dot_general3A = arith.constant dense<0.000000e+00> : vector<400x128xf32>
    %dot_general3A_5 = tpu.matmul %get3A_1, %get3A_4, %dot_general3A {dimension_numbers = #tpu.dot_dimension_numbers<[1], [0], [0], [1], [0, 0, 1, 1], [], []>, transpose_lhs_hint = false} : vector<400x128xf32>, vector<128x128xf32>, vector<400x128xf32> -> vector<400x128xf32>
    %get3A_6 = arith.constant 0 : index
    %get3A_7 = arith.constant 0 : index
    %get3A_8 = vector.load %arg3[%get3A_6, %get3A_7] : memref<1x128xf32, #tpu.memory_space<vmem>>, vector<1x128xf32>
    %add3A = vector.broadcast %get3A_8 : vector<1x128xf32> to vector<400x128xf32>
    %add3A_9 = arith.addf %dot_general3A_5, %add3A : vector<400x128xf32>
    %max3A = arith.constant 0.000000e+00 : f32
    %max3A_10 = vector.broadcast %max3A : f32 to vector<400x128xf32>
    %max3A_11 = arith.maximumf %add3A_9, %max3A_10 : vector<400x128xf32>
    %swap3A = arith.constant 0 : index
    %swap3A_12 = arith.constant 0 : index
    %swap3A_13 = vector.load %arg4[%swap3A, %swap3A_12] : memref<400x128xf32, #tpu.memory_space<vmem>>, vector<400x128xf32>
    tpu.vector_store %arg4[%swap3A, %swap3A_12], %max3A_11 {strides = array<i32>} : memref<400x128xf32, #tpu.memory_space<vmem>>, vector<400x128xf32>,
    return
  }
  func.func @transform_0(%arg0: i32) -> (i32, i32) {
    %c0_i32 = arith.constant 0 : i32
    %c0_i32_0 = arith.constant 0 : i32
    return %arg0, %c0_i32 : i32, i32
  }
  func.func @transform_1(%arg0: i32) -> (i32, i32) {
    %c0_i32 = arith.constant 0 : i32
    %c0_i32_0 = arith.constant 0 : i32
    %c0_i32_1 = arith.constant 0 : i32
    return %c0_i32, %c0_i32_0 : i32, i32
  }
  func.func @transform_2(%arg0: i32) -> (i32, i32) {
    %c0_i32 = arith.constant 0 : i32
    %c0_i32_0 = arith.constant 0 : i32
    %c0_i32_1 = arith.constant 0 : i32
    return %c0_i32, %c0_i32_0 : i32, i32
  }
  func.func @transform_3(%arg0: i32) -> (i32, i32) {
    %c0_i32 = arith.constant 0 : i32
    %c0_i32_0 = arith.constant 0 : i32
    return %arg0, %c0_i32 : i32, i32
  }
}

module attributes {stable_mosaic.version = 14 : i64} {
  func.func @_prep_body(%arg0: i32, %arg1: memref<2x400x128xf32, #tpu.memory_space<vmem>>, %arg2: memref<400x128xf32, #tpu.memory_space<vmem>>, %arg3: memref<400x128xf32, #tpu.memory_space<vmem>>, %arg4: memref<400x128xf32, #tpu.memory_space<vmem>>) attributes {dimension_semantics = [#tpu.dimension_semantics<arbitrary>], iteration_bounds = array<i64: 25>, scalar_prefetch = 0 : i64, scratch_operands = 0 : i64, tpu.core_type = #tpu.core_type<tc>, window_params = [{transform_indices = @transform_0, window_bounds = array<i64: 2, 400, 128>}, {transform_indices = @transform_1, window_bounds = array<i64: 400, 128>}, {transform_indices = @transform_2, window_bounds = array<i64: 400, 128>}, {transform_indices = @transform_3, window_bounds = array<i64: 400, 128>}]} {
    %get3A = arith.constant 0 : index
    %get3A_0 = arith.constant 0 : index
    %get3A_1 = arith.constant 0 : index
    %get3A_2 = vector.load %arg1[%get3A, %get3A_0, %get3A_1] : memref<2x400x128xf32, #tpu.memory_space<vmem>>, vector<1x400x128xf32>
    %get3A_3 = vector.shape_cast %get3A_2 : vector<1x400x128xf32> to vector<400x128xf32>
    %get3A_4 = arith.constant 1 : index
    %get3A_5 = arith.constant 0 : index
    %get3A_6 = arith.constant 0 : index
    %get3A_7 = vector.load %arg1[%get3A_4, %get3A_5, %get3A_6] : memref<2x400x128xf32, #tpu.memory_space<vmem>>, vector<1x400x128xf32>
    %get3A_8 = vector.shape_cast %get3A_7 : vector<1x400x128xf32> to vector<400x128xf32>
    %add3A = arith.addf %get3A_3, %get3A_8 : vector<400x128xf32>
    %add3A_9 = arith.constant 1.000000e+00 : f32
    %add3A_10 = vector.broadcast %add3A_9 : f32 to vector<400x128xf32>
    %add3A_11 = arith.addf %add3A, %add3A_10 : vector<400x128xf32>
    %div3A = arith.constant 1.000000e+00 : f32
    %div3A_12 = vector.broadcast %div3A : f32 to vector<400x128xf32>
    %div3A_13 = arith.divf %div3A_12, %add3A_11 : vector<400x128xf32>
    %swap3A = arith.constant 0 : index
    %swap3A_14 = arith.constant 0 : index
    %swap3A_15 = vector.load %arg4[%swap3A, %swap3A_14] : memref<400x128xf32, #tpu.memory_space<vmem>>, vector<400x128xf32>
    tpu.vector_store %arg4[%swap3A, %swap3A_14], %div3A_13 {strides = array<i32>} : memref<400x128xf32, #tpu.memory_space<vmem>>, vector<400x128xf32>,
    %get3A_16 = arith.constant 0 : index
    %get3A_17 = arith.constant 0 : index
    %get3A_18 = vector.load %arg2[%get3A_16, %get3A_17] : memref<400x128xf32, #tpu.memory_space<vmem>>, vector<400x128xf32>
    %rsqrt3A = math.rsqrt %add3A_11 : vector<400x128xf32>
    %mul3A = arith.mulf %get3A_18, %rsqrt3A : vector<400x128xf32>
    %swap3A_19 = arith.constant 0 : index
    %swap3A_20 = arith.constant 0 : index
    %swap3A_21 = vector.load %arg3[%swap3A_19, %swap3A_20] : memref<400x128xf32, #tpu.memory_space<vmem>>, vector<400x128xf32>
    tpu.vector_store %arg3[%swap3A_19, %swap3A_20], %mul3A {strides = array<i32>} : memref<400x128xf32, #tpu.memory_space<vmem>>, vector<400x128xf32>,
    return
  }
  func.func @transform_0(%arg0: i32) -> (i32, i32, i32) {
    %c0_i32 = arith.constant 0 : i32
    %c0_i32_0 = arith.constant 0 : i32
    %c0_i32_1 = arith.constant 0 : i32
    return %c0_i32, %arg0, %c0_i32_0 : i32, i32, i32
  }
  func.func @transform_1(%arg0: i32) -> (i32, i32) {
    %c0_i32 = arith.constant 0 : i32
    %c0_i32_0 = arith.constant 0 : i32
    return %arg0, %c0_i32 : i32, i32
  }
  func.func @transform_2(%arg0: i32) -> (i32, i32) {
    %c0_i32 = arith.constant 0 : i32
    %c0_i32_0 = arith.constant 0 : i32
    return %arg0, %c0_i32 : i32, i32
  }
  func.func @transform_3(%arg0: i32) -> (i32, i32) {
    %c0_i32 = arith.constant 0 : i32
    %c0_i32_0 = arith.constant 0 : i32
    return %arg0, %c0_i32 : i32, i32
  }
}

module attributes {stable_mosaic.version = 14 : i64} {
  func.func @body(%arg0: i32, %arg1: memref<2x400x128xf32, #tpu.memory_space<vmem>>, %arg2: memref<400x128xf32, #tpu.memory_space<vmem>>, %arg3: memref<400x128xf32, #tpu.memory_space<vmem>>, %arg4: memref<400x128xf32, #tpu.memory_space<vmem>>, %arg5: memref<400x128xf32, #tpu.memory_space<vmem>>) attributes {dimension_semantics = [#tpu.dimension_semantics<arbitrary>], iteration_bounds = array<i64: 25>, scalar_prefetch = 0 : i64, scratch_operands = 0 : i64, tpu.core_type = #tpu.core_type<tc>, window_params = [{transform_indices = @transform_0, window_bounds = array<i64: 2, 400, 128>}, {transform_indices = @transform_1, window_bounds = array<i64: 400, 128>}, {transform_indices = @transform_2, window_bounds = array<i64: 400, 128>}, {transform_indices = @transform_3, window_bounds = array<i64: 400, 128>}, {transform_indices = @transform_4, window_bounds = array<i64: 400, 128>}]} {
    %get3A = arith.constant 0 : index
    %get3A_0 = arith.constant 0 : index
    %get3A_1 = vector.load %arg4[%get3A, %get3A_0] : memref<400x128xf32, #tpu.memory_space<vmem>>, vector<400x128xf32>
    %get3A_2 = arith.constant 0 : index
    %get3A_3 = arith.constant 0 : index
    %get3A_4 = arith.constant 0 : index
    %get3A_5 = vector.load %arg1[%get3A_2, %get3A_3, %get3A_4] : memref<2x400x128xf32, #tpu.memory_space<vmem>>, vector<1x400x128xf32>
    %get3A_6 = vector.shape_cast %get3A_5 : vector<1x400x128xf32> to vector<400x128xf32>
    %get3A_7 = arith.constant 1 : index
    %get3A_8 = arith.constant 0 : index
    %get3A_9 = arith.constant 0 : index
    %get3A_10 = vector.load %arg1[%get3A_7, %get3A_8, %get3A_9] : memref<2x400x128xf32, #tpu.memory_space<vmem>>, vector<1x400x128xf32>
    %get3A_11 = vector.shape_cast %get3A_10 : vector<1x400x128xf32> to vector<400x128xf32>
    %add3A = arith.addf %get3A_6, %get3A_11 : vector<400x128xf32>
    %get3A_12 = arith.constant 0 : index
    %get3A_13 = arith.constant 0 : index
    %get3A_14 = vector.load %arg2[%get3A_12, %get3A_13] : memref<400x128xf32, #tpu.memory_space<vmem>>, vector<400x128xf32>
    %add3A_15 = arith.addf %add3A, %get3A_14 : vector<400x128xf32>
    %mul3A = arith.constant 0.899999976 : f32
    %mul3A_16 = vector.broadcast %mul3A : f32 to vector<400x128xf32>
    %mul3A_17 = arith.mulf %mul3A_16, %get3A_1 : vector<400x128xf32>
    %mul3A_18 = arith.mulf %mul3A_17, %add3A_15 : vector<400x128xf32>
    %get3A_19 = arith.constant 0 : index
    %get3A_20 = arith.constant 0 : index
    %get3A_21 = vector.load %arg3[%get3A_19, %get3A_20] : memref<400x128xf32, #tpu.memory_space<vmem>>, vector<400x128xf32>
    %mul3A_22 = arith.constant 1.000000e-01 : f32
    %mul3A_23 = vector.broadcast %mul3A_22 : f32 to vector<400x128xf32>
    %mul3A_24 = arith.mulf %mul3A_23, %get3A_21 : vector<400x128xf32>
    %add3A_25 = arith.addf %mul3A_18, %mul3A_24 : vector<400x128xf32>
    %swap3A = arith.constant 0 : index
    %swap3A_26 = arith.constant 0 : index
    %swap3A_27 = vector.load %arg5[%swap3A, %swap3A_26] : memref<400x128xf32, #tpu.memory_space<vmem>>, vector<400x128xf32>
    tpu.vector_store %arg5[%swap3A, %swap3A_26], %add3A_25 {strides = array<i32>} : memref<400x128xf32, #tpu.memory_space<vmem>>, vector<400x128xf32>,
    return
  }
  func.func @transform_0(%arg0: i32) -> (i32, i32, i32) {
    %c0_i32 = arith.constant 0 : i32
    %c0_i32_0 = arith.constant 0 : i32
    %c0_i32_1 = arith.constant 0 : i32
    return %c0_i32, %arg0, %c0_i32_0 : i32, i32, i32
  }
  func.func @transform_1(%arg0: i32) -> (i32, i32) {
    %c0_i32 = arith.constant 0 : i32
    %c0_i32_0 = arith.constant 0 : i32
    return %arg0, %c0_i32 : i32, i32
  }
  func.func @transform_2(%arg0: i32) -> (i32, i32) {
    %c0_i32 = arith.constant 0 : i32
    %c0_i32_0 = arith.constant 0 : i32
    return %arg0, %c0_i32 : i32, i32
  }
  func.func @transform_3(%arg0: i32) -> (i32, i32) {
    %c0_i32 = arith.constant 0 : i32
    %c0_i32_0 = arith.constant 0 : i32
    return %arg0, %c0_i32 : i32, i32
  }
  func.func @transform_4(%arg0: i32) -> (i32, i32) {
    %c0_i32 = arith.constant 0 : i32
    %c0_i32_0 = arith.constant 0 : i32
    return %arg0, %c0_i32 : i32, i32
  }
}

module attributes {stable_mosaic.version = 14 : i64} {
  func.func @body(%arg0: i32, %arg1: memref<2x400x128xf32, #tpu.memory_space<vmem>>, %arg2: memref<400x128xf32, #tpu.memory_space<vmem>>, %arg3: memref<400x128xf32, #tpu.memory_space<vmem>>, %arg4: memref<400x128xf32, #tpu.memory_space<vmem>>, %arg5: memref<400x128xf32, #tpu.memory_space<vmem>>) attributes {dimension_semantics = [#tpu.dimension_semantics<arbitrary>], iteration_bounds = array<i64: 25>, scalar_prefetch = 0 : i64, scratch_operands = 0 : i64, tpu.core_type = #tpu.core_type<tc>, window_params = [{transform_indices = @transform_0, window_bounds = array<i64: 2, 400, 128>}, {transform_indices = @transform_1, window_bounds = array<i64: 400, 128>}, {transform_indices = @transform_2, window_bounds = array<i64: 400, 128>}, {transform_indices = @transform_3, window_bounds = array<i64: 400, 128>}, {transform_indices = @transform_4, window_bounds = array<i64: 400, 128>}]} {
    %get3A = arith.constant 0 : index
    %get3A_0 = arith.constant 0 : index
    %get3A_1 = vector.load %arg4[%get3A, %get3A_0] : memref<400x128xf32, #tpu.memory_space<vmem>>, vector<400x128xf32>
    %get3A_2 = arith.constant 0 : index
    %get3A_3 = arith.constant 0 : index
    %get3A_4 = arith.constant 0 : index
    %get3A_5 = vector.load %arg1[%get3A_2, %get3A_3, %get3A_4] : memref<2x400x128xf32, #tpu.memory_space<vmem>>, vector<1x400x128xf32>
    %get3A_6 = vector.shape_cast %get3A_5 : vector<1x400x128xf32> to vector<400x128xf32>
    %get3A_7 = arith.constant 1 : index
    %get3A_8 = arith.constant 0 : index
    %get3A_9 = arith.constant 0 : index
    %get3A_10 = vector.load %arg1[%get3A_7, %get3A_8, %get3A_9] : memref<2x400x128xf32, #tpu.memory_space<vmem>>, vector<1x400x128xf32>
    %get3A_11 = vector.shape_cast %get3A_10 : vector<1x400x128xf32> to vector<400x128xf32>
    %add3A = arith.addf %get3A_6, %get3A_11 : vector<400x128xf32>
    %get3A_12 = arith.constant 0 : index
    %get3A_13 = arith.constant 0 : index
    %get3A_14 = vector.load %arg2[%get3A_12, %get3A_13] : memref<400x128xf32, #tpu.memory_space<vmem>>, vector<400x128xf32>
    %add3A_15 = arith.addf %add3A, %get3A_14 : vector<400x128xf32>
    %mul3A = arith.constant 0.899999976 : f32
    %mul3A_16 = vector.broadcast %mul3A : f32 to vector<400x128xf32>
    %mul3A_17 = arith.mulf %mul3A_16, %get3A_1 : vector<400x128xf32>
    %mul3A_18 = arith.mulf %mul3A_17, %add3A_15 : vector<400x128xf32>
    %get3A_19 = arith.constant 0 : index
    %get3A_20 = arith.constant 0 : index
    %get3A_21 = vector.load %arg3[%get3A_19, %get3A_20] : memref<400x128xf32, #tpu.memory_space<vmem>>, vector<400x128xf32>
    %mul3A_22 = arith.constant 1.000000e-01 : f32
    %mul3A_23 = vector.broadcast %mul3A_22 : f32 to vector<400x128xf32>
    %mul3A_24 = arith.mulf %mul3A_23, %get3A_21 : vector<400x128xf32>
    %add3A_25 = arith.addf %mul3A_18, %mul3A_24 : vector<400x128xf32>
    %rsqrt3A = math.rsqrt %get3A_1 : vector<400x128xf32>
    %mul3A_26 = arith.mulf %add3A_25, %rsqrt3A : vector<400x128xf32>
    %swap3A = arith.constant 0 : index
    %swap3A_27 = arith.constant 0 : index
    %swap3A_28 = vector.load %arg5[%swap3A, %swap3A_27] : memref<400x128xf32, #tpu.memory_space<vmem>>, vector<400x128xf32>
    tpu.vector_store %arg5[%swap3A, %swap3A_27], %mul3A_26 {strides = array<i32>} : memref<400x128xf32, #tpu.memory_space<vmem>>, vector<400x128xf32>,
    return
  }
  func.func @transform_0(%arg0: i32) -> (i32, i32, i32) {
    %c0_i32 = arith.constant 0 : i32
    %c0_i32_0 = arith.constant 0 : i32
    %c0_i32_1 = arith.constant 0 : i32
    return %c0_i32, %arg0, %c0_i32_0 : i32, i32, i32
  }
  func.func @transform_1(%arg0: i32) -> (i32, i32) {
    %c0_i32 = arith.constant 0 : i32
    %c0_i32_0 = arith.constant 0 : i32
    return %arg0, %c0_i32 : i32, i32
  }
  func.func @transform_2(%arg0: i32) -> (i32, i32) {
    %c0_i32 = arith.constant 0 : i32
    %c0_i32_0 = arith.constant 0 : i32
    return %arg0, %c0_i32 : i32, i32
  }
  func.func @transform_3(%arg0: i32) -> (i32, i32) {
    %c0_i32 = arith.constant 0 : i32
    %c0_i32_0 = arith.constant 0 : i32
    return %arg0, %c0_i32 : i32, i32
  }
  func.func @transform_4(%arg0: i32) -> (i32, i32) {
    %c0_i32 = arith.constant 0 : i32
    %c0_i32_0 = arith.constant 0 : i32
    return %arg0, %c0_i32 : i32, i32
  }
}

</mosaic_0001>

<sc_bundles>
// kernel: closed_call.9.cloned.1.call-start
scs
__scs_entry_jumppad:
0x0: {  	(pc) =	sbr.rel $0x88, $3  }
0x1: {  	(tag) =	ssettag $0x0;
	lr =	simm.s32 $0x1  }
0x2: {  	[smem:$0x3F9D] =	sst lr;
	_ =	strace $0xD0000000  }
0x3: {  	_ = 	snop  }
0x4: {  	_ = 	snop  }
0x5: {  	_ = 	snop  }
0x6: {  	_ = 	snop  }
0x7: {  	_ = 	snop  }
__scs_overlays_trampoline_lowered:
0x8: {  	[smem:$0x3FAC] =	sst s0  }
0x9: {  	[smem:$0x3FAD] =	sst s1  }
0xa: {  	[smem:$0x3FAE] =	sst s2  }
0xb: {  	[smem:$0x3FAF] =	sst s3  }
0xc: {  	[smem:$0x3FB0] =	sst s4  }
0xd: {  	[smem:$0x3FB1] =	sst s5  }
0xe: {  	[smem:$0x3FB2] =	sst s6  }
0xf: {  	[smem:$0x3FB3] =	sst s7  }
0x10: {  	[smem:$0x3FB4] =	sst s8  }
0x11: {  	[smem:$0x3FB5] =	sst s9;
	s0 =	simm.s32 @!p0 $0x0  }
0x12: {  	s1 =	sld [smem:$0x3F9B];
	s0 =	simm.s32 @p0 $0x1  }
0x13: {  	[smem:$0x3FB6] =	sst s0;
	s0 =	simm.s32 @!p1 $0x0  }
0x14: {  	s2 =	sld [smem:$0x3F9A];
	s0 =	simm.s32 @p1 $0x1  }
0x15: {  	[smem:$0x3FB7] =	sst s0;
	s0 =	simm.s32 @!p2 $0x0  }
0x16: {  	s3 =	sld [smem:$0x3FDB];
	s0 =	simm.s32 @p2 $0x1  }
0x17: {  	s4 =	simm.s32 $0x1BF5;
	[smem:$0x3FB9] =	sst s0  }
0x18: {  	s0 =	sld [smem:$0x3F9C];
	_ =	swait.ge [sflag:s4], $0x0  }
0x19: {  	s7 =	sld [smem:$0x3F9D]  }
0x1a: {  	s8 =	sadd.s32 $0xFFFFE003, lr  }
0x1b: {  	s9 =	sadd.s32 $0xFFFFFEF7, lr;
	s5 =	simm.s32 $0xFFFFFFFF;
	p2 =	slt.u32 s8, $0xFFFFF086  }
0x1c: {  	p1 =	slt.u32 s9, $0xF7A;
	s5 =	simm.s32 @!p2 $0x0  }
0x1d: {  	s5 =	simm.s32 @p1 $0x1;
	p0 =	seq.s32 s7, s2  }
0x1e: {  	s7 =	smul.u32 @!p0 $0xF7A, s2;
	p2 =	seq.s32 @!p0 s5, $0x0  }
0x1f: {  	s9 =	smul.u32 $0xF7A, s1;
	s8 =	simm.s32 @!p0 $0x1BF5;
	p2 =	por !p2, p0  }
0x20: {  	[sflag:s8] =	ssyncset.s32 @!p0 $0xFFFFF086;
	s6 =	sadd.s32 @!p0 s3, s7;
	s7 =	simm.s32 @!p0 $0x108  }
0x21: {  	s3 =	sadd.s32 s3, s9;
	s6 =	sadd.s32 @!p0 $0x88, s6;
	s7 =	simm.s32 @p2 $0x1082  }
0x22: {  	[simem:s7], [sflag:s8] =	dma.local @!p0 [hbm:s6], $0xF7A  }
0x23: {  	s9 =	sor.u32 $0xD0000000, s2;
	s6 =	simm.s32 $0x108;
	_ =	swait.ge @!p0 [sflag:s8], $0x0  }
0x24: {  	s3 =	sadd.s32 $0x88, s3;
	s6 =	simm.s32 @!p1 $0x1082;
	[sflag:s4] =	ssyncset.s32 $0xFFFFF086  }
0x25: {  	[simem:s6], [sflag:s4] =	dma.local [hbm:s3], $0xF7A  }
0x26: {  	[smem:$0x3F9D] =	sst s1;
	(tag) =	ssettag s2;
	_ =	strace s9  }
0x27: {  	s1 =	sld [smem:$0x3FAD]  }
0x28: {  	s2 =	sld [smem:$0x3FAE]  }
0x29: {  	s4 =	sld [smem:$0x3FB0]  }
0x2a: {  	p0 =	seq.s32 s5, $0x0;
	s5 =	sld [smem:$0x3FB1]  }
0x2b: {  	s6 =	sld [smem:$0x3FB2]  }
0x2c: {  	s7 =	sld [smem:$0x3FB3]  }
0x2d: {  	s3 =	simm.s32 $0x108;
	s8 =	sld [smem:$0x3FB4]  }
0x2e: {  	s3 =	simm.s32 @!p0 $0x1082;
	s9 =	sld [smem:$0x3FB5]  }
0x2f: {  	lr =	sadd.s32 s0, s3;
	s0 =	sld [smem:$0x3FAC]  }
0x30: {  	s3 =	sld [smem:$0x3FAF]  }
0x31: {  	[smem:$0x3FB8] =	sst s10  }
0x32: {  	s10 =	sld [smem:$0x3FB6];
	_ =	sdelay $0x3  }
0x33: {  	p0 =	seq.s32 s10, $0x1;
	s10 =	sld [smem:$0x3FB8];
	_ =	sdelay $0x3  }
0x34: {  	[smem:$0x3FB8] =	sst s10  }
0x35: {  	s10 =	sld [smem:$0x3FB7];
	_ =	sdelay $0x3  }
0x36: {  	p1 =	seq.s32 s10, $0x1;
	s10 =	sld [smem:$0x3FB8];
	_ =	sdelay $0x3  }
0x37: {  	[smem:$0x3FB8] =	sst s10  }
0x38: {  	s10 =	sld [smem:$0x3FB9]  }
0x39: {  	_ = 	snop;
	(pc) =	sbr.ind lr, $3  }
0x3a: {  	_ = 	snop  }
0x3b: {  	_ = 	snop  }
0x3c: {  	p2 =	seq.s32 s10, $0x1;
	s10 =	sld [smem:$0x3FB8]  }
0x3d: {  	_ =	shalt  }
0x3e: {  	_ =	shalt  }
0x3f: {  	_ =	shalt  }
0x40: {  	_ =	shalt  }
0x41: {  	_ =	shalt  }
0x42: {  	_ =	shalt  }
0x43: {  	_ =	shalt  }
0x44: {  	_ =	shalt  }
0x45: {  	_ =	shalt  }
0x46: {  	_ =	shalt  }
0x47: {  	_ =	shalt  }
0x48: {  	_ =	shalt  }
0x49: {  	_ =	shalt  }
0x4a: {  	_ =	shalt  }
0x4b: {  	_ =	shalt  }
0x4c: {  	_ =	shalt  }
0x4d: {  	_ =	shalt  }
0x4e: {  	_ =	shalt  }
0x4f: {  	_ =	shalt  }
0x50: {  	_ =	shalt  }
0x51: {  	_ =	shalt  }
0x52: {  	_ =	shalt  }
0x53: {  	_ =	shalt  }
0x54: {  	_ =	shalt  }
0x55: {  	_ =	shalt  }
0x56: {  	_ =	shalt  }
0x57: {  	_ =	shalt  }
0x58: {  	_ =	shalt  }
0x59: {  	_ =	shalt  }
0x5a: {  	_ =	shalt  }
0x5b: {  	_ =	shalt  }
0x5c: {  	_ =	shalt  }
0x5d: {  	_ =	shalt  }
0x5e: {  	_ =	shalt  }
0x5f: {  	_ =	shalt  }
0x60: {  	_ =	shalt  }
0x61: {  	_ =	shalt  }
0x62: {  	_ =	shalt  }
0x63: {  	_ =	shalt  }
0x64: {  	_ =	shalt  }
0x65: {  	_ =	shalt  }
0x66: {  	_ =	shalt  }
0x67: {  	_ =	shalt  }
0x68: {  	_ =	shalt  }
0x69: {  	_ =	shalt  }
0x6a: {  	_ =	shalt  }
0x6b: {  	_ =	shalt  }
0x6c: {  	_ =	shalt  }
0x6d: {  	_ =	shalt  }
0x6e: {  	_ =	shalt  }
0x6f: {  	_ =	shalt  }
0x70: {  	_ =	shalt  }
0x71: {  	_ =	shalt  }
0x72: {  	_ =	shalt  }
0x73: {  	_ =	shalt  }
0x74: {  	_ =	shalt  }
0x75: {  	_ =	shalt  }
0x76: {  	_ =	shalt  }
0x77: {  	_ =	shalt  }
0x78: {  	_ =	shalt  }
0x79: {  	_ =	shalt  }
0x7a: {  	_ =	shalt  }
0x7b: {  	_ =	shalt  }
0x7c: {  	_ =	shalt  }
0x7d: {  	_ =	shalt  }
0x7e: {  	_ =	shalt  }
0x7f: {  	_ =	shalt  }
0x80: {  	_ =	shalt  }
0x81: {  	_ =	shalt  }
0x82: {  	_ =	shalt  }
0x83: {  	_ =	shalt  }
0x84: {  	_ =	shalt  }
0x85: {  	_ =	shalt  }
0x86: {  	_ =	shalt  }
0x87: {  	_ =	shalt  }
.Lfunc_end0:
.L_simem_size_0:
called_computation_lowered:
.L_overlay_start_0:
0x88: {  	s2 =	sld [smem:$0x3FD9]  }
0x89: {  	s3 =	sld [smem:$0x3FFE];
	_ =	sdelay $0x1  }
0x8a: {  	s1 =	srdreg.scid  }
0x8b: {  	s0 =	sand.u32 $0x1, s1  }
0x8c: {  	s17 =	sshll.u32 s0, $0xA;
	s2 =	sadd.s32 s3, s2  }
0x8d: {  	s2 =	sadd.s32 s2, s17  }
0x8e: {  	[smem:$0x3FC4] =	sst s2  }
0x8f: {  	_ = 	snop  }
0x90: {  	s2 =	sld [smem:$0x3FD0];
	(tm) =	ssettm $0x1  }
0x91: {  	s18 =	sld [smem:$0x3FFB];
	_ =	sdelay $0x3  }
0x92: {  	_ =	strace s18  }
0x93: {  	s3 =	sld [smem:$0x3FFC];
	_ =	sdelay $0x3  }
0x94: {  	_ =	strace s3  }
0x95: {  	s3 =	sld [smem:$0x3FFD];
	_ =	sdelay $0x3  }
0x96: {  	_ =	strace s3  }
0x97: {  	_ =	strace $0x8FFFFFFF  }
0x98: {  	s19 =	sld [smem:$0x3FDB];
	_ =	sdelay $0x1  }
0x99: {  	s4 =	simm.s32 $_scs_section_size  }
0x9a: {  	s5 =	simm.s32 $_size__tile_overlayer_lowered;
	s6 =	simm.s32 $_tile_overlayer_lowered  }
0x9b: {  	s22 =	simm.s32 $0x1BFF;
	s21 =	sshll.u32 s6, $0x1;
	s3 =	sadd.s32 s4, s19  }
0x9c: {  	s7 =	simm.s32 $0x0;
	s20 =	sshll.u32 s5, $0x1;
	s5 =	sadd.s32 s21, s3  }
0x9d: {  	[timem:s7], [sflag:s22] =	dma.local [hbm:s5], s20  }
0x9e: {  	_ =	swait.ge [sflag:s22], s20  }
0x9f: {  	s4 =	ssub.s32 $0x0, s20;
	[sflag:s22] =	ssyncset.done $0x0  }
0xa0: {  	[sflag:s22] =	ssyncadd.s32 s4;
	_ =	sdelay $0x1  }
0xa1: {  	s23 =	simm.s32 $0x1B8B  }
0xa2: {  	_ =	swait.ge [sflag:s23], $0x1  }
0xa3: {  	[sflag:s23] =	ssyncset.done $0x0  }
0xa4: {  	s25 =	simm.s32 $0x1B8E;
	s24 =	sld [smem:$0x3FFE];
	[sflag:s23] =	ssyncadd.s32 $0xFFFFFFFF  }
0xa5: {  	s26 =	simm.s32 $execute0_lowered;
	[smem:$0x3FD2] =	sst s25  }
0xa6: {  	s5 =	sshll.u32 s26, $0x1;
	_ =	strace $0x8000004C;
	[dreg:$0x1] =	wrdreg $0xFFFFFFFF  }
0xa7: {  	s28 =	simm.s32 $_size_execute0_lowered;
	s3 =	sadd.s32 s3, s5;
	[dreg:$0x0] =	wrdreg $0x0  }
0xa8: {  	s5 =	sshll.u32 s28, $0x1;
	[dreg:$0x2] =	wrdreg s3  }
0xa9: {  	[dreg:$0x3] =	wrdreg s5  }
0xaa: {  	[dreg:$0x4] =	wrdreg $0xC0  }
0xab: {  	_ =	task [dreg:s7], $0x5FFFF  }
0xac: {  	[dreg:$0x1] =	wrdreg $0xFFFFFFFF  }
0xad: {  	[dreg:$0x0] =	wrdreg $0x60  }
0xae: {  	[dreg:$0x2] =	wrdreg s2  }
0xaf: {  	[dreg:$0x3] =	wrdreg s24  }
0xb0: {  	[dreg:$0x4] =	wrdreg $0xA5000  }
0xb1: {  	[dreg:$0x5] =	wrdreg $0x9  }
0xb2: {  	_ =	task.clear_ibuf [dreg:s7], $0x6FFFF;
	_ =	strace $0x9000004C  }
0xb3: {  	s29 =	simm.s32 $0x9;
	_ =	strace $0x8000004E  }
0xb4: {  	_ =	swait.ge [sflag:s29], $0x1  }
0xb5: {  	[sflag:s29] =	ssyncadd.s32 $0xFFFFFFFF  }
0xb6: {  	_ =	strace $0x9000004E  }
0xb7: {  	_ =	sfence  }
0xb8: {  	s30 =	sld [smem:$0x0];
	_ =	sdelay $0x2  }
0xb9: {  	s31 =	sshll.u32 s1, $0xD;
	s1 =	sshrl.u32 s1, $0x2  }
0xba: {  	s3 =	sand.u32 $0x4000, s31;
	s1 =	sadd.s32 s1, s30  }
0xbb: {  	s0 =	sor.u32 s3, s0;
	s1 =	sshll.u32 s1, $0x11  }
0xbc: {  	s0 =	sor.u32 s1, s0  }
0xbd: {  	s0 =	sadd.s32 $0x8F2B, s0  }
0xbe: {  	[sflag:s0] =	ssyncadd.remote.s32 $0x1  }
0xbf: {  	_ =	sfence.sel $0xFFFF  }
0xc0: {  	[dreg:$0x0] =	wrdreg $0xFFFFFFFF;
	(pc) =	sbr.abs _section_cstart, $3  }
0xc1: {  	[dreg:$0x1] =	wrdreg $0xFFFFFFFF  }
0xc2: {  	_ =	task.clear_ibuf [dreg:s7], $0x2FFFF;
	_ =	strace $0x9FFFFFFF  }
0xc3: {  	(tm) =	ssettm $0x7FFFFFFF  }
tec
execute0_lowered:
.L_overlay_start_1:
0x0: {  	(tag) =	ssettag $0x1  }
0x1: {  	s2 =	rddreg [dreg:$0x0]  }
0x2: {  	s0 =	rddreg [dreg:$0x1]  }
0x3: {  	s3 =	rddreg [dreg:$0x2]  }
0x4: {  	s11 =	stileid.u32;
	s1 =	srdreg.scid;
	s4 =	simm.s32 $0x0  }
0x5: {  	s30 =	simm.s32 $0x400;
	s31 =	simm.s32 $0xA;
	s29 =	simm.s32 $0x3  }
0x6: {  	s5 =	smul.u32 $0x14000, s11;
	s1 =	sand.u32 $0x1, s1;
	[smem:$0x7FF] =	sst s4  }
0x7: {  	s8 =	sadd.s32 $0x7AC00, s0;
	s28 =	smul.u32 $0x50000, s11;
	s17 =	sshll.u32 s11, $0x6  }
0x8: {  	s6 =	smul.u32 $0x140000, s1;
	_ =	strace $0x8000004D;
	s9 =	sshll.u32 s1, $0x4  }
0x9: {  	s12 =	ssub.s32 $0x2, s1;
	s1 =	smul.u32 $0xA0000, s1;
	s7 =	sshrl.u32 s5, $0x3  }
0xa: {  	s9 =	sor.u32 s11, s9;
	s10 =	sshrl.u32 s12, $0x1;
	s11 =	smul.u32 $0xA000, s11  }
0xb: {  	s7 =	sadd.s32 s7, s0;
	s5 =	sadd.s32 s5, s6;
	s6 =	sshrl.u32 s28, $0x2  }
0xc: {  	s9 =	smul.u32 $0xA000, s9;
	s5 =	sshrl.u32 s5, $0x3;
	s13 =	sadd.s32 s6, s3  }
0xd: {  	s7 =	sadd.s32 $0x2AA00, s7;
	s1 =	sadd.s32 s11, s1;
	s0 =	sadd.s32 s5, s0  }
0xe: {  	s5 =	ssub.s32 s12, s10;
	s9 =	sshrl.u32 s9, $0x3;
	[dreg:$0x4] =	wrdreg s7  }
0xf: {  	s7 =	sor.u32 $0x1C0B, s17;
	s21 =	sor.u32 $0x900, s1;
	s23 =	sor.u32 $0x800, s1  }
0x10: {  	s25 =	sor.u32 $0x700, s1;
	s26 =	sor.u32 $0x600, s1;
	s1 =	sor.u32 $0x500, s1  }
0x11: {  	s11 =	sshrl.u32 s13, $0x3;
	s10 =	simm.s32 $0x0;
	s18 =	sadd.s32 s8, s9  }
0x12: {  	s0 =	sadd.s32 $0xA2C00, s0;
	s22 =	sshrl.u32 s21, $0x3;
	s5 =	smax.u32 s5, $0x1  }
0x13: {  	s24 =	sshrl.u32 s23, $0x3;
	s28 =	sshrl.u32 s1, $0x3;
	[dreg:$0x5] =	wrdreg s7  }
0x14: {  	s21 =	simm.s32 $0x40;
	s1 =	simm.s32 $0x1;
	[dreg:$0xd] =	wrdreg s11  }
0x15: {  	s9 =	sadd.s32 $0x20, s18;
	s19 =	sadd.s32 $0x40, s18;
	[dreg:$0x6] =	wrdreg s18  }
0x16: {  	s20 =	sadd.s32 $0x60, s18;
	s6 =	sadd.s32 $0x80, s18;
	[dreg:$0xb] =	wrdreg s0  }
0x17: {  	[dreg:$0xc] =	wrdreg s5;
	s14 =	sadd.s32 s22, s8;
	s15 =	sadd.s32 s24, s8  }
0x18: {  	s0 =	sshrl.u32 s25, $0x3;
	s5 =	sshrl.u32 s26, $0x3;
	[dreg:$0x7] =	wrdreg s9  }
.Ltmp0:
0x19: {  	s18 =	sadd.s32 s28, s8;
	[dreg:$0x8] =	wrdreg s19;
	(pc) =	sbr.rel .LBB2_1-.Ltmp0, $4  }
0x1a: {  	s22 =	simm.s32 $0x500;
	s26 =	simm.s32 $0x4500;
	[dreg:$0x9] =	wrdreg s20  }
0x1b: {  	s24 =	simm.s32 $0x80;
	[dreg:$0xa] =	wrdreg s6;
	s16 =	sadd.s32 s0, s8  }
0x1c: {  	s17 =	sadd.s32 s5, s8;
	s20 =	simm.s32 $0xB;
	s0 =	simm.s32 $0x8500  }
0x1d: {  	s5 =	simm.s32 $0x280;
	s8 =	simm.s32 $0x5;
	s9 =	simm.s32 $0x480  }
.LBB2_4:
0x1e: {  	[bflag:$0x0] =	sbarrier.arrive $0xFFFF  }
0x1f: {  	s7 =	rddreg [dreg:$0x5]  }
0x20: {  	s6 =	rddreg [dreg:$0xb]  }
0x21: {  	s11 =	rddreg [dreg:$0xd]  }
0x22: {  	[hbm:s6], [sflag:s7] =	dma.local [spmem:s11], $0x2800  }
0x23: {  	_ =	swait.ge [sflag:s20], $0x2800  }
0x24: {  	s10 =	sadd.s32 $0x1, s10;
	s28 =	rddreg [dreg:$0xc]  }
0x25: {  	p0 =	sne.s32 s10, s28  }
.Ltmp1:
0x26: {  	_ = 	snop;
	(pc) =	sbr.rel @!p0 .LBB2_5-.Ltmp1, $3  }
0x27: {  	_ =	sdelay $0x1  }
0x28: {  	[sflag:s20] =	ssyncset.done $0x0  }
0x29: {  	[sflag:s20] =	ssyncadd.s32 $0xFFFFD800  }
.LBB2_1:
0x2a: {  	s6 =	rddreg [dreg:$0x4]  }
0x2b: {  	[spmem:s11], [sflag:s7] =	dma.local [hbm:s6], $0x2800  }
0x2c: {  	_ =	swait.ge [sflag:s20], $0x2800  }
0x2d: {  	[sflag:s20] =	ssyncset.done $0x0  }
0x2e: {  	[sflag:s20] =	ssyncadd.s32 $0xFFFFD800  }
0x2f: {  	[bflag:$0x0] =	sbarrier.arrive $0xFFFF  }
0x30: {  	s23 =	rddreg [dreg:$0x6]  }
0x31: {  	[tilespmem:s4], [sflag:$0xB] =	stream.linear.gather [hbm4b:s23+s4], $0x100, $0x38;
	[tilespmem:$0x1E500] =	vst v63  }
0x32: {  	_ =	swait.ge [sflag:s20], $0x100  }
0x33: {  	[sflag:s20] =	ssyncset.done $0x0  }
0x34: {  	[sflag:s20] =	ssyncadd.s32 $0xFFFFFF00  }
0x35: {  	[tilespmem:s22], [sflag:$0x1] =	stream.indirect.gather [hbm4b:s2+s21], $0x80, s4, s21, $0xb8;
	[tilespmem:$0x1E500] =	vst v63  }
0x36: {  	s28 =	simm.s32 $0x100;
	s25 =	rddreg [dreg:$0x7]  }
0x37: {  	[tilespmem:s28], [sflag:$0xB] =	stream.linear.gather [hbm4b:s25+s4], $0x100, $0x38;
	[tilespmem:$0x1E500] =	vst v63  }
0x38: {  	_ =	swait.ge [sflag:s20], $0x100  }
0x39: {  	[sflag:s20] =	ssyncset.done $0x0  }
0x3a: {  	s11 =	simm.s32 $0x2500;
	[sflag:s20] =	ssyncadd.s32 $0xFFFFFF00  }
0x3b: {  	[tilespmem:s11], [sflag:$0x2] =	stream.indirect.gather [hbm4b:s2+s21], $0x80, s28, s21, $0xb8;
	[tilespmem:$0x1E500] =	vst v63  }
0x3c: {  	s13 =	simm.s32 $0x200;
	s12 =	rddreg [dreg:$0x8]  }
0x3d: {  	[tilespmem:s13], [sflag:$0xB] =	stream.linear.gather [hbm4b:s12+s4], $0x100, $0x38;
	[tilespmem:$0x1E500] =	vst v63  }
0x3e: {  	_ =	swait.ge [sflag:s20], $0x100  }
0x3f: {  	[sflag:s20] =	ssyncset.done $0x0  }
0x40: {  	[sflag:s20] =	ssyncadd.s32 $0xFFFFFF00  }
0x41: {  	[tilespmem:s26], [sflag:$0x3] =	stream.indirect.gather [hbm4b:s2+s21], $0x80, s13, s21, $0xb8;
	[tilespmem:$0x1E500] =	vst v63  }
0x42: {  	s23 =	simm.s32 $0x300;
	s19 =	rddreg [dreg:$0x9]  }
0x43: {  	[tilespmem:s23], [sflag:$0xB] =	stream.linear.gather [hbm4b:s19+s4], $0x100, $0x38;
	[tilespmem:$0x1E500] =	vst v63  }
0x44: {  	_ =	swait.ge [sflag:s20], $0x100  }
0x45: {  	[sflag:s20] =	ssyncset.done $0x0  }
0x46: {  	s25 =	simm.s32 $0x6500;
	[sflag:s20] =	ssyncadd.s32 $0xFFFFFF00  }
0x47: {  	[tilespmem:s25], [sflag:$0x4] =	stream.indirect.gather [hbm4b:s2+s21], $0x80, s23, s21, $0xb8;
	[tilespmem:$0x1E500] =	vst v63  }
0x48: {  	s11 =	simm.s32 $0x0;
	s28 =	rddreg [dreg:$0xa]  }
0x49: {  	[tilespmem:s30], [sflag:$0xA] =	stream.linear.gather [hbm4b:s28+s4], $0x100, $0x38;
	[tilespmem:$0x1E500] =	vst v63  }
.LBB2_2:
0x4a: {  	_ =	swait.ge [sflag:s31], $0x100  }
0x4b: {  	[sflag:s31] =	ssyncset.done $0x0  }
0x4c: {  	[sflag:s31] =	ssyncadd.s32 $0xFFFFFF00  }
0x4d: {  	[tilespmem:s0], [sflag:$0x5] =	stream.indirect.gather [hbm4b:s2+s21], $0x80, s30, s21, $0xb8;
	[tilespmem:$0x1E500] =	vst v63  }
0x4e: {  	_ =	swait.ge [sflag:s1], $0x2000  }
0x4f: {  	[sflag:s1] =	ssyncset.done $0x0  }
0x50: {  	[sflag:s1] =	ssyncadd.s32 $0xFFFFE000  }
0x51: {  	[spmem:s3] =	stream.indirect.scatter.add.f32 [tilespmem:s22], [sflag:$0xB], $0x80, s24, s21, $0xb8;
	[tilespmem:$0x1E500] =	vst v63  }
0x52: {  	_ =	swait.ge [sflag:s20], $0x2000  }
0x53: {  	p0 =	seq.s32 s11, $0x1360;
	[sflag:s20] =	ssyncset.done $0x0  }
0x54: {  	s12 =	simm.s32 @p0 $0x2;
	[sflag:s20] =	ssyncadd.s32 $0xFFFFE000  }
0x55: {  	_ =	swait.ge @p0 [sflag:s12], $0x2000  }
0x56: {  	s7 =	simm.s32 @p0 $0x40;
	s13 =	simm.s32 @p0 $0x2500;
	[sflag:s12] =	ssyncset.done @p0 $0x0  }
0x57: {  	s23 =	simm.s32 @p0 $0xB;
	[sflag:s12] =	ssyncadd.s32 @p0 $0xFFFFE000;
	s12 =	simm.s32 @p0 $0x180  }
0x58: {  	[spmem:s3] =	stream.indirect.scatter.add.f32 @p0 [tilespmem:s13], [sflag:$0xB], $0x80, s12, s7, $0xb8;
	[tilespmem:$0x1E500] =	vst v63  }
0x59: {  	_ =	swait.ge @p0 [sflag:s23], $0x2000  }
0x5a: {  	[sflag:s23] =	ssyncset.done @p0 $0x0  }
0x5b: {  	s13 =	sadd.s32 @!p0 s11, s18;
	s12 =	simm.s32 @!p0 $0x0;
	[sflag:s23] =	ssyncadd.s32 @p0 $0xFFFFE000  }
0x5c: {  	[tilespmem:s12], [sflag:$0x6] =	stream.linear.gather @!p0 [hbm4b:s13+s12], $0x100, $0x38;
	[tilespmem:$0x1E500] =	vst v63  }
0x5d: {  	s13 =	simm.s32 @!p0 $0x6  }
0x5e: {  	_ =	swait.ge @!p0 [sflag:s13], $0x100  }
0x5f: {  	[sflag:s13] =	ssyncset.done @!p0 $0x0  }
0x60: {  	s25 =	simm.s32 @!p0 $0x500;
	[sflag:s13] =	ssyncadd.s32 @!p0 $0xFFFFFF00;
	s13 =	simm.s32 @!p0 $0x40  }
0x61: {  	[tilespmem:s25], [sflag:$0x1] =	stream.indirect.gather @!p0 [hbm4b:s2+s13], $0x80, s12, s13, $0xb8;
	[tilespmem:$0x1E500] =	vst v63  }
0x62: {  	s25 =	simm.s32 @!p0 $0x2  }
0x63: {  	_ =	swait.ge @!p0 [sflag:s25], $0x2000  }
0x64: {  	[sflag:s25] =	ssyncset.done @!p0 $0x0  }
0x65: {  	s28 =	simm.s32 @!p0 $0x2500;
	[sflag:s25] =	ssyncadd.s32 @!p0 $0xFFFFE000;
	s25 =	simm.s32 @!p0 $0x180  }
0x66: {  	[spmem:s3] =	stream.indirect.scatter.add.f32 @!p0 [tilespmem:s28], [sflag:$0xB], $0x80, s25, s13, $0xb8;
	[tilespmem:$0x1E500] =	vst v63  }
0x67: {  	s25 =	simm.s32 @!p0 $0xB  }
0x68: {  	_ =	swait.ge @!p0 [sflag:s25], $0x2000  }
0x69: {  	[sflag:s25] =	ssyncset.done @!p0 $0x0  }
0x6a: {  	s6 =	sadd.s32 @!p0 s11, s17;
	s19 =	simm.s32 @!p0 $0x100;
	[sflag:s25] =	ssyncadd.s32 @!p0 $0xFFFFE000  }
0x6b: {  	[tilespmem:s19], [sflag:$0x7] =	stream.linear.gather @!p0 [hbm4b:s6+s12], $0x100, $0x38;
	[tilespmem:$0x1E500] =	vst v63  }
0x6c: {  	s6 =	simm.s32 @!p0 $0x7  }
0x6d: {  	_ =	swait.ge @!p0 [sflag:s6], $0x100  }
0x6e: {  	[sflag:s6] =	ssyncset.done @!p0 $0x0  }
0x6f: {  	[sflag:s6] =	ssyncadd.s32 @!p0 $0xFFFFFF00  }
0x70: {  	[tilespmem:s28], [sflag:$0x2] =	stream.indirect.gather @!p0 [hbm4b:s2+s13], $0x80, s19, s13, $0xb8;
	[tilespmem:$0x1E500] =	vst v63  }
0x71: {  	_ =	swait.ge [sflag:s29], $0x2000  }
0x72: {  	[sflag:s29] =	ssyncset.done $0x0  }
0x73: {  	[sflag:s29] =	ssyncadd.s32 $0xFFFFE000  }
0x74: {  	[spmem:s3] =	stream.indirect.scatter.add.f32 [tilespmem:s26], [sflag:$0xB], $0x80, s5, s21, $0xb8;
	[tilespmem:$0x1E500] =	vst v63  }
0x75: {  	_ =	swait.ge [sflag:s20], $0x2000  }
0x76: {  	[sflag:s20] =	ssyncset.done $0x0  }
0x77: {  	s6 =	simm.s32 @p0 $0x4;
	[sflag:s20] =	ssyncadd.s32 $0xFFFFE000  }
0x78: {  	_ =	swait.ge @p0 [sflag:s6], $0x2000  }
0x79: {  	[sflag:s6] =	ssyncset.done @p0 $0x0  }
0x7a: {  	s19 =	simm.s32 @p0 $0x6500;
	[sflag:s6] =	ssyncadd.s32 @p0 $0xFFFFE000;
	s6 =	simm.s32 @p0 $0x380  }
0x7b: {  	[spmem:s3] =	stream.indirect.scatter.add.f32 @p0 [tilespmem:s19], [sflag:$0xB], $0x80, s6, s7, $0xb8;
	[tilespmem:$0x1E500] =	vst v63  }
0x7c: {  	_ =	swait.ge @p0 [sflag:s23], $0x2000  }
0x7d: {  	[sflag:s23] =	ssyncset.done @p0 $0x0  }
0x7e: {  	s6 =	sadd.s32 @!p0 s11, s16;
	s7 =	simm.s32 @!p0 $0x200;
	[sflag:s23] =	ssyncadd.s32 @p0 $0xFFFFE000  }
0x7f: {  	[tilespmem:s7], [sflag:$0x8] =	stream.linear.gather @!p0 [hbm4b:s6+s12], $0x100, $0x38;
	[tilespmem:$0x1E500] =	vst v63  }
0x80: {  	s6 =	simm.s32 @!p0 $0x8  }
0x81: {  	_ =	swait.ge @!p0 [sflag:s6], $0x100  }
0x82: {  	[sflag:s6] =	ssyncset.done @!p0 $0x0  }
0x83: {  	[sflag:s6] =	ssyncadd.s32 @!p0 $0xFFFFFF00;
	s6 =	simm.s32 @!p0 $0x4500  }
0x84: {  	[tilespmem:s6], [sflag:$0x3] =	stream.indirect.gather @!p0 [hbm4b:s2+s13], $0x80, s7, s13, $0xb8;
	[tilespmem:$0x1E500] =	vst v63  }
0x85: {  	s6 =	simm.s32 @!p0 $0x4  }
0x86: {  	_ =	swait.ge @!p0 [sflag:s6], $0x2000  }
0x87: {  	[sflag:s6] =	ssyncset.done @!p0 $0x0  }
0x88: {  	s7 =	simm.s32 @!p0 $0x6500;
	[sflag:s6] =	ssyncadd.s32 @!p0 $0xFFFFE000;
	s6 =	simm.s32 @!p0 $0x380  }
0x89: {  	[spmem:s3] =	stream.indirect.scatter.add.f32 @!p0 [tilespmem:s7], [sflag:$0xB], $0x80, s6, s13, $0xb8;
	[tilespmem:$0x1E500] =	vst v63  }
0x8a: {  	_ =	swait.ge @!p0 [sflag:s25], $0x2000  }
0x8b: {  	[sflag:s25] =	ssyncset.done @!p0 $0x0  }
0x8c: {  	s19 =	simm.s32 @!p0 $0x300;
	s6 =	sadd.s32 @!p0 s11, s15;
	[sflag:s25] =	ssyncadd.s32 @!p0 $0xFFFFE000  }
0x8d: {  	[tilespmem:s19], [sflag:$0x9] =	stream.linear.gather @!p0 [hbm4b:s6+s12], $0x100, $0x38;
	[tilespmem:$0x1E500] =	vst v63  }
0x8e: {  	s6 =	simm.s32 @!p0 $0x9  }
0x8f: {  	_ =	swait.ge @!p0 [sflag:s6], $0x100  }
0x90: {  	[sflag:s6] =	ssyncset.done @!p0 $0x0  }
0x91: {  	[sflag:s6] =	ssyncadd.s32 @!p0 $0xFFFFFF00  }
0x92: {  	[tilespmem:s7], [sflag:$0x4] =	stream.indirect.gather @!p0 [hbm4b:s2+s13], $0x80, s19, s13, $0xb8;
	[tilespmem:$0x1E500] =	vst v63  }
0x93: {  	_ =	swait.ge [sflag:s8], $0x2000  }
0x94: {  	[sflag:s8] =	ssyncset.done $0x0  }
.Ltmp2:
0x95: {  	[sflag:s8] =	ssyncadd.s32 $0xFFFFE000;
	(pc) =	sbr.rel @p0 .LBB2_4-.Ltmp2, $4  }
0x96: {  	[spmem:s3] =	stream.indirect.scatter.add.f32 [tilespmem:s0], [sflag:$0xB], $0x80, s9, s21, $0xb8;
	[tilespmem:$0x1E500] =	vst v63  }
0x97: {  	_ =	swait.ge [sflag:s20], $0x2000  }
0x98: {  	[sflag:s20] =	ssyncset.done $0x0  }
0x99: {  	[sflag:s20] =	ssyncadd.s32 $0xFFFFE000  }
.Ltmp3:
0x9a: {  	(pc) =	sbr.rel .LBB2_2-.Ltmp3, $3  }
0x9b: {  	_ =	sdelay $0x1  }
0x9c: {  	s6 =	sadd.s32 s11, s14;
	s11 =	sadd.s32 $0xA0, s11  }
0x9d: {  	[tilespmem:s30], [sflag:$0xA] =	stream.linear.gather [hbm4b:s6+s4], $0x100, $0x38;
	[tilespmem:$0x1E500] =	vst v63  }
.LBB2_5:
0x9e: {  	_ =	sfence.sel $0x180000  }
0x9f: {  	[bflag:$0x0] =	sbarrier.arrive $0xFFFF  }
0xa0: {  	_ =	strace $0x9000004D  }
0xa1: {  	s0 =	stileid.u32;
	[bflag:$0x2] =	sbarrier.arrive $0xFFFF  }
0xa2: {  	p0 =	sne.s32 s0, $0x0;
	s0 =	rddreg [dreg:$0x3]  }
0xa3: {  	s0 =	sadd.s32 @!p0 $0x100000, s0  }
0xa4: {  	[sflag:s0] =	ssyncadd.tile.s32 @!p0 $0x1;
	_ =	shalt  }
.Lfunc_end2:
_tile_overlayer_lowered:
.L_overlay_start_2:
0xa5: {  	(tag) =	ssettag $0x2  }
0xa6: {  	s0 =	rddreg [dreg:$0x0];
	s2 =	stileid.u32  }
0xa7: {  	s1 =	rddreg [dreg:$0x1];
	p0 =	sne.s32 s2, $0x0  }
0xa8: {  	s3 =	rddreg [dreg:$0x2];
	[bflag:$0x3] =	sbarrier.arrive $0xFFFF;
	s2 =	simm.s32 @!p0 $0x1C0B  }
0xa9: {  	[timem:s3], [sflag:s2] =	dma.local @!p0 [hbm:s0], s1  }
0xaa: {  	s0 =	simm.s32 @!p0 $0xB  }
0xab: {  	_ =	swait.ge @!p0 [sflag:s0], s1  }
0xac: {  	s1 =	ssub.s32 @!p0 $0x0, s1;
	[sflag:s0] =	ssyncset.done @!p0 $0x0  }
0xad: {  	[sflag:s0] =	ssyncadd.s32 @!p0 s1  }
0xae: {  	[bflag:$0x3] =	sbarrier.arrive $0xFFFF  }
0xaf: {  	_ =	shalt  }

// kernel: kernel.10.cloned.1.call-start
scs
__scs_entry_jumppad:
0x0: {  	(pc) =	sbr.rel $0x88, $3  }
0x1: {  	(tag) =	ssettag $0x0;
	lr =	simm.s32 $0x1  }
0x2: {  	[smem:$0x3F9D] =	sst lr;
	_ =	strace $0xD0000000  }
0x3: {  	_ = 	snop  }
0x4: {  	_ = 	snop  }
0x5: {  	_ = 	snop  }
0x6: {  	_ = 	snop  }
0x7: {  	_ = 	snop  }
__scs_overlays_trampoline_lowered:
0x8: {  	[smem:$0x3FAC] =	sst s0  }
0x9: {  	[smem:$0x3FAD] =	sst s1  }
0xa: {  	[smem:$0x3FAE] =	sst s2  }
0xb: {  	[smem:$0x3FAF] =	sst s3  }
0xc: {  	[smem:$0x3FB0] =	sst s4  }
0xd: {  	[smem:$0x3FB1] =	sst s5  }
0xe: {  	[smem:$0x3FB2] =	sst s6  }
0xf: {  	[smem:$0x3FB3] =	sst s7  }
0x10: {  	[smem:$0x3FB4] =	sst s8  }
0x11: {  	[smem:$0x3FB5] =	sst s9;
	s0 =	simm.s32 @!p0 $0x0  }
0x12: {  	s1 =	sld [smem:$0x3F9B];
	s0 =	simm.s32 @p0 $0x1  }
0x13: {  	[smem:$0x3FB6] =	sst s0;
	s0 =	simm.s32 @!p1 $0x0  }
0x14: {  	s2 =	sld [smem:$0x3F9A];
	s0 =	simm.s32 @p1 $0x1  }
0x15: {  	[smem:$0x3FB7] =	sst s0;
	s0 =	simm.s32 @!p2 $0x0  }
0x16: {  	s3 =	sld [smem:$0x3FDB];
	s0 =	simm.s32 @p2 $0x1  }
0x17: {  	s4 =	simm.s32 $0x1BF5;
	[smem:$0x3FB9] =	sst s0  }
0x18: {  	s0 =	sld [smem:$0x3F9C];
	_ =	swait.ge [sflag:s4], $0x0  }
0x19: {  	s7 =	sld [smem:$0x3F9D]  }
0x1a: {  	s8 =	sadd.s32 $0xFFFFE003, lr  }
0x1b: {  	s9 =	sadd.s32 $0xFFFFFEF7, lr;
	s5 =	simm.s32 $0xFFFFFFFF;
	p2 =	slt.u32 s8, $0xFFFFF086  }
0x1c: {  	p1 =	slt.u32 s9, $0xF7A;
	s5 =	simm.s32 @!p2 $0x0  }
0x1d: {  	s5 =	simm.s32 @p1 $0x1;
	p0 =	seq.s32 s7, s2  }
0x1e: {  	s7 =	smul.u32 @!p0 $0xF7A, s2;
	p2 =	seq.s32 @!p0 s5, $0x0  }
0x1f: {  	s9 =	smul.u32 $0xF7A, s1;
	s8 =	simm.s32 @!p0 $0x1BF5;
	p2 =	por !p2, p0  }
0x20: {  	[sflag:s8] =	ssyncset.s32 @!p0 $0xFFFFF086;
	s6 =	sadd.s32 @!p0 s3, s7;
	s7 =	simm.s32 @!p0 $0x108  }
0x21: {  	s3 =	sadd.s32 s3, s9;
	s6 =	sadd.s32 @!p0 $0x88, s6;
	s7 =	simm.s32 @p2 $0x1082  }
0x22: {  	[simem:s7], [sflag:s8] =	dma.local @!p0 [hbm:s6], $0xF7A  }
0x23: {  	s9 =	sor.u32 $0xD0000000, s2;
	s6 =	simm.s32 $0x108;
	_ =	swait.ge @!p0 [sflag:s8], $0x0  }
0x24: {  	s3 =	sadd.s32 $0x88, s3;
	s6 =	simm.s32 @!p1 $0x1082;
	[sflag:s4] =	ssyncset.s32 $0xFFFFF086  }
0x25: {  	[simem:s6], [sflag:s4] =	dma.local [hbm:s3], $0xF7A  }
0x26: {  	[smem:$0x3F9D] =	sst s1;
	(tag) =	ssettag s2;
	_ =	strace s9  }
0x27: {  	s1 =	sld [smem:$0x3FAD]  }
0x28: {  	s2 =	sld [smem:$0x3FAE]  }
0x29: {  	s4 =	sld [smem:$0x3FB0]  }
0x2a: {  	p0 =	seq.s32 s5, $0x0;
	s5 =	sld [smem:$0x3FB1]  }
0x2b: {  	s6 =	sld [smem:$0x3FB2]  }
0x2c: {  	s7 =	sld [smem:$0x3FB3]  }
0x2d: {  	s3 =	simm.s32 $0x108;
	s8 =	sld [smem:$0x3FB4]  }
0x2e: {  	s3 =	simm.s32 @!p0 $0x1082;
	s9 =	sld [smem:$0x3FB5]  }
0x2f: {  	lr =	sadd.s32 s0, s3;
	s0 =	sld [smem:$0x3FAC]  }
0x30: {  	s3 =	sld [smem:$0x3FAF]  }
0x31: {  	[smem:$0x3FB8] =	sst s10  }
0x32: {  	s10 =	sld [smem:$0x3FB6];
	_ =	sdelay $0x3  }
0x33: {  	p0 =	seq.s32 s10, $0x1;
	s10 =	sld [smem:$0x3FB8];
	_ =	sdelay $0x3  }
0x34: {  	[smem:$0x3FB8] =	sst s10  }
0x35: {  	s10 =	sld [smem:$0x3FB7];
	_ =	sdelay $0x3  }
0x36: {  	p1 =	seq.s32 s10, $0x1;
	s10 =	sld [smem:$0x3FB8];
	_ =	sdelay $0x3  }
0x37: {  	[smem:$0x3FB8] =	sst s10  }
0x38: {  	s10 =	sld [smem:$0x3FB9]  }
0x39: {  	_ = 	snop;
	(pc) =	sbr.ind lr, $3  }
0x3a: {  	_ = 	snop  }
0x3b: {  	_ = 	snop  }
0x3c: {  	p2 =	seq.s32 s10, $0x1;
	s10 =	sld [smem:$0x3FB8]  }
0x3d: {  	_ =	shalt  }
0x3e: {  	_ =	shalt  }
0x3f: {  	_ =	shalt  }
0x40: {  	_ =	shalt  }
0x41: {  	_ =	shalt  }
0x42: {  	_ =	shalt  }
0x43: {  	_ =	shalt  }
0x44: {  	_ =	shalt  }
0x45: {  	_ =	shalt  }
0x46: {  	_ =	shalt  }
0x47: {  	_ =	shalt  }
0x48: {  	_ =	shalt  }
0x49: {  	_ =	shalt  }
0x4a: {  	_ =	shalt  }
0x4b: {  	_ =	shalt  }
0x4c: {  	_ =	shalt  }
0x4d: {  	_ =	shalt  }
0x4e: {  	_ =	shalt  }
0x4f: {  	_ =	shalt  }
0x50: {  	_ =	shalt  }
0x51: {  	_ =	shalt  }
0x52: {  	_ =	shalt  }
0x53: {  	_ =	shalt  }
0x54: {  	_ =	shalt  }
0x55: {  	_ =	shalt  }
0x56: {  	_ =	shalt  }
0x57: {  	_ =	shalt  }
0x58: {  	_ =	shalt  }
0x59: {  	_ =	shalt  }
0x5a: {  	_ =	shalt  }
0x5b: {  	_ =	shalt  }
0x5c: {  	_ =	shalt  }
0x5d: {  	_ =	shalt  }
0x5e: {  	_ =	shalt  }
0x5f: {  	_ =	shalt  }
0x60: {  	_ =	shalt  }
0x61: {  	_ =	shalt  }
0x62: {  	_ =	shalt  }
0x63: {  	_ =	shalt  }
0x64: {  	_ =	shalt  }
0x65: {  	_ =	shalt  }
0x66: {  	_ =	shalt  }
0x67: {  	_ =	shalt  }
0x68: {  	_ =	shalt  }
0x69: {  	_ =	shalt  }
0x6a: {  	_ =	shalt  }
0x6b: {  	_ =	shalt  }
0x6c: {  	_ =	shalt  }
0x6d: {  	_ =	shalt  }
0x6e: {  	_ =	shalt  }
0x6f: {  	_ =	shalt  }
0x70: {  	_ =	shalt  }
0x71: {  	_ =	shalt  }
0x72: {  	_ =	shalt  }
0x73: {  	_ =	shalt  }
0x74: {  	_ =	shalt  }
0x75: {  	_ =	shalt  }
0x76: {  	_ =	shalt  }
0x77: {  	_ =	shalt  }
0x78: {  	_ =	shalt  }
0x79: {  	_ =	shalt  }
0x7a: {  	_ =	shalt  }
0x7b: {  	_ =	shalt  }
0x7c: {  	_ =	shalt  }
0x7d: {  	_ =	shalt  }
0x7e: {  	_ =	shalt  }
0x7f: {  	_ =	shalt  }
0x80: {  	_ =	shalt  }
0x81: {  	_ =	shalt  }
0x82: {  	_ =	shalt  }
0x83: {  	_ =	shalt  }
0x84: {  	_ =	shalt  }
0x85: {  	_ =	shalt  }
0x86: {  	_ =	shalt  }
0x87: {  	_ =	shalt  }
.Lfunc_end0:
.L_simem_size_0:
called_computation.2_lowered:
.L_overlay_start_0:
0x88: {  	s2 =	sld [smem:$0x3FD9]  }
0x89: {  	s3 =	sld [smem:$0x3FFE];
	_ =	sdelay $0x1  }
0x8a: {  	s1 =	srdreg.scid  }
0x8b: {  	s0 =	sand.u32 $0x1, s1  }
0x8c: {  	s17 =	sshll.u32 s0, $0xA;
	s2 =	sadd.s32 s3, s2  }
0x8d: {  	s2 =	sadd.s32 s2, s17  }
0x8e: {  	[smem:$0x3FC4] =	sst s2  }
0x8f: {  	_ = 	snop  }
0x90: {  	s2 =	sld [smem:$0x3FD0];
	(tm) =	ssettm $0x1  }
0x91: {  	s18 =	sld [smem:$0x3FFB];
	_ =	sdelay $0x3  }
0x92: {  	_ =	strace s18  }
0x93: {  	s3 =	sld [smem:$0x3FFC];
	_ =	sdelay $0x3  }
0x94: {  	_ =	strace s3  }
0x95: {  	s3 =	sld [smem:$0x3FFD];
	_ =	sdelay $0x3  }
0x96: {  	_ =	strace s3  }
0x97: {  	_ =	strace $0x8FFFFFFF  }
0x98: {  	s19 =	sld [smem:$0x3FDB];
	_ =	sdelay $0x1  }
0x99: {  	s4 =	simm.s32 $_scs_section_size  }
0x9a: {  	s5 =	simm.s32 $_size__tile_overlayer_lowered;
	s6 =	simm.s32 $_tile_overlayer_lowered  }
0x9b: {  	s22 =	simm.s32 $0x1BFF;
	s21 =	sshll.u32 s6, $0x1;
	s3 =	sadd.s32 s4, s19  }
0x9c: {  	s7 =	simm.s32 $0x0;
	s20 =	sshll.u32 s5, $0x1;
	s5 =	sadd.s32 s21, s3  }
0x9d: {  	[timem:s7], [sflag:s22] =	dma.local [hbm:s5], s20  }
0x9e: {  	_ =	swait.ge [sflag:s22], s20  }
0x9f: {  	s4 =	ssub.s32 $0x0, s20;
	[sflag:s22] =	ssyncset.done $0x0  }
0xa0: {  	[sflag:s22] =	ssyncadd.s32 s4;
	_ =	sdelay $0x1  }
0xa1: {  	s23 =	simm.s32 $0x1B8B  }
0xa2: {  	_ =	swait.ge [sflag:s23], $0x1  }
0xa3: {  	[sflag:s23] =	ssyncset.done $0x0  }
0xa4: {  	s25 =	simm.s32 $0x1B8E;
	s24 =	sld [smem:$0x3FFE];
	[sflag:s23] =	ssyncadd.s32 $0xFFFFFFFF  }
0xa5: {  	s26 =	simm.s32 $execute0_lowered;
	[smem:$0x3FD2] =	sst s25  }
0xa6: {  	s5 =	sshll.u32 s26, $0x1;
	_ =	strace $0x80000049;
	[dreg:$0x1] =	wrdreg $0xFFFFFFFF  }
0xa7: {  	s28 =	simm.s32 $_size_execute0_lowered;
	s3 =	sadd.s32 s3, s5;
	[dreg:$0x0] =	wrdreg $0x0  }
0xa8: {  	s5 =	sshll.u32 s28, $0x1;
	[dreg:$0x2] =	wrdreg s3  }
0xa9: {  	[dreg:$0x3] =	wrdreg s5  }
0xaa: {  	[dreg:$0x4] =	wrdreg $0xC0  }
0xab: {  	_ =	task [dreg:s7], $0x5FFFF  }
0xac: {  	[dreg:$0x1] =	wrdreg $0xFFFFFFFF  }
0xad: {  	[dreg:$0x0] =	wrdreg $0x60  }
0xae: {  	[dreg:$0x2] =	wrdreg s2  }
0xaf: {  	[dreg:$0x3] =	wrdreg s24  }
0xb0: {  	[dreg:$0x4] =	wrdreg $0xA5000  }
0xb1: {  	[dreg:$0x5] =	wrdreg $0x9  }
0xb2: {  	_ =	task.clear_ibuf [dreg:s7], $0x6FFFF;
	_ =	strace $0x90000049  }
0xb3: {  	s29 =	simm.s32 $0x9;
	_ =	strace $0x8000004B  }
0xb4: {  	_ =	swait.ge [sflag:s29], $0x1  }
0xb5: {  	[sflag:s29] =	ssyncadd.s32 $0xFFFFFFFF  }
0xb6: {  	_ =	strace $0x9000004B  }
0xb7: {  	_ =	sfence  }
0xb8: {  	s30 =	sld [smem:$0x0];
	_ =	sdelay $0x2  }
0xb9: {  	s31 =	sshll.u32 s1, $0xD;
	s1 =	sshrl.u32 s1, $0x2  }
0xba: {  	s3 =	sand.u32 $0x4000, s31;
	s1 =	sadd.s32 s1, s30  }
0xbb: {  	s0 =	sor.u32 s3, s0;
	s1 =	sshll.u32 s1, $0x11  }
0xbc: {  	s0 =	sor.u32 s1, s0  }
0xbd: {  	s0 =	sadd.s32 $0x8F2B, s0  }
0xbe: {  	[sflag:s0] =	ssyncadd.remote.s32 $0x1  }
0xbf: {  	_ =	sfence.sel $0xFFFF  }
0xc0: {  	[dreg:$0x0] =	wrdreg $0xFFFFFFFF;
	(pc) =	sbr.abs _section_cstart, $3  }
0xc1: {  	[dreg:$0x1] =	wrdreg $0xFFFFFFFF  }
0xc2: {  	_ =	task.clear_ibuf [dreg:s7], $0x2FFFF;
	_ =	strace $0x9FFFFFFF  }
0xc3: {  	(tm) =	ssettm $0x7FFFFFFF  }
tec
execute0_lowered:
.L_overlay_start_1:
0x0: {  	(tag) =	ssettag $0x1  }
0x1: {  	s2 =	rddreg [dreg:$0x0]  }
0x2: {  	s0 =	rddreg [dreg:$0x1]  }
0x3: {  	s3 =	rddreg [dreg:$0x2]  }
0x4: {  	s11 =	stileid.u32;
	s1 =	srdreg.scid;
	s4 =	simm.s32 $0x0  }
0x5: {  	s30 =	simm.s32 $0x400;
	s31 =	simm.s32 $0xA;
	s29 =	simm.s32 $0x3  }
0x6: {  	s5 =	smul.u32 $0x14000, s11;
	s1 =	sand.u32 $0x1, s1;
	[smem:$0x7FF] =	sst s4  }
0x7: {  	s8 =	sadd.s32 $0x7AC00, s0;
	s28 =	smul.u32 $0x50000, s11;
	s17 =	sshll.u32 s11, $0x6  }
0x8: {  	s6 =	smul.u32 $0x140000, s1;
	_ =	strace $0x8000004A;
	s9 =	sshll.u32 s1, $0x4  }
0x9: {  	s12 =	ssub.s32 $0x2, s1;
	s1 =	smul.u32 $0xA0000, s1;
	s7 =	sshrl.u32 s5, $0x3  }
0xa: {  	s9 =	sor.u32 s11, s9;
	s10 =	sshrl.u32 s12, $0x1;
	s11 =	smul.u32 $0xA000, s11  }
0xb: {  	s7 =	sadd.s32 s7, s0;
	s5 =	sadd.s32 s5, s6;
	s6 =	sshrl.u32 s28, $0x2  }
0xc: {  	s9 =	smul.u32 $0xA000, s9;
	s5 =	sshrl.u32 s5, $0x3;
	s13 =	sadd.s32 s6, s3  }
0xd: {  	s7 =	sadd.s32 $0x2A00, s7;
	s1 =	sadd.s32 s11, s1;
	s0 =	sadd.s32 s5, s0  }
0xe: {  	s5 =	ssub.s32 s12, s10;
	s9 =	sshrl.u32 s9, $0x3;
	[dreg:$0x4] =	wrdreg s7  }
0xf: {  	s7 =	sor.u32 $0x1C0B, s17;
	s21 =	sor.u32 $0x900, s1;
	s23 =	sor.u32 $0x800, s1  }
0x10: {  	s25 =	sor.u32 $0x700, s1;
	s26 =	sor.u32 $0x600, s1;
	s1 =	sor.u32 $0x500, s1  }
0x11: {  	s11 =	sshrl.u32 s13, $0x3;
	s10 =	simm.s32 $0x0;
	s18 =	sadd.s32 s8, s9  }
0x12: {  	s0 =	sadd.s32 $0x2AA00, s0;
	s22 =	sshrl.u32 s21, $0x3;
	s5 =	smax.u32 s5, $0x1  }
0x13: {  	s24 =	sshrl.u32 s23, $0x3;
	s28 =	sshrl.u32 s1, $0x3;
	[dreg:$0x5] =	wrdreg s7  }
0x14: {  	s21 =	simm.s32 $0x40;
	s1 =	simm.s32 $0x1;
	[dreg:$0xd] =	wrdreg s11  }
0x15: {  	s9 =	sadd.s32 $0x20, s18;
	s19 =	sadd.s32 $0x40, s18;
	[dreg:$0x6] =	wrdreg s18  }
0x16: {  	s20 =	sadd.s32 $0x60, s18;
	s6 =	sadd.s32 $0x80, s18;
	[dreg:$0xb] =	wrdreg s0  }
0x17: {  	[dreg:$0xc] =	wrdreg s5;
	s14 =	sadd.s32 s22, s8;
	s15 =	sadd.s32 s24, s8  }
0x18: {  	s0 =	sshrl.u32 s25, $0x3;
	s5 =	sshrl.u32 s26, $0x3;
	[dreg:$0x7] =	wrdreg s9  }
.Ltmp0:
0x19: {  	s18 =	sadd.s32 s28, s8;
	[dreg:$0x8] =	wrdreg s19;
	(pc) =	sbr.rel .LBB2_1-.Ltmp0, $4  }
0x1a: {  	s22 =	simm.s32 $0x500;
	s26 =	simm.s32 $0x4500;
	[dreg:$0x9] =	wrdreg s20  }
0x1b: {  	s24 =	simm.s32 $0x80;
	[dreg:$0xa] =	wrdreg s6;
	s16 =	sadd.s32 s0, s8  }
0x1c: {  	s17 =	sadd.s32 s5, s8;
	s20 =	simm.s32 $0xB;
	s0 =	simm.s32 $0x8500  }
0x1d: {  	s5 =	simm.s32 $0x280;
	s8 =	simm.s32 $0x5;
	s9 =	simm.s32 $0x480  }
.LBB2_4:
0x1e: {  	[bflag:$0x0] =	sbarrier.arrive $0xFFFF  }
0x1f: {  	s7 =	rddreg [dreg:$0x5]  }
0x20: {  	s6 =	rddreg [dreg:$0xb]  }
0x21: {  	s11 =	rddreg [dreg:$0xd]  }
0x22: {  	[hbm:s6], [sflag:s7] =	dma.local [spmem:s11], $0x2800  }
0x23: {  	_ =	swait.ge [sflag:s20], $0x2800  }
0x24: {  	s10 =	sadd.s32 $0x1, s10;
	s28 =	rddreg [dreg:$0xc]  }
0x25: {  	p0 =	sne.s32 s10, s28  }
.Ltmp1:
0x26: {  	_ = 	snop;
	(pc) =	sbr.rel @!p0 .LBB2_5-.Ltmp1, $3  }
0x27: {  	_ =	sdelay $0x1  }
0x28: {  	[sflag:s20] =	ssyncset.done $0x0  }
0x29: {  	[sflag:s20] =	ssyncadd.s32 $0xFFFFD800  }
.LBB2_1:
0x2a: {  	s6 =	rddreg [dreg:$0x4]  }
0x2b: {  	[spmem:s11], [sflag:s7] =	dma.local [hbm:s6], $0x2800  }
0x2c: {  	_ =	swait.ge [sflag:s20], $0x2800  }
0x2d: {  	[sflag:s20] =	ssyncset.done $0x0  }
0x2e: {  	[sflag:s20] =	ssyncadd.s32 $0xFFFFD800  }
0x2f: {  	[bflag:$0x0] =	sbarrier.arrive $0xFFFF  }
0x30: {  	s23 =	rddreg [dreg:$0x6]  }
0x31: {  	[tilespmem:s4], [sflag:$0xB] =	stream.linear.gather [hbm4b:s23+s4], $0x100, $0x38;
	[tilespmem:$0x1E500] =	vst v63  }
0x32: {  	_ =	swait.ge [sflag:s20], $0x100  }
0x33: {  	[sflag:s20] =	ssyncset.done $0x0  }
0x34: {  	[sflag:s20] =	ssyncadd.s32 $0xFFFFFF00  }
0x35: {  	[tilespmem:s22], [sflag:$0x1] =	stream.indirect.gather [hbm4b:s2+s21], $0x80, s4, s21, $0xb8;
	[tilespmem:$0x1E500] =	vst v63  }
0x36: {  	s28 =	simm.s32 $0x100;
	s25 =	rddreg [dreg:$0x7]  }
0x37: {  	[tilespmem:s28], [sflag:$0xB] =	stream.linear.gather [hbm4b:s25+s4], $0x100, $0x38;
	[tilespmem:$0x1E500] =	vst v63  }
0x38: {  	_ =	swait.ge [sflag:s20], $0x100  }
0x39: {  	[sflag:s20] =	ssyncset.done $0x0  }
0x3a: {  	s11 =	simm.s32 $0x2500;
	[sflag:s20] =	ssyncadd.s32 $0xFFFFFF00  }
0x3b: {  	[tilespmem:s11], [sflag:$0x2] =	stream.indirect.gather [hbm4b:s2+s21], $0x80, s28, s21, $0xb8;
	[tilespmem:$0x1E500] =	vst v63  }
0x3c: {  	s13 =	simm.s32 $0x200;
	s12 =	rddreg [dreg:$0x8]  }
0x3d: {  	[tilespmem:s13], [sflag:$0xB] =	stream.linear.gather [hbm4b:s12+s4], $0x100, $0x38;
	[tilespmem:$0x1E500] =	vst v63  }
0x3e: {  	_ =	swait.ge [sflag:s20], $0x100  }
0x3f: {  	[sflag:s20] =	ssyncset.done $0x0  }
0x40: {  	[sflag:s20] =	ssyncadd.s32 $0xFFFFFF00  }
0x41: {  	[tilespmem:s26], [sflag:$0x3] =	stream.indirect.gather [hbm4b:s2+s21], $0x80, s13, s21, $0xb8;
	[tilespmem:$0x1E500] =	vst v63  }
0x42: {  	s23 =	simm.s32 $0x300;
	s19 =	rddreg [dreg:$0x9]  }
0x43: {  	[tilespmem:s23], [sflag:$0xB] =	stream.linear.gather [hbm4b:s19+s4], $0x100, $0x38;
	[tilespmem:$0x1E500] =	vst v63  }
0x44: {  	_ =	swait.ge [sflag:s20], $0x100  }
0x45: {  	[sflag:s20] =	ssyncset.done $0x0  }
0x46: {  	s25 =	simm.s32 $0x6500;
	[sflag:s20] =	ssyncadd.s32 $0xFFFFFF00  }
0x47: {  	[tilespmem:s25], [sflag:$0x4] =	stream.indirect.gather [hbm4b:s2+s21], $0x80, s23, s21, $0xb8;
	[tilespmem:$0x1E500] =	vst v63  }
0x48: {  	s11 =	simm.s32 $0x0;
	s28 =	rddreg [dreg:$0xa]  }
0x49: {  	[tilespmem:s30], [sflag:$0xA] =	stream.linear.gather [hbm4b:s28+s4], $0x100, $0x38;
	[tilespmem:$0x1E500] =	vst v63  }
.LBB2_2:
0x4a: {  	_ =	swait.ge [sflag:s31], $0x100  }
0x4b: {  	[sflag:s31] =	ssyncset.done $0x0  }
0x4c: {  	[sflag:s31] =	ssyncadd.s32 $0xFFFFFF00  }
0x4d: {  	[tilespmem:s0], [sflag:$0x5] =	stream.indirect.gather [hbm4b:s2+s21], $0x80, s30, s21, $0xb8;
	[tilespmem:$0x1E500] =	vst v63  }
0x4e: {  	_ =	swait.ge [sflag:s1], $0x2000  }
0x4f: {  	[sflag:s1] =	ssyncset.done $0x0  }
0x50: {  	[sflag:s1] =	ssyncadd.s32 $0xFFFFE000  }
0x51: {  	[spmem:s3] =	stream.indirect.scatter.add.f32 [tilespmem:s22], [sflag:$0xB], $0x80, s24, s21, $0xb8;
	[tilespmem:$0x1E500] =	vst v63  }
0x52: {  	_ =	swait.ge [sflag:s20], $0x2000  }
0x53: {  	p0 =	seq.s32 s11, $0x1360;
	[sflag:s20] =	ssyncset.done $0x0  }
0x54: {  	s12 =	simm.s32 @p0 $0x2;
	[sflag:s20] =	ssyncadd.s32 $0xFFFFE000  }
0x55: {  	_ =	swait.ge @p0 [sflag:s12], $0x2000  }
0x56: {  	s7 =	simm.s32 @p0 $0x40;
	s13 =	simm.s32 @p0 $0x2500;
	[sflag:s12] =	ssyncset.done @p0 $0x0  }
0x57: {  	s23 =	simm.s32 @p0 $0xB;
	[sflag:s12] =	ssyncadd.s32 @p0 $0xFFFFE000;
	s12 =	simm.s32 @p0 $0x180  }
0x58: {  	[spmem:s3] =	stream.indirect.scatter.add.f32 @p0 [tilespmem:s13], [sflag:$0xB], $0x80, s12, s7, $0xb8;
	[tilespmem:$0x1E500] =	vst v63  }
0x59: {  	_ =	swait.ge @p0 [sflag:s23], $0x2000  }
0x5a: {  	[sflag:s23] =	ssyncset.done @p0 $0x0  }
0x5b: {  	s13 =	sadd.s32 @!p0 s11, s18;
	s12 =	simm.s32 @!p0 $0x0;
	[sflag:s23] =	ssyncadd.s32 @p0 $0xFFFFE000  }
0x5c: {  	[tilespmem:s12], [sflag:$0x6] =	stream.linear.gather @!p0 [hbm4b:s13+s12], $0x100, $0x38;
	[tilespmem:$0x1E500] =	vst v63  }
0x5d: {  	s13 =	simm.s32 @!p0 $0x6  }
0x5e: {  	_ =	swait.ge @!p0 [sflag:s13], $0x100  }
0x5f: {  	[sflag:s13] =	ssyncset.done @!p0 $0x0  }
0x60: {  	s25 =	simm.s32 @!p0 $0x500;
	[sflag:s13] =	ssyncadd.s32 @!p0 $0xFFFFFF00;
	s13 =	simm.s32 @!p0 $0x40  }
0x61: {  	[tilespmem:s25], [sflag:$0x1] =	stream.indirect.gather @!p0 [hbm4b:s2+s13], $0x80, s12, s13, $0xb8;
	[tilespmem:$0x1E500] =	vst v63  }
0x62: {  	s25 =	simm.s32 @!p0 $0x2  }
0x63: {  	_ =	swait.ge @!p0 [sflag:s25], $0x2000  }
0x64: {  	[sflag:s25] =	ssyncset.done @!p0 $0x0  }
0x65: {  	s28 =	simm.s32 @!p0 $0x2500;
	[sflag:s25] =	ssyncadd.s32 @!p0 $0xFFFFE000;
	s25 =	simm.s32 @!p0 $0x180  }
0x66: {  	[spmem:s3] =	stream.indirect.scatter.add.f32 @!p0 [tilespmem:s28], [sflag:$0xB], $0x80, s25, s13, $0xb8;
	[tilespmem:$0x1E500] =	vst v63  }
0x67: {  	s25 =	simm.s32 @!p0 $0xB  }
0x68: {  	_ =	swait.ge @!p0 [sflag:s25], $0x2000  }
0x69: {  	[sflag:s25] =	ssyncset.done @!p0 $0x0  }
0x6a: {  	s6 =	sadd.s32 @!p0 s11, s17;
	s19 =	simm.s32 @!p0 $0x100;
	[sflag:s25] =	ssyncadd.s32 @!p0 $0xFFFFE000  }
0x6b: {  	[tilespmem:s19], [sflag:$0x7] =	stream.linear.gather @!p0 [hbm4b:s6+s12], $0x100, $0x38;
	[tilespmem:$0x1E500] =	vst v63  }
0x6c: {  	s6 =	simm.s32 @!p0 $0x7  }
0x6d: {  	_ =	swait.ge @!p0 [sflag:s6], $0x100  }
0x6e: {  	[sflag:s6] =	ssyncset.done @!p0 $0x0  }
0x6f: {  	[sflag:s6] =	ssyncadd.s32 @!p0 $0xFFFFFF00  }
0x70: {  	[tilespmem:s28], [sflag:$0x2] =	stream.indirect.gather @!p0 [hbm4b:s2+s13], $0x80, s19, s13, $0xb8;
	[tilespmem:$0x1E500] =	vst v63  }
0x71: {  	_ =	swait.ge [sflag:s29], $0x2000  }
0x72: {  	[sflag:s29] =	ssyncset.done $0x0  }
0x73: {  	[sflag:s29] =	ssyncadd.s32 $0xFFFFE000  }
0x74: {  	[spmem:s3] =	stream.indirect.scatter.add.f32 [tilespmem:s26], [sflag:$0xB], $0x80, s5, s21, $0xb8;
	[tilespmem:$0x1E500] =	vst v63  }
0x75: {  	_ =	swait.ge [sflag:s20], $0x2000  }
0x76: {  	[sflag:s20] =	ssyncset.done $0x0  }
0x77: {  	s6 =	simm.s32 @p0 $0x4;
	[sflag:s20] =	ssyncadd.s32 $0xFFFFE000  }
0x78: {  	_ =	swait.ge @p0 [sflag:s6], $0x2000  }
0x79: {  	[sflag:s6] =	ssyncset.done @p0 $0x0  }
0x7a: {  	s19 =	simm.s32 @p0 $0x6500;
	[sflag:s6] =	ssyncadd.s32 @p0 $0xFFFFE000;
	s6 =	simm.s32 @p0 $0x380  }
0x7b: {  	[spmem:s3] =	stream.indirect.scatter.add.f32 @p0 [tilespmem:s19], [sflag:$0xB], $0x80, s6, s7, $0xb8;
	[tilespmem:$0x1E500] =	vst v63  }
0x7c: {  	_ =	swait.ge @p0 [sflag:s23], $0x2000  }
0x7d: {  	[sflag:s23] =	ssyncset.done @p0 $0x0  }
0x7e: {  	s6 =	sadd.s32 @!p0 s11, s16;
	s7 =	simm.s32 @!p0 $0x200;
	[sflag:s23] =	ssyncadd.s32 @p0 $0xFFFFE000  }
0x7f: {  	[tilespmem:s7], [sflag:$0x8] =	stream.linear.gather @!p0 [hbm4b:s6+s12], $0x100, $0x38;
	[tilespmem:$0x1E500] =	vst v63  }
0x80: {  	s6 =	simm.s32 @!p0 $0x8  }
0x81: {  	_ =	swait.ge @!p0 [sflag:s6], $0x100  }
0x82: {  	[sflag:s6] =	ssyncset.done @!p0 $0x0  }
0x83: {  	[sflag:s6] =	ssyncadd.s32 @!p0 $0xFFFFFF00;
	s6 =	simm.s32 @!p0 $0x4500  }
0x84: {  	[tilespmem:s6], [sflag:$0x3] =	stream.indirect.gather @!p0 [hbm4b:s2+s13], $0x80, s7, s13, $0xb8;
	[tilespmem:$0x1E500] =	vst v63  }
0x85: {  	s6 =	simm.s32 @!p0 $0x4  }
0x86: {  	_ =	swait.ge @!p0 [sflag:s6], $0x2000  }
0x87: {  	[sflag:s6] =	ssyncset.done @!p0 $0x0  }
0x88: {  	s7 =	simm.s32 @!p0 $0x6500;
	[sflag:s6] =	ssyncadd.s32 @!p0 $0xFFFFE000;
	s6 =	simm.s32 @!p0 $0x380  }
0x89: {  	[spmem:s3] =	stream.indirect.scatter.add.f32 @!p0 [tilespmem:s7], [sflag:$0xB], $0x80, s6, s13, $0xb8;
	[tilespmem:$0x1E500] =	vst v63  }
0x8a: {  	_ =	swait.ge @!p0 [sflag:s25], $0x2000  }
0x8b: {  	[sflag:s25] =	ssyncset.done @!p0 $0x0  }
0x8c: {  	s19 =	simm.s32 @!p0 $0x300;
	s6 =	sadd.s32 @!p0 s11, s15;
	[sflag:s25] =	ssyncadd.s32 @!p0 $0xFFFFE000  }
0x8d: {  	[tilespmem:s19], [sflag:$0x9] =	stream.linear.gather @!p0 [hbm4b:s6+s12], $0x100, $0x38;
	[tilespmem:$0x1E500] =	vst v63  }
0x8e: {  	s6 =	simm.s32 @!p0 $0x9  }
0x8f: {  	_ =	swait.ge @!p0 [sflag:s6], $0x100  }
0x90: {  	[sflag:s6] =	ssyncset.done @!p0 $0x0  }
0x91: {  	[sflag:s6] =	ssyncadd.s32 @!p0 $0xFFFFFF00  }
0x92: {  	[tilespmem:s7], [sflag:$0x4] =	stream.indirect.gather @!p0 [hbm4b:s2+s13], $0x80, s19, s13, $0xb8;
	[tilespmem:$0x1E500] =	vst v63  }
0x93: {  	_ =	swait.ge [sflag:s8], $0x2000  }
0x94: {  	[sflag:s8] =	ssyncset.done $0x0  }
.Ltmp2:
0x95: {  	[sflag:s8] =	ssyncadd.s32 $0xFFFFE000;
	(pc) =	sbr.rel @p0 .LBB2_4-.Ltmp2, $4  }
0x96: {  	[spmem:s3] =	stream.indirect.scatter.add.f32 [tilespmem:s0], [sflag:$0xB], $0x80, s9, s21, $0xb8;
	[tilespmem:$0x1E500] =	vst v63  }
0x97: {  	_ =	swait.ge [sflag:s20], $0x2000  }
0x98: {  	[sflag:s20] =	ssyncset.done $0x0  }
0x99: {  	[sflag:s20] =	ssyncadd.s32 $0xFFFFE000  }
.Ltmp3:
0x9a: {  	(pc) =	sbr.rel .LBB2_2-.Ltmp3, $3  }
0x9b: {  	_ =	sdelay $0x1  }
0x9c: {  	s6 =	sadd.s32 s11, s14;
	s11 =	sadd.s32 $0xA0, s11  }
0x9d: {  	[tilespmem:s30], [sflag:$0xA] =	stream.linear.gather [hbm4b:s6+s4], $0x100, $0x38;
	[tilespmem:$0x1E500] =	vst v63  }
.LBB2_5:
0x9e: {  	_ =	sfence.sel $0x180000  }
0x9f: {  	[bflag:$0x0] =	sbarrier.arrive $0xFFFF  }
0xa0: {  	_ =	strace $0x9000004A  }
0xa1: {  	s0 =	stileid.u32;
	[bflag:$0x2] =	sbarrier.arrive $0xFFFF  }
0xa2: {  	p0 =	sne.s32 s0, $0x0;
	s0 =	rddreg [dreg:$0x3]  }
0xa3: {  	s0 =	sadd.s32 @!p0 $0x100000, s0  }
0xa4: {  	[sflag:s0] =	ssyncadd.tile.s32 @!p0 $0x1;
	_ =	shalt  }
.Lfunc_end2:
_tile_overlayer_lowered:
.L_overlay_start_2:
0xa5: {  	(tag) =	ssettag $0x2  }
0xa6: {  	s0 =	rddreg [dreg:$0x0];
	s2 =	stileid.u32  }
0xa7: {  	s1 =	rddreg [dreg:$0x1];
	p0 =	sne.s32 s2, $0x0  }
0xa8: {  	s3 =	rddreg [dreg:$0x2];
	[bflag:$0x3] =	sbarrier.arrive $0xFFFF;
	s2 =	simm.s32 @!p0 $0x1C0B  }
0xa9: {  	[timem:s3], [sflag:s2] =	dma.local @!p0 [hbm:s0], s1  }
0xaa: {  	s0 =	simm.s32 @!p0 $0xB  }
0xab: {  	_ =	swait.ge @!p0 [sflag:s0], s1  }
0xac: {  	s1 =	ssub.s32 @!p0 $0x0, s1;
	[sflag:s0] =	ssyncset.done @!p0 $0x0  }
0xad: {  	[sflag:s0] =	ssyncadd.s32 @!p0 s1  }
0xae: {  	[bflag:$0x3] =	sbarrier.arrive $0xFFFF  }
0xaf: {  	_ =	shalt  }

// kernel: kernel.7.cloned.1.call-start
scs
__scs_entry_jumppad:
0x0: {  	(pc) =	sbr.rel $0x88, $3  }
0x1: {  	(tag) =	ssettag $0x0;
	lr =	simm.s32 $0x1  }
0x2: {  	[smem:$0x3F9D] =	sst lr;
	_ =	strace $0xD0000000  }
0x3: {  	_ = 	snop  }
0x4: {  	_ = 	snop  }
0x5: {  	_ = 	snop  }
0x6: {  	_ = 	snop  }
0x7: {  	_ = 	snop  }
__scs_overlays_trampoline_lowered:
0x8: {  	[smem:$0x3FAC] =	sst s0  }
0x9: {  	[smem:$0x3FAD] =	sst s1  }
0xa: {  	[smem:$0x3FAE] =	sst s2  }
0xb: {  	[smem:$0x3FAF] =	sst s3  }
0xc: {  	[smem:$0x3FB0] =	sst s4  }
0xd: {  	[smem:$0x3FB1] =	sst s5  }
0xe: {  	[smem:$0x3FB2] =	sst s6  }
0xf: {  	[smem:$0x3FB3] =	sst s7  }
0x10: {  	[smem:$0x3FB4] =	sst s8  }
0x11: {  	[smem:$0x3FB5] =	sst s9;
	s0 =	simm.s32 @!p0 $0x0  }
0x12: {  	s1 =	sld [smem:$0x3F9B];
	s0 =	simm.s32 @p0 $0x1  }
0x13: {  	[smem:$0x3FB6] =	sst s0;
	s0 =	simm.s32 @!p1 $0x0  }
0x14: {  	s2 =	sld [smem:$0x3F9A];
	s0 =	simm.s32 @p1 $0x1  }
0x15: {  	[smem:$0x3FB7] =	sst s0;
	s0 =	simm.s32 @!p2 $0x0  }
0x16: {  	s3 =	sld [smem:$0x3FDB];
	s0 =	simm.s32 @p2 $0x1  }
0x17: {  	s4 =	simm.s32 $0x1BF5;
	[smem:$0x3FB9] =	sst s0  }
0x18: {  	s0 =	sld [smem:$0x3F9C];
	_ =	swait.ge [sflag:s4], $0x0  }
0x19: {  	s7 =	sld [smem:$0x3F9D]  }
0x1a: {  	s8 =	sadd.s32 $0xFFFFE003, lr  }
0x1b: {  	s9 =	sadd.s32 $0xFFFFFEF7, lr;
	s5 =	simm.s32 $0xFFFFFFFF;
	p2 =	slt.u32 s8, $0xFFFFF086  }
0x1c: {  	p1 =	slt.u32 s9, $0xF7A;
	s5 =	simm.s32 @!p2 $0x0  }
0x1d: {  	s5 =	simm.s32 @p1 $0x1;
	p0 =	seq.s32 s7, s2  }
0x1e: {  	s7 =	smul.u32 @!p0 $0xF7A, s2;
	p2 =	seq.s32 @!p0 s5, $0x0  }
0x1f: {  	s9 =	smul.u32 $0xF7A, s1;
	s8 =	simm.s32 @!p0 $0x1BF5;
	p2 =	por !p2, p0  }
0x20: {  	[sflag:s8] =	ssyncset.s32 @!p0 $0xFFFFF086;
	s6 =	sadd.s32 @!p0 s3, s7;
	s7 =	simm.s32 @!p0 $0x108  }
0x21: {  	s3 =	sadd.s32 s3, s9;
	s6 =	sadd.s32 @!p0 $0x88, s6;
	s7 =	simm.s32 @p2 $0x1082  }
0x22: {  	[simem:s7], [sflag:s8] =	dma.local @!p0 [hbm:s6], $0xF7A  }
0x23: {  	s9 =	sor.u32 $0xD0000000, s2;
	s6 =	simm.s32 $0x108;
	_ =	swait.ge @!p0 [sflag:s8], $0x0  }
0x24: {  	s3 =	sadd.s32 $0x88, s3;
	s6 =	simm.s32 @!p1 $0x1082;
	[sflag:s4] =	ssyncset.s32 $0xFFFFF086  }
0x25: {  	[simem:s6], [sflag:s4] =	dma.local [hbm:s3], $0xF7A  }
0x26: {  	[smem:$0x3F9D] =	sst s1;
	(tag) =	ssettag s2;
	_ =	strace s9  }
0x27: {  	s1 =	sld [smem:$0x3FAD]  }
0x28: {  	s2 =	sld [smem:$0x3FAE]  }
0x29: {  	s4 =	sld [smem:$0x3FB0]  }
0x2a: {  	p0 =	seq.s32 s5, $0x0;
	s5 =	sld [smem:$0x3FB1]  }
0x2b: {  	s6 =	sld [smem:$0x3FB2]  }
0x2c: {  	s7 =	sld [smem:$0x3FB3]  }
0x2d: {  	s3 =	simm.s32 $0x108;
	s8 =	sld [smem:$0x3FB4]  }
0x2e: {  	s3 =	simm.s32 @!p0 $0x1082;
	s9 =	sld [smem:$0x3FB5]  }
0x2f: {  	lr =	sadd.s32 s0, s3;
	s0 =	sld [smem:$0x3FAC]  }
0x30: {  	s3 =	sld [smem:$0x3FAF]  }
0x31: {  	[smem:$0x3FB8] =	sst s10  }
0x32: {  	s10 =	sld [smem:$0x3FB6];
	_ =	sdelay $0x3  }
0x33: {  	p0 =	seq.s32 s10, $0x1;
	s10 =	sld [smem:$0x3FB8];
	_ =	sdelay $0x3  }
0x34: {  	[smem:$0x3FB8] =	sst s10  }
0x35: {  	s10 =	sld [smem:$0x3FB7];
	_ =	sdelay $0x3  }
0x36: {  	p1 =	seq.s32 s10, $0x1;
	s10 =	sld [smem:$0x3FB8];
	_ =	sdelay $0x3  }
0x37: {  	[smem:$0x3FB8] =	sst s10  }
0x38: {  	s10 =	sld [smem:$0x3FB9]  }
0x39: {  	_ = 	snop;
	(pc) =	sbr.ind lr, $3  }
0x3a: {  	_ = 	snop  }
0x3b: {  	_ = 	snop  }
0x3c: {  	p2 =	seq.s32 s10, $0x1;
	s10 =	sld [smem:$0x3FB8]  }
0x3d: {  	_ =	shalt  }
0x3e: {  	_ =	shalt  }
0x3f: {  	_ =	shalt  }
0x40: {  	_ =	shalt  }
0x41: {  	_ =	shalt  }
0x42: {  	_ =	shalt  }
0x43: {  	_ =	shalt  }
0x44: {  	_ =	shalt  }
0x45: {  	_ =	shalt  }
0x46: {  	_ =	shalt  }
0x47: {  	_ =	shalt  }
0x48: {  	_ =	shalt  }
0x49: {  	_ =	shalt  }
0x4a: {  	_ =	shalt  }
0x4b: {  	_ =	shalt  }
0x4c: {  	_ =	shalt  }
0x4d: {  	_ =	shalt  }
0x4e: {  	_ =	shalt  }
0x4f: {  	_ =	shalt  }
0x50: {  	_ =	shalt  }
0x51: {  	_ =	shalt  }
0x52: {  	_ =	shalt  }
0x53: {  	_ =	shalt  }
0x54: {  	_ =	shalt  }
0x55: {  	_ =	shalt  }
0x56: {  	_ =	shalt  }
0x57: {  	_ =	shalt  }
0x58: {  	_ =	shalt  }
0x59: {  	_ =	shalt  }
0x5a: {  	_ =	shalt  }
0x5b: {  	_ =	shalt  }
0x5c: {  	_ =	shalt  }
0x5d: {  	_ =	shalt  }
0x5e: {  	_ =	shalt  }
0x5f: {  	_ =	shalt  }
0x60: {  	_ =	shalt  }
0x61: {  	_ =	shalt  }
0x62: {  	_ =	shalt  }
0x63: {  	_ =	shalt  }
0x64: {  	_ =	shalt  }
0x65: {  	_ =	shalt  }
0x66: {  	_ =	shalt  }
0x67: {  	_ =	shalt  }
0x68: {  	_ =	shalt  }
0x69: {  	_ =	shalt  }
0x6a: {  	_ =	shalt  }
0x6b: {  	_ =	shalt  }
0x6c: {  	_ =	shalt  }
0x6d: {  	_ =	shalt  }
0x6e: {  	_ =	shalt  }
0x6f: {  	_ =	shalt  }
0x70: {  	_ =	shalt  }
0x71: {  	_ =	shalt  }
0x72: {  	_ =	shalt  }
0x73: {  	_ =	shalt  }
0x74: {  	_ =	shalt  }
0x75: {  	_ =	shalt  }
0x76: {  	_ =	shalt  }
0x77: {  	_ =	shalt  }
0x78: {  	_ =	shalt  }
0x79: {  	_ =	shalt  }
0x7a: {  	_ =	shalt  }
0x7b: {  	_ =	shalt  }
0x7c: {  	_ =	shalt  }
0x7d: {  	_ =	shalt  }
0x7e: {  	_ =	shalt  }
0x7f: {  	_ =	shalt  }
0x80: {  	_ =	shalt  }
0x81: {  	_ =	shalt  }
0x82: {  	_ =	shalt  }
0x83: {  	_ =	shalt  }
0x84: {  	_ =	shalt  }
0x85: {  	_ =	shalt  }
0x86: {  	_ =	shalt  }
0x87: {  	_ =	shalt  }
.Lfunc_end0:
.L_simem_size_0:
called_computation.1_lowered:
.L_overlay_start_0:
0x88: {  	s2 =	sld [smem:$0x3FD9]  }
0x89: {  	s3 =	sld [smem:$0x3FFE];
	_ =	sdelay $0x1  }
0x8a: {  	s1 =	srdreg.scid  }
0x8b: {  	s0 =	sand.u32 $0x1, s1  }
0x8c: {  	s17 =	sshll.u32 s0, $0xA;
	s2 =	sadd.s32 s3, s2  }
0x8d: {  	s2 =	sadd.s32 s2, s17  }
0x8e: {  	[smem:$0x3FC4] =	sst s2  }
0x8f: {  	_ = 	snop  }
0x90: {  	s2 =	sld [smem:$0x3FD0];
	(tm) =	ssettm $0x1  }
0x91: {  	s18 =	sld [smem:$0x3FFB];
	_ =	sdelay $0x3  }
0x92: {  	_ =	strace s18  }
0x93: {  	s3 =	sld [smem:$0x3FFC];
	_ =	sdelay $0x3  }
0x94: {  	_ =	strace s3  }
0x95: {  	s3 =	sld [smem:$0x3FFD];
	_ =	sdelay $0x3  }
0x96: {  	_ =	strace s3  }
0x97: {  	_ =	strace $0x8FFFFFFF  }
0x98: {  	s19 =	sld [smem:$0x3FDB];
	_ =	sdelay $0x1  }
0x99: {  	s4 =	simm.s32 $_scs_section_size  }
0x9a: {  	s5 =	simm.s32 $_size__tile_overlayer_lowered;
	s6 =	simm.s32 $_tile_overlayer_lowered  }
0x9b: {  	s22 =	simm.s32 $0x1BFF;
	s21 =	sshll.u32 s6, $0x1;
	s3 =	sadd.s32 s4, s19  }
0x9c: {  	s7 =	simm.s32 $0x0;
	s20 =	sshll.u32 s5, $0x1;
	s5 =	sadd.s32 s21, s3  }
0x9d: {  	[timem:s7], [sflag:s22] =	dma.local [hbm:s5], s20  }
0x9e: {  	_ =	swait.ge [sflag:s22], s20  }
0x9f: {  	s4 =	ssub.s32 $0x0, s20;
	[sflag:s22] =	ssyncset.done $0x0  }
0xa0: {  	[sflag:s22] =	ssyncadd.s32 s4;
	_ =	sdelay $0x1  }
0xa1: {  	s23 =	simm.s32 $0x1B8B  }
0xa2: {  	_ =	swait.ge [sflag:s23], $0x1  }
0xa3: {  	[sflag:s23] =	ssyncset.done $0x0  }
0xa4: {  	s25 =	simm.s32 $0x1B8E;
	s24 =	sld [smem:$0x3FFE];
	[sflag:s23] =	ssyncadd.s32 $0xFFFFFFFF  }
0xa5: {  	s26 =	simm.s32 $execute0_lowered;
	[smem:$0x3FD2] =	sst s25  }
0xa6: {  	s5 =	sshll.u32 s26, $0x1;
	_ =	strace $0x80000046;
	[dreg:$0x1] =	wrdreg $0xFFFFFFFF  }
0xa7: {  	s28 =	simm.s32 $_size_execute0_lowered;
	s3 =	sadd.s32 s3, s5;
	[dreg:$0x0] =	wrdreg $0x0  }
0xa8: {  	s5 =	sshll.u32 s28, $0x1;
	[dreg:$0x2] =	wrdreg s3  }
0xa9: {  	[dreg:$0x3] =	wrdreg s5  }
0xaa: {  	[dreg:$0x4] =	wrdreg $0xC0  }
0xab: {  	_ =	task [dreg:s7], $0x5FFFF  }
0xac: {  	[dreg:$0x1] =	wrdreg $0xFFFFFFFF  }
0xad: {  	[dreg:$0x0] =	wrdreg $0x60  }
0xae: {  	[dreg:$0x2] =	wrdreg s24  }
0xaf: {  	[dreg:$0x3] =	wrdreg s2  }
0xb0: {  	[dreg:$0x4] =	wrdreg $0x70000  }
0xb1: {  	[dreg:$0x5] =	wrdreg $0x9  }
0xb2: {  	_ =	task.clear_ibuf [dreg:s7], $0x6FFFF;
	_ =	strace $0x90000046  }
0xb3: {  	s29 =	simm.s32 $0x9;
	_ =	strace $0x80000048  }
0xb4: {  	_ =	swait.ge [sflag:s29], $0x1  }
0xb5: {  	[sflag:s29] =	ssyncadd.s32 $0xFFFFFFFF  }
0xb6: {  	_ =	strace $0x90000048  }
0xb7: {  	_ =	sfence  }
0xb8: {  	s30 =	sld [smem:$0x0];
	_ =	sdelay $0x2  }
0xb9: {  	s31 =	sshll.u32 s1, $0xD;
	s1 =	sshrl.u32 s1, $0x2  }
0xba: {  	s3 =	sand.u32 $0x4000, s31;
	s1 =	sadd.s32 s1, s30  }
0xbb: {  	s0 =	sor.u32 s3, s0;
	s1 =	sshll.u32 s1, $0x11  }
0xbc: {  	s0 =	sor.u32 s1, s0  }
0xbd: {  	s0 =	sadd.s32 $0x8F2B, s0  }
0xbe: {  	[sflag:s0] =	ssyncadd.remote.s32 $0x1  }
0xbf: {  	_ =	sfence.sel $0xFFFF  }
0xc0: {  	[dreg:$0x0] =	wrdreg $0xFFFFFFFF;
	(pc) =	sbr.abs _section_cstart, $3  }
0xc1: {  	[dreg:$0x1] =	wrdreg $0xFFFFFFFF  }
0xc2: {  	_ =	task.clear_ibuf [dreg:s7], $0x2FFFF;
	_ =	strace $0x9FFFFFFF  }
0xc3: {  	(tm) =	ssettm $0x7FFFFFFF  }
tec
execute0_lowered:
.L_overlay_start_1:
0x0: {  	(tag) =	ssettag $0x1  }
0x1: {  	s5 =	rddreg [dreg:$0x0]  }
0x2: {  	s7 =	rddreg [dreg:$0x1];
	s0 =	stileid.u32  }
0x3: {  	s1 =	srdreg.scid;
	s2 =	rddreg [dreg:$0x2]  }
0x4: {  	s3 =	simm.s32 $0x0;
	s13 =	simm.s32 $0x40;
	s14 =	simm.s32 $0x0  }
0x5: {  	s4 =	smul.u32 $0x14000, s0;
	s6 =	sand.u32 $0x1, s1;
	s1 =	rddreg [dreg:$0x3]  }
0x6: {  	[smem:$0x7FF] =	sst s3;
	s11 =	smul.u32 $0x50000, s0;
	s31 =	sshll.u32 s0, $0x6  }
0x7: {  	s8 =	smul.u32 $0x140000, s6;
	_ =	strace $0x80000047;
	s10 =	ssub.s32 $0x2, s6  }
0x8: {  	s6 =	sshll.u32 s6, $0x4;
	s9 =	sshrl.u32 s4, $0x3;
	s28 =	sshrl.u32 s10, $0x1  }
0x9: {  	s6 =	sor.u32 s0, s6;
	s29 =	sshrl.u32 s11, $0x2;
	s11 =	simm.s32 $0x1  }
0xa: {  	s8 =	sadd.s32 s4, s8;
	s4 =	sadd.s32 $0x2600, s5;
	s9 =	sadd.s32 s9, s5  }
0xb: {  	s10 =	ssub.s32 s10, s28;
	s30 =	smul.u32 $0xA00, s6;
	s8 =	sshrl.u32 s8, $0x3  }
0xc: {  	s12 =	sadd.s32 s29, s2;
	s6 =	sor.u32 $0x1C01, s31;
	s8 =	sadd.s32 s8, s5  }
0xd: {  	s5 =	sadd.s32 $0x2A00, s9;
	s7 =	sadd.s32 s7, s30;
	s9 =	smax.u32 s10, $0x1  }
0xe: {  	s10 =	sshrl.u32 s12, $0x3;
	s12 =	simm.s32 $0x5000;
	s8 =	sadd.s32 $0x2AA00, s8  }
.LBB2_1:
0xf: {  	[spmem:s10], [sflag:s6] =	dma.local [hbm:s5], $0x2800  }
0x10: {  	_ =	swait.ge [sflag:s11], $0x2800  }
0x11: {  	[sflag:s11] =	ssyncset.done $0x0  }
0x12: {  	[sflag:s11] =	ssyncadd.s32 $0xFFFFD800  }
0x13: {  	[tilespmem:s3], [sflag:$0x1] =	stream.linear.gather [hbm4b:s7+s3], $0x5000, $0x38;
	[tilespmem:$0x1B000] =	vst v63  }
0x14: {  	_ =	swait.ge [sflag:s11], $0x5000  }
0x15: {  	[sflag:s11] =	ssyncset.done $0x0  }
0x16: {  	[sflag:s11] =	ssyncadd.s32 $0xFFFFB000  }
0x17: {  	[tilespmem:s12], [sflag:$0x1] =	stream.linear.gather [hbm4b:s4+s3], $0x2000, $0x38;
	[tilespmem:$0x1B000] =	vst v63  }
0x18: {  	_ =	swait.ge [sflag:s11], $0x2000  }
0x19: {  	[sflag:s11] =	ssyncset.done $0x0  }
0x1a: {  	[sflag:s11] =	ssyncadd.s32 $0xFFFFE000  }
0x1b: {  	s15 =	simm.s32 $0x0;
	[bflag:$0x0] =	sbarrier.arrive $0xFFFF  }
0x1c: {  	[spmem:s2] =	stream.indirect.scatter.add.f32 [tilespmem:s12], [sflag:$0x1], $0x80, s15, s13, $0xb8;
	[tilespmem:$0x1B000] =	vst v63  }
0x1d: {  	_ =	swait.ge [sflag:s11], $0x2000  }
0x1e: {  	s15 =	simm.s32 $0x200;
	[sflag:s11] =	ssyncset.done $0x0  }
.LBB2_2:
0x1f: {  	s16 =	sshra.s32 s15, $0x2;
	[sflag:s11] =	ssyncadd.s32 $0xFFFFE000;
	p0 =	sne.s32 s15, $0x13E00  }
0x20: {  	[spmem:s2] =	stream.indirect.scatter.add.f32 [tilespmem:s12], [sflag:$0x1], $0x80, s16, s13, $0xb8;
	[tilespmem:$0x1B000] =	vst v63  }
.Ltmp0:
0x21: {  	_ = 	snop;
	(pc) =	sbr.rel @p0 .LBB2_2-.Ltmp0, $4  }
0x22: {  	_ = 	snop  }
0x23: {  	s15 =	sadd.s32 $0x200, s15  }
0x24: {  	_ =	swait.ge [sflag:s11], $0x2000  }
0x25: {  	[sflag:s11] =	ssyncset.done $0x0  }
0x26: {  	s14 =	sadd.s32 $0x1, s14  }
0x27: {  	[sflag:s11] =	ssyncadd.s32 $0xFFFFE000;
	p0 =	sne.s32 s14, s9  }
.Ltmp1:
0x28: {  	[bflag:$0x0] =	sbarrier.arrive $0xFFFF;
	(pc) =	sbr.rel @p0 .LBB2_1-.Ltmp1, $4  }
0x29: {  	[hbm:s8], [sflag:s6] =	dma.local [spmem:s10], $0x2800  }
0x2a: {  	_ =	swait.ge [sflag:s11], $0x2800  }
0x2b: {  	[sflag:s11] =	ssyncset.done $0x0  }
0x2c: {  	[sflag:s11] =	ssyncadd.s32 $0xFFFFD800  }
0x2d: {  	_ =	sfence.sel $0x180000  }
0x2e: {  	[bflag:$0x0] =	sbarrier.arrive $0xFFFF  }
0x2f: {  	p0 =	sne.s32 s0, $0x0;
	_ =	strace $0x90000047  }
0x30: {  	s0 =	sadd.s32 @!p0 $0x100000, s1;
	[bflag:$0x2] =	sbarrier.arrive $0xFFFF  }
0x31: {  	[sflag:s0] =	ssyncadd.tile.s32 @!p0 $0x1;
	_ =	shalt  }
.Lfunc_end2:
_tile_overlayer_lowered:
.L_overlay_start_2:
0x32: {  	(tag) =	ssettag $0x2  }
0x33: {  	s0 =	rddreg [dreg:$0x0];
	s2 =	stileid.u32  }
0x34: {  	s1 =	rddreg [dreg:$0x1];
	p0 =	sne.s32 s2, $0x0  }
0x35: {  	s3 =	rddreg [dreg:$0x2];
	[bflag:$0x3] =	sbarrier.arrive $0xFFFF;
	s2 =	simm.s32 @!p0 $0x1C01  }
0x36: {  	[timem:s3], [sflag:s2] =	dma.local @!p0 [hbm:s0], s1  }
0x37: {  	s0 =	simm.s32 @!p0 $0x1  }
0x38: {  	_ =	swait.ge @!p0 [sflag:s0], s1  }
0x39: {  	s1 =	ssub.s32 @!p0 $0x0, s1;
	[sflag:s0] =	ssyncset.done @!p0 $0x0  }
0x3a: {  	[sflag:s0] =	ssyncadd.s32 @!p0 s1  }
0x3b: {  	[bflag:$0x3] =	sbarrier.arrive $0xFFFF  }
0x3c: {  	_ =	shalt  }

</sc_bundles>
